<compile_context>
chip_gen: v7x
topology: tpu7x:2x2x1
jax: 0.10.2.dev20260603
libtpu: 0.0.44.dev20260713+nightly
codegen_flags: <defaults>
</compile_context>

<pallas_src>
import functools
import math

import jax
import jax.numpy as jnp
import numpy as np
from jax import lax
from jax.experimental import pallas as pl
from jax.experimental.pallas import tpu as pltpu
from jax.experimental.pallas import tpu_sc as plsc

TEXT_VOCAB = 100000
N_CLASSES = 1000
HIDDEN = 128
BATCH = 4096
SEQ = 200

NC = 2
NS = 16
NW = NC * NS
LANES = 16

BATCH_A = 1024
BATCH_B = BATCH - BATCH_A
BPW_A = BATCH_A // NW
BPW_B = BATCH_B // NW

_S0 = 104
_S1 = SEQ - _S0

_INV_SEQ = 1.0 / SEQ
_INV_SCALE = 1.0 / math.sqrt(float(HIDDEN))

PACK = HIDDEN // 2
HALF_V = TEXT_VOCAB // 2

_PERM = np.empty(HIDDEN, dtype=np.int32)
for _h in range(HIDDEN // 32):
    for _j in range(16):
        _PERM[32 * _h + _j] = 16 * _h + _j
        _PERM[32 * _h + 16 + _j] = 64 + 16 * _h + _j


_PACK_GRID = 25
_PACK_ROWS = HALF_V // _PACK_GRID
_TXT_WORDS = BATCH * SEQ
_TXT_ROWS = _TXT_WORDS // HIDDEN
_TXT_BLK = _TXT_ROWS // _PACK_GRID


def _pack_tc_body(top_ref, bot_ref, txt_ref, out_ref, txt_out_ref):
    u1 = lax.bitcast_convert_type(top_ref[...], jnp.int32)
    u2 = lax.bitcast_convert_type(bot_ref[...], jnp.int32)
    r1 = u1 + jnp.int32(0x8000)
    r2 = u2 + jnp.int32(0x8000)
    mask = jnp.int32(-65536)
    a = lax.shift_right_logical(r1, 16) | jnp.roll(r1 & mask, -PACK, axis=1)
    b = jnp.roll(lax.shift_right_logical(r2, 16), PACK, axis=1) | (r2 & mask)
    lane = lax.broadcasted_iota(jnp.int32, a.shape, 1)
    out_ref[...] = jnp.where(lane < PACK, a, b)
    t = txt_ref[...]
    txt_out_ref[...] = jnp.where(t < HALF_V, t * 2,
                                 t * 2 - jnp.int32(TEXT_VOCAB - 1))


_pack_tc = pl.pallas_call(
    _pack_tc_body,
    grid=(_PACK_GRID,),
    in_specs=[
        pl.BlockSpec((_PACK_ROWS, HIDDEN), lambda i: (i, 0)),
        pl.BlockSpec((_PACK_ROWS, HIDDEN), lambda i: (i + _PACK_GRID, 0)),
        pl.BlockSpec((_TXT_BLK, HIDDEN), lambda i: (i, 0)),
    ],
    out_specs=[
        pl.BlockSpec((_PACK_ROWS, HIDDEN), lambda i: (i, 0)),
        pl.BlockSpec((_TXT_BLK, HIDDEN), lambda i: (i, 0)),
    ],
    out_shape=[
        jax.ShapeDtypeStruct((HALF_V, HIDDEN), jnp.int32),
        jax.ShapeDtypeStruct((_TXT_ROWS, HIDDEN), jnp.int32),
    ],
)


def _bag_f32_body(text_idx, emb_x, hmean_out,
                  idx_v, buf0, buf1, acc_v, sem0, sem1):
    wid = lax.axis_index("s") * NC + lax.axis_index("c")
    base = wid * BPW_A

    pltpu.sync_copy(text_idx.at[pl.ds(base * SEQ, BPW_A * SEQ)], idx_v)

    bufs = (buf0, buf1)
    sems = (sem0, sem1)

    def _start_gather(b, buf, sem):
        off = pl.multiple_of(b * SEQ, 8)
        pltpu.make_async_copy(
            emb_x.at[idx_v.at[pl.ds(off, _S0)]], buf.at[pl.ds(0, _S0)], sem
        ).start()
        pltpu.make_async_copy(
            emb_x.at[idx_v.at[pl.ds(off + _S0, _S1)]], buf.at[pl.ds(_S0, _S1)], sem
        ).start()

    def _wait_gather(buf, sem):
        pltpu.make_async_copy(emb_x.at[pl.ds(0, SEQ)], buf, sem).wait()

    zero = jnp.zeros((LANES,), jnp.float32)

    def _reduce_store(b, buf):
        def body(i, acc):
            accs = list(acc)
            r0 = i * 4
            for rr in range(4):
                for h in range(8):
                    accs[h] = accs[h] + buf[r0 + rr, pl.ds(h * LANES, LANES)]
            return tuple(accs)

        acc = lax.fori_loop(0, SEQ // 4, body, (zero,) * 8)
        inv = jnp.float32(_INV_SEQ)
        for h in range(8):
            acc_v[b, pl.ds(h * LANES, LANES)] = acc[h] * inv

    _start_gather(0, buf0, sem0)
    _start_gather(1, buf1, sem1)

    def loop_body(j, carry):
        for p in range(2):
            b = j * 2 + p
            buf, sem = bufs[p], sems[p]
            _wait_gather(buf, sem)
            _reduce_store(b, buf)

            @pl.when(b + 2 < BPW_A)
            def _():
                _start_gather(b + 2, buf, sem)

        return carry

    lax.fori_loop(0, BPW_A // 2, loop_body, 0)

    pltpu.sync_copy(acc_v, hmean_out.at[pl.ds(base, BPW_A)])


_bag_f32 = functools.partial(
    pl.kernel,
    mesh=plsc.VectorSubcoreMesh(core_axis_name="c", subcore_axis_name="s"),
    compiler_params=pltpu.CompilerParams(use_tc_tiling_on_sc=False),
    out_type=jax.ShapeDtypeStruct((BATCH_A, HIDDEN), jnp.float32),
    scratch_types=[
        pltpu.VMEM((BPW_A * SEQ,), jnp.int32),
        pltpu.VMEM((SEQ, HIDDEN), jnp.float32),
        pltpu.VMEM((SEQ, HIDDEN), jnp.float32),
        pltpu.VMEM((BPW_A, HIDDEN), jnp.float32),
        pltpu.SemaphoreType.DMA,
        pltpu.SemaphoreType.DMA,
    ],
)(_bag_f32_body)


def _bag_pk_body(text_idx, emb_pk, hmean_out,
                 idx_v, buf0, buf1, buf2, acc_v, sem0, sem1, sem2):
    wid = lax.axis_index("s") * NC + lax.axis_index("c")
    base = BATCH_A + wid * BPW_B

    pltpu.sync_copy(text_idx.at[pl.ds(base * SEQ, BPW_B * SEQ)], idx_v)

    bufs = (buf0, buf1, buf2)
    sems = (sem0, sem1, sem2)

    def _start_gather(b, buf, sem):
        off = pl.multiple_of(b * SEQ, 8)
        pltpu.make_async_copy(
            emb_pk.at[idx_v.at[pl.ds(off, _S0)]], buf.at[pl.ds(0, _S0)], sem
        ).start()
        pltpu.make_async_copy(
            emb_pk.at[idx_v.at[pl.ds(off + _S0, _S1)]], buf.at[pl.ds(_S0, _S1)], sem
        ).start()

    def _wait_gather(buf, sem):
        pltpu.make_async_copy(emb_pk.at[pl.ds(0, SEQ)], buf, sem).wait()

    zero = jnp.zeros((LANES,), jnp.float32)

    def _reduce_store(b, buf):
        def body(i, acc):
            accs = list(acc)
            r0 = i * 4
            for rr in range(4):
                for h in range(4):
                    v = buf[r0 + rr, pl.ds(h * LANES, LANES)]
                    accs[h] = accs[h] + lax.bitcast_convert_type(
                        v << 16, jnp.float32)
                    accs[4 + h] = accs[4 + h] + lax.bitcast_convert_type(
                        v, jnp.float32)
            return tuple(accs)

        acc = lax.fori_loop(0, SEQ // 4, body, (zero,) * 8)
        inv = jnp.float32(_INV_SEQ)
        for h in range(4):
            acc_v[b, pl.ds(2 * h * LANES, LANES)] = acc[h] * inv
            acc_v[b, pl.ds((2 * h + 1) * LANES, LANES)] = acc[4 + h] * inv

    _start_gather(0, buf0, sem0)
    _start_gather(1, buf1, sem1)

    def loop_body(j, carry):
        for p in range(3):
            b = j * 3 + p
            buf, sem = bufs[p], sems[p]
            _wait_gather(buf, sem)

            @pl.when(b + 2 < BPW_B)
            def _():
                _start_gather(b + 2, bufs[(p + 2) % 3], sems[(p + 2) % 3])

            _reduce_store(b, buf)

        return carry

    lax.fori_loop(0, BPW_B // 3, loop_body, 0)

    pltpu.sync_copy(acc_v, hmean_out.at[pl.ds(wid * BPW_B, BPW_B)])


_bag_pk = functools.partial(
    pl.kernel,
    mesh=plsc.VectorSubcoreMesh(core_axis_name="c", subcore_axis_name="s"),
    compiler_params=pltpu.CompilerParams(use_tc_tiling_on_sc=False),
    out_type=jax.ShapeDtypeStruct((BATCH_B, HIDDEN), jnp.float32),
    scratch_types=[
        pltpu.VMEM((BPW_B * SEQ,), jnp.int32),
        pltpu.VMEM((SEQ, PACK), jnp.int32),
        pltpu.VMEM((SEQ, PACK), jnp.int32),
        pltpu.VMEM((SEQ, PACK), jnp.int32),
        pltpu.VMEM((BPW_B, HIDDEN), jnp.float32),
        pltpu.SemaphoreType.DMA,
        pltpu.SemaphoreType.DMA,
        pltpu.SemaphoreType.DMA,
    ],
)(_bag_pk_body)


def _dense_body(ha_ref, hb_ref, wx_ref, wxp_ref, bx_ref,
                embc_ref, wc_ref, bc_ref, out_ref):
    first = pl.program_id(0) == 0
    hx = jnp.where(first, ha_ref[...], hb_ref[...])
    wx = jnp.where(first, wx_ref[...], wxp_ref[...])
    hx = jnp.maximum(hx, 0.0)
    hx = lax.dot_general(hx, wx, (((1,), (1,)), ((), ())),
                         preferred_element_type=jnp.float32) + bx_ref[...]
    hc = jnp.maximum(embc_ref[...], 0.0)
    hc = lax.dot_general(hc, wc_ref[...], (((1,), (1,)), ((), ())),
                         preferred_element_type=jnp.float32) + bc_ref[...]
    out_ref[...] = lax.dot_general(hx, hc, (((1,), (1,)), ((), ())),
                                   preferred_element_type=jnp.float32
                                   ) * jnp.float32(_INV_SCALE)


_BB = 1024

_dense = pl.pallas_call(
    _dense_body,
    grid=(BATCH // _BB,),
    in_specs=[
        pl.BlockSpec((_BB, HIDDEN), lambda i: (0, 0)),
        pl.BlockSpec((_BB, HIDDEN), lambda i: (jnp.maximum(i - 1, 0), 0)),
        pl.BlockSpec((HIDDEN, HIDDEN), lambda i: (0, 0)),
        pl.BlockSpec((HIDDEN, HIDDEN), lambda i: (0, 0)),
        pl.BlockSpec((1, HIDDEN), lambda i: (0, 0)),
        pl.BlockSpec((N_CLASSES, HIDDEN), lambda i: (0, 0)),
        pl.BlockSpec((HIDDEN, HIDDEN), lambda i: (0, 0)),
        pl.BlockSpec((1, HIDDEN), lambda i: (0, 0)),
    ],
    out_specs=pl.BlockSpec((_BB, N_CLASSES), lambda i: (i, 0)),
    out_shape=jax.ShapeDtypeStruct((BATCH, N_CLASSES), jnp.float32),
)


def kernel(text_input, labels_input, emb_x, W_x, b_x, emb_c, W_c, b_c):
    del labels_input
    tt = text_input.astype(jnp.int32)
    t128 = tt.reshape(_TXT_ROWS, HIDDEN)
    h_a = _bag_f32(t128.reshape(_TXT_WORDS), emb_x)
    emb_pk, tpk = _pack_tc(emb_x, emb_x, t128)
    h_b = _bag_pk(tpk.reshape(_TXT_WORDS),
                  emb_pk.reshape(TEXT_VOCAB, PACK))
    return _dense(h_a, h_b, W_x, W_x[:, _PERM], b_x.reshape(1, HIDDEN),
                  emb_c, W_c, b_c.reshape(1, HIDDEN))

# --- scband reference (transcript-rebuilt; emitter-appended) ---
"""Pipeline reference for scband-fc-class-attention-model-84421877170928 (READ-ONLY COPY).

The authoritative reference and input builder live on the scoring server;
editing this copy changes nothing except your own understanding.
"""

import jax, jax.numpy as jnp
import numpy as np

TEXT_VOCAB = 100000
N_CLASSES = 1000
HIDDEN = 128
BATCH = 4096
SEQ = 200


def setup_inputs(seed: int = 0) -> dict:
    key = jax.random.key(seed)
    k1, k2, k3, k4, k5, k6 = jax.random.split(key, 6)
    text_input = jax.random.randint(k1, (BATCH, SEQ), 0, TEXT_VOCAB, dtype=jnp.int64 if jax.config.jax_enable_x64 else jnp.int32)
    labels_input = jnp.arange(N_CLASSES).reshape(N_CLASSES, 1)
    emb_x = jax.random.normal(k2, (TEXT_VOCAB, HIDDEN), dtype=jnp.float32) * 0.02
    W_x = jax.random.normal(k3, (HIDDEN, HIDDEN), dtype=jnp.float32) * (1.0 / np.sqrt(HIDDEN))
    b_x = jnp.zeros((HIDDEN,), dtype=jnp.float32)
    emb_c = jax.random.normal(k4, (N_CLASSES, HIDDEN), dtype=jnp.float32) * 0.02
    W_c = jax.random.normal(k5, (HIDDEN, HIDDEN), dtype=jnp.float32) * (1.0 / np.sqrt(HIDDEN))
    b_c = jnp.zeros((HIDDEN,), dtype=jnp.float32)
    return {"text_input": text_input, "labels_input": labels_input,
            "emb_x": emb_x, "W_x": W_x, "b_x": b_x,
            "emb_c": emb_c, "W_c": W_c, "b_c": b_c}


def reference(text_input, labels_input, emb_x, W_x, b_x, emb_c, W_c, b_c):
    # nn.EmbeddingBag default mode='mean': gather rows then mean over bag dim
    h_x = jnp.mean(jnp.take(emb_x, text_input, axis=0), axis=1)  # [B, H]
    h_x = jnp.maximum(h_x, 0.0) @ W_x.T + b_x                    # ReLU -> Linear
    h_c = jnp.mean(jnp.take(emb_c, labels_input, axis=0), axis=1)  # [C, H]
    h_c = jnp.maximum(h_c, 0.0) @ W_c.T + b_c
    scaling = h_c.shape[-1] ** 0.5
    logits = (h_x @ h_c.T) / scaling  # [B, C]
    return logits

if __name__ == "__main__":
    import jax
    _d = setup_inputs()
    print(jax.jit(kernel)(*tuple(_d.values())))

</pallas_src>

<mosaic_0001>
#map = affine_map<(d0, d1) -> (0)>
#map1 = affine_map<(d0, d1) -> (0, 0)>
module attributes {stable_mosaic.version = 14 : i64} {
  func.func @_bag_pk_body(%arg0: i32, %arg1: i32, %arg2: memref<819200xi32, #tpu.memory_space<hbm>>, %arg3: memref<100000x64xi32, #tpu.memory_space<hbm>>, %arg4: memref<3072x128xf32, #tpu.memory_space<hbm>>, %arg5: memref<19200xi32, #tpu.memory_space<vmem>>, %arg6: memref<200x64xi32, #tpu.memory_space<vmem>>, %arg7: memref<200x64xi32, #tpu.memory_space<vmem>>, %arg8: memref<200x64xi32, #tpu.memory_space<vmem>>, %arg9: memref<96x128xf32, #tpu.memory_space<vmem>>, %arg10: memref<!tpu.dma_semaphore, #tpu.memory_space<semaphore_mem>>, %arg11: memref<!tpu.dma_semaphore, #tpu.memory_space<semaphore_mem>>, %arg12: memref<!tpu.dma_semaphore, #tpu.memory_space<semaphore_mem>>) attributes {dimension_semantics = [#tpu.dimension_semantics<core_parallel>, #tpu.dimension_semantics<subcore_parallel>], iteration_bounds = array<i64: 2, 16>, scalar_prefetch = 0 : i64, scratch_operands = 8 : i64, tpu.core_type = #tpu.core_type<sc_vector_subcore>, window_params = [{transform_indices = #map}, {transform_indices = #map1}, {transform_indices = #map1}]} {
    %mul3A = arith.constant 2 : i32
    %mul3A_0 = arith.muli %arg1, %mul3A : i32
    %add3A = arith.addi %mul3A_0, %arg0 : i32
    %mul3A_1 = arith.constant 96 : i32
    %mul3A_2 = arith.muli %add3A, %mul3A_1 : i32
    %add3A_3 = arith.constant 1024 : i32
    %add3A_4 = arith.addi %add3A_3, %mul3A_2 : i32
    %mul3A_5 = arith.constant 200 : i32
    %mul3A_6 = arith.muli %add3A_4, %mul3A_5 : i32
    "tpu.region"() ({
      %run_scoped3A = tpu.sem_alloc : memref<!tpu.dma_semaphore, #tpu.memory_space<semaphore_mem>>
      %dma_start3A_49 = tpu.memref_slice %arg2[%mul3A_6] : memref<819200xi32, #tpu.memory_space<hbm>> -> memref<19200xi32, #tpu.memory_space<hbm>>
      %dma_start3A_50 = tpu.memref_slice %arg2[%mul3A_6] : memref<819200xi32, #tpu.memory_space<hbm>> -> memref<19200xi32, #tpu.memory_space<hbm>>
      tpu.enqueue_dma source(%dma_start3A_50 : memref<19200xi32, #tpu.memory_space<hbm>>) target(%arg5 : memref<19200xi32, #tpu.memory_space<vmem>>) target_semaphore(%run_scoped3A : memref<!tpu.dma_semaphore, #tpu.memory_space<semaphore_mem>>)
      %dma_wait3A = tpu.memref_slice %arg2[%mul3A_6] : memref<819200xi32, #tpu.memory_space<hbm>> -> memref<19200xi32, #tpu.memory_space<hbm>>
      %dma_wait3A_51 = tpu.memref_slice %arg2[%mul3A_6] : memref<819200xi32, #tpu.memory_space<hbm>> -> memref<19200xi32, #tpu.memory_space<hbm>>
      tpu.wait_dma2 semaphore(%run_scoped3A : memref<!tpu.dma_semaphore, #tpu.memory_space<semaphore_mem>>) src(%dma_wait3A_51 : memref<19200xi32, #tpu.memory_space<hbm>>) dst(%arg5 : memref<19200xi32, #tpu.memory_space<vmem>>)
      tpu.yield
    }) : () -> ()
    %broadcast_in_dim3A = arith.constant 0.000000e+00 : f32
    %broadcast_in_dim3A_7 = vector.broadcast %broadcast_in_dim3A : f32 to vector<16xf32>
    %multiple_of3A = arith.constant 0 : i32
    %multiple_of3A_8 = tpu.assume_multiple %multiple_of3A, 8 : i32
    %dma_start3A = arith.constant 0 : i32
    %dma_start3A_9 = arith.constant 0 : i32
    %dma_start3A_10 = tpu.memref_slice %arg6[%dma_start3A, %dma_start3A_9] : memref<200x64xi32, #tpu.memory_space<vmem>> -> memref<104x64xi32, #tpu.memory_space<vmem>>
    %dma_start3A_11 = tpu.memref_slice %arg5[%multiple_of3A_8] : memref<19200xi32, #tpu.memory_space<vmem>> -> memref<104xi32, #tpu.memory_space<vmem>>
    %dma_start3A_12 = arith.constant 0 : i32
    %dma_start3A_13 = arith.constant 0 : i32
    %dma_start3A_14 = tpu.memref_slice %arg3[%dma_start3A_12, %dma_start3A_13] : memref<100000x64xi32, #tpu.memory_space<hbm>> -> memref<100000x64xi32, #tpu.memory_space<hbm>>
    tpu.enqueue_indirect_dma source(%dma_start3A_14 : memref<100000x64xi32, #tpu.memory_space<hbm>>) target(%dma_start3A_10 : memref<104x64xi32, #tpu.memory_space<vmem>>) offsets(%dma_start3A_11 : memref<104xi32, #tpu.memory_space<vmem>>) semaphore(%arg10 : memref<!tpu.dma_semaphore, #tpu.memory_space<semaphore_mem>>)
    %add3A_15 = arith.constant 104 : i32
    %add3A_16 = arith.addi %multiple_of3A_8, %add3A_15 : i32
    %dma_start3A_17 = arith.constant 104 : i32
    %dma_start3A_18 = arith.constant 0 : i32
    %dma_start3A_19 = tpu.memref_slice %arg6[%dma_start3A_17, %dma_start3A_18] : memref<200x64xi32, #tpu.memory_space<vmem>> -> memref<96x64xi32, #tpu.memory_space<vmem>>
    %dma_start3A_20 = tpu.memref_slice %arg5[%add3A_16] : memref<19200xi32, #tpu.memory_space<vmem>> -> memref<96xi32, #tpu.memory_space<vmem>>
    %dma_start3A_21 = arith.constant 0 : i32
    %dma_start3A_22 = arith.constant 0 : i32
    %dma_start3A_23 = tpu.memref_slice %arg3[%dma_start3A_21, %dma_start3A_22] : memref<100000x64xi32, #tpu.memory_space<hbm>> -> memref<100000x64xi32, #tpu.memory_space<hbm>>
    tpu.enqueue_indirect_dma source(%dma_start3A_23 : memref<100000x64xi32, #tpu.memory_space<hbm>>) target(%dma_start3A_19 : memref<96x64xi32, #tpu.memory_space<vmem>>) offsets(%dma_start3A_20 : memref<96xi32, #tpu.memory_space<vmem>>) semaphore(%arg10 : memref<!tpu.dma_semaphore, #tpu.memory_space<semaphore_mem>>)
    %multiple_of3A_24 = arith.constant 200 : i32
    %multiple_of3A_25 = tpu.assume_multiple %multiple_of3A_24, 8 : i32
    %dma_start3A_26 = arith.constant 0 : i32
    %dma_start3A_27 = arith.constant 0 : i32
    %dma_start3A_28 = tpu.memref_slice %arg7[%dma_start3A_26, %dma_start3A_27] : memref<200x64xi32, #tpu.memory_space<vmem>> -> memref<104x64xi32, #tpu.memory_space<vmem>>
    %dma_start3A_29 = tpu.memref_slice %arg5[%multiple_of3A_25] : memref<19200xi32, #tpu.memory_space<vmem>> -> memref<104xi32, #tpu.memory_space<vmem>>
    %dma_start3A_30 = arith.constant 0 : i32
    %dma_start3A_31 = arith.constant 0 : i32
    %dma_start3A_32 = tpu.memref_slice %arg3[%dma_start3A_30, %dma_start3A_31] : memref<100000x64xi32, #tpu.memory_space<hbm>> -> memref<100000x64xi32, #tpu.memory_space<hbm>>
    tpu.enqueue_indirect_dma source(%dma_start3A_32 : memref<100000x64xi32, #tpu.memory_space<hbm>>) target(%dma_start3A_28 : memref<104x64xi32, #tpu.memory_space<vmem>>) offsets(%dma_start3A_29 : memref<104xi32, #tpu.memory_space<vmem>>) semaphore(%arg11 : memref<!tpu.dma_semaphore, #tpu.memory_space<semaphore_mem>>)
    %add3A_33 = arith.constant 104 : i32
    %add3A_34 = arith.addi %multiple_of3A_25, %add3A_33 : i32
    %dma_start3A_35 = arith.constant 104 : i32
    %dma_start3A_36 = arith.constant 0 : i32
    %dma_start3A_37 = tpu.memref_slice %arg7[%dma_start3A_35, %dma_start3A_36] : memref<200x64xi32, #tpu.memory_space<vmem>> -> memref<96x64xi32, #tpu.memory_space<vmem>>
    %dma_start3A_38 = tpu.memref_slice %arg5[%add3A_34] : memref<19200xi32, #tpu.memory_space<vmem>> -> memref<96xi32, #tpu.memory_space<vmem>>
    %dma_start3A_39 = arith.constant 0 : i32
    %dma_start3A_40 = arith.constant 0 : i32
    %dma_start3A_41 = tpu.memref_slice %arg3[%dma_start3A_39, %dma_start3A_40] : memref<100000x64xi32, #tpu.memory_space<hbm>> -> memref<100000x64xi32, #tpu.memory_space<hbm>>
    tpu.enqueue_indirect_dma source(%dma_start3A_41 : memref<100000x64xi32, #tpu.memory_space<hbm>>) target(%dma_start3A_37 : memref<96x64xi32, #tpu.memory_space<vmem>>) offsets(%dma_start3A_38 : memref<96xi32, #tpu.memory_space<vmem>>) semaphore(%arg11 : memref<!tpu.dma_semaphore, #tpu.memory_space<semaphore_mem>>)
    %scan3A = arith.constant 0 : i32
    %scan3A_42 = arith.constant 0 : i32
    %scan3A_43 = arith.constant 32 : i32
    %scan3A_44 = arith.addi %scan3A_42, %scan3A_43 : i32
    %scan3A_45 = arith.constant 1 : i32
    scf.for %scan3A_49 = %scan3A_42 to %scan3A_44 step %scan3A_45  : i32 {
      %mul3A_50 = arith.constant 3 : i32
      %mul3A_51 = arith.muli %scan3A_49, %mul3A_50 : i32
      %add3A_52 = arith.constant 0 : i32
      %add3A_53 = arith.addi %mul3A_51, %add3A_52 : i32
      %dma_wait3A = arith.constant 0 : i32
      %dma_wait3A_54 = arith.constant 0 : i32
      %dma_wait3A_55 = tpu.memref_slice %arg3[%dma_wait3A, %dma_wait3A_54] : memref<100000x64xi32, #tpu.memory_space<hbm>> -> memref<200x64xi32, #tpu.memory_space<hbm>>
      %dma_wait3A_56 = arith.constant 0 : i32
      %dma_wait3A_57 = arith.constant 0 : i32
      %dma_wait3A_58 = tpu.memref_slice %arg3[%dma_wait3A_56, %dma_wait3A_57] : memref<100000x64xi32, #tpu.memory_space<hbm>> -> memref<200x64xi32, #tpu.memory_space<hbm>>
      tpu.wait_dma2 semaphore(%arg10 : memref<!tpu.dma_semaphore, #tpu.memory_space<semaphore_mem>>) src(%dma_wait3A_58 : memref<200x64xi32, #tpu.memory_space<hbm>>) dst(%arg6 : memref<200x64xi32, #tpu.memory_space<vmem>>)
      %add3A_59 = arith.constant 2 : i32
      %add3A_60 = arith.addi %add3A_53, %add3A_59 : i32
      %lt3A = arith.constant 96 : i32
      %lt3A_61 = arith.cmpi slt, %add3A_60, %lt3A : i32
      %convert_element_type3A = arith.extui %lt3A_61 : i1 to i32
      %cond3A = arith.constant 0 : i32
      %cond3A_62 = arith.cmpi ne, %convert_element_type3A, %cond3A : i32
      scf.if %cond3A_62 {
        %add3A_306 = arith.constant 2 : i32
        %add3A_307 = arith.addi %add3A_53, %add3A_306 : i32
        %mul3A_308 = arith.constant 200 : i32
        %mul3A_309 = arith.muli %add3A_307, %mul3A_308 : i32
        %multiple_of3A_310 = tpu.assume_multiple %mul3A_309, 8 : i32
        %dma_start3A_311 = arith.constant 0 : i32
        %dma_start3A_312 = arith.constant 0 : i32
        %dma_start3A_313 = tpu.memref_slice %arg8[%dma_start3A_311, %dma_start3A_312] : memref<200x64xi32, #tpu.memory_space<vmem>> -> memref<104x64xi32, #tpu.memory_space<vmem>>
        %dma_start3A_314 = tpu.memref_slice %arg5[%multiple_of3A_310] : memref<19200xi32, #tpu.memory_space<vmem>> -> memref<104xi32, #tpu.memory_space<vmem>>
        %dma_start3A_315 = arith.constant 0 : i32
        %dma_start3A_316 = arith.constant 0 : i32
        %dma_start3A_317 = tpu.memref_slice %arg3[%dma_start3A_315, %dma_start3A_316] : memref<100000x64xi32, #tpu.memory_space<hbm>> -> memref<100000x64xi32, #tpu.memory_space<hbm>>
        tpu.enqueue_indirect_dma source(%dma_start3A_317 : memref<100000x64xi32, #tpu.memory_space<hbm>>) target(%dma_start3A_313 : memref<104x64xi32, #tpu.memory_space<vmem>>) offsets(%dma_start3A_314 : memref<104xi32, #tpu.memory_space<vmem>>) semaphore(%arg12 : memref<!tpu.dma_semaphore, #tpu.memory_space<semaphore_mem>>)
        %add3A_318 = arith.constant 104 : i32
        %add3A_319 = arith.addi %multiple_of3A_310, %add3A_318 : i32
        %dma_start3A_320 = arith.constant 104 : i32
        %dma_start3A_321 = arith.constant 0 : i32
        %dma_start3A_322 = tpu.memref_slice %arg8[%dma_start3A_320, %dma_start3A_321] : memref<200x64xi32, #tpu.memory_space<vmem>> -> memref<96x64xi32, #tpu.memory_space<vmem>>
        %dma_start3A_323 = tpu.memref_slice %arg5[%add3A_319] : memref<19200xi32, #tpu.memory_space<vmem>> -> memref<96xi32, #tpu.memory_space<vmem>>
        %dma_start3A_324 = arith.constant 0 : i32
        %dma_start3A_325 = arith.constant 0 : i32
        %dma_start3A_326 = tpu.memref_slice %arg3[%dma_start3A_324, %dma_start3A_325] : memref<100000x64xi32, #tpu.memory_space<hbm>> -> memref<100000x64xi32, #tpu.memory_space<hbm>>
        tpu.enqueue_indirect_dma source(%dma_start3A_326 : memref<100000x64xi32, #tpu.memory_space<hbm>>) target(%dma_start3A_322 : memref<96x64xi32, #tpu.memory_space<vmem>>) offsets(%dma_start3A_323 : memref<96xi32, #tpu.memory_space<vmem>>) semaphore(%arg12 : memref<!tpu.dma_semaphore, #tpu.memory_space<semaphore_mem>>)
      } else {
      }
      %scan3A_63 = arith.constant 0 : i32
      %scan3A_64 = arith.constant 50 : i32
      %scan3A_65 = arith.addi %scan3A_63, %scan3A_64 : i32
      %scan3A_66 = arith.constant 1 : i32
      %scan3A_67:8 = scf.for %scan3A_306 = %scan3A_63 to %scan3A_65 step %scan3A_66 iter_args(%scan3A_307 = %broadcast_in_dim3A_7, %scan3A_308 = %broadcast_in_dim3A_7, %scan3A_309 = %broadcast_in_dim3A_7, %scan3A_310 = %broadcast_in_dim3A_7, %scan3A_311 = %broadcast_in_dim3A_7, %scan3A_312 = %broadcast_in_dim3A_7, %scan3A_313 = %broadcast_in_dim3A_7, %scan3A_314 = %broadcast_in_dim3A_7) -> (vector<16xf32>, vector<16xf32>, vector<16xf32>, vector<16xf32>, vector<16xf32>, vector<16xf32>, vector<16xf32>, vector<16xf32>)  : i32 {
        %mul3A_315 = arith.constant 4 : i32
        %mul3A_316 = arith.muli %scan3A_306, %mul3A_315 : i32
        %add3A_317 = arith.constant 0 : i32
        %add3A_318 = arith.addi %mul3A_316, %add3A_317 : i32
        %get3A = arith.index_cast %add3A_318 : i32 to index
        %get3A_319 = arith.constant 0 : index
        %get3A_320 = tpu.vector_load %arg6[%get3A, %get3A_319] {strides = array<i32>} : memref<200x64xi32, #tpu.memory_space<vmem>>, vector<1x16xi32>,
        %get3A_321 = vector.shape_cast %get3A_320 : vector<1x16xi32> to vector<16xi32>
        %shift_left3A = arith.constant 16 : i32
        %shift_left3A_322 = vector.broadcast %shift_left3A : i32 to vector<16xi32>
        %shift_left3A_323 = arith.shli %get3A_321, %shift_left3A_322 : vector<16xi32>
        %bitcast_convert_type3A = tpu.bitcast %shift_left3A_323 : vector<16xi32> -> vector<16xf32>
        %add3A_324 = arith.addf %scan3A_307, %bitcast_convert_type3A : vector<16xf32>
        %bitcast_convert_type3A_325 = tpu.bitcast %get3A_321 : vector<16xi32> -> vector<16xf32>
        %add3A_326 = arith.addf %scan3A_311, %bitcast_convert_type3A_325 : vector<16xf32>
        %add3A_327 = arith.constant 0 : i32
        %add3A_328 = arith.addi %mul3A_316, %add3A_327 : i32
        %get3A_329 = arith.index_cast %add3A_328 : i32 to index
        %get3A_330 = arith.constant 16 : index
        %get3A_331 = tpu.vector_load %arg6[%get3A_329, %get3A_330] {strides = array<i32>} : memref<200x64xi32, #tpu.memory_space<vmem>>, vector<1x16xi32>,
        %get3A_332 = vector.shape_cast %get3A_331 : vector<1x16xi32> to vector<16xi32>
        %shift_left3A_333 = arith.constant 16 : i32
        %shift_left3A_334 = vector.broadcast %shift_left3A_333 : i32 to vector<16xi32>
        %shift_left3A_335 = arith.shli %get3A_332, %shift_left3A_334 : vector<16xi32>
        %bitcast_convert_type3A_336 = tpu.bitcast %shift_left3A_335 : vector<16xi32> -> vector<16xf32>
        %add3A_337 = arith.addf %scan3A_308, %bitcast_convert_type3A_336 : vector<16xf32>
        %bitcast_convert_type3A_338 = tpu.bitcast %get3A_332 : vector<16xi32> -> vector<16xf32>
        %add3A_339 = arith.addf %scan3A_312, %bitcast_convert_type3A_338 : vector<16xf32>
        %add3A_340 = arith.constant 0 : i32
        %add3A_341 = arith.addi %mul3A_316, %add3A_340 : i32
        %get3A_342 = arith.index_cast %add3A_341 : i32 to index
        %get3A_343 = arith.constant 32 : index
        %get3A_344 = tpu.vector_load %arg6[%get3A_342, %get3A_343] {strides = array<i32>} : memref<200x64xi32, #tpu.memory_space<vmem>>, vector<1x16xi32>,
        %get3A_345 = vector.shape_cast %get3A_344 : vector<1x16xi32> to vector<16xi32>
        %shift_left3A_346 = arith.constant 16 : i32
        %shift_left3A_347 = vector.broadcast %shift_left3A_346 : i32 to vector<16xi32>
        %shift_left3A_348 = arith.shli %get3A_345, %shift_left3A_347 : vector<16xi32>
        %bitcast_convert_type3A_349 = tpu.bitcast %shift_left3A_348 : vector<16xi32> -> vector<16xf32>
        %add3A_350 = arith.addf %scan3A_309, %bitcast_convert_type3A_349 : vector<16xf32>
        %bitcast_convert_type3A_351 = tpu.bitcast %get3A_345 : vector<16xi32> -> vector<16xf32>
        %add3A_352 = arith.addf %scan3A_313, %bitcast_convert_type3A_351 : vector<16xf32>
        %add3A_353 = arith.constant 0 : i32
        %add3A_354 = arith.addi %mul3A_316, %add3A_353 : i32
        %get3A_355 = arith.index_cast %add3A_354 : i32 to index
        %get3A_356 = arith.constant 48 : index
        %get3A_357 = tpu.vector_load %arg6[%get3A_355, %get3A_356] {strides = array<i32>} : memref<200x64xi32, #tpu.memory_space<vmem>>, vector<1x16xi32>,
        %get3A_358 = vector.shape_cast %get3A_357 : vector<1x16xi32> to vector<16xi32>
        %shift_left3A_359 = arith.constant 16 : i32
        %shift_left3A_360 = vector.broadcast %shift_left3A_359 : i32 to vector<16xi32>
        %shift_left3A_361 = arith.shli %get3A_358, %shift_left3A_360 : vector<16xi32>
        %bitcast_convert_type3A_362 = tpu.bitcast %shift_left3A_361 : vector<16xi32> -> vector<16xf32>
        %add3A_363 = arith.addf %scan3A_310, %bitcast_convert_type3A_362 : vector<16xf32>
        %bitcast_convert_type3A_364 = tpu.bitcast %get3A_358 : vector<16xi32> -> vector<16xf32>
        %add3A_365 = arith.addf %scan3A_314, %bitcast_convert_type3A_364 : vector<16xf32>
        %add3A_366 = arith.constant 1 : i32
        %add3A_367 = arith.addi %mul3A_316, %add3A_366 : i32
        %get3A_368 = arith.index_cast %add3A_367 : i32 to index
        %get3A_369 = arith.constant 0 : index
        %get3A_370 = tpu.vector_load %arg6[%get3A_368, %get3A_369] {strides = array<i32>} : memref<200x64xi32, #tpu.memory_space<vmem>>, vector<1x16xi32>,
        %get3A_371 = vector.shape_cast %get3A_370 : vector<1x16xi32> to vector<16xi32>
        %shift_left3A_372 = arith.constant 16 : i32
        %shift_left3A_373 = vector.broadcast %shift_left3A_372 : i32 to vector<16xi32>
        %shift_left3A_374 = arith.shli %get3A_371, %shift_left3A_373 : vector<16xi32>
        %bitcast_convert_type3A_375 = tpu.bitcast %shift_left3A_374 : vector<16xi32> -> vector<16xf32>
        %add3A_376 = arith.addf %add3A_324, %bitcast_convert_type3A_375 : vector<16xf32>
        %bitcast_convert_type3A_377 = tpu.bitcast %get3A_371 : vector<16xi32> -> vector<16xf32>
        %add3A_378 = arith.addf %add3A_326, %bitcast_convert_type3A_377 : vector<16xf32>
        %add3A_379 = arith.constant 1 : i32
        %add3A_380 = arith.addi %mul3A_316, %add3A_379 : i32
        %get3A_381 = arith.index_cast %add3A_380 : i32 to index
        %get3A_382 = arith.constant 16 : index
        %get3A_383 = tpu.vector_load %arg6[%get3A_381, %get3A_382] {strides = array<i32>} : memref<200x64xi32, #tpu.memory_space<vmem>>, vector<1x16xi32>,
        %get3A_384 = vector.shape_cast %get3A_383 : vector<1x16xi32> to vector<16xi32>
        %shift_left3A_385 = arith.constant 16 : i32
        %shift_left3A_386 = vector.broadcast %shift_left3A_385 : i32 to vector<16xi32>
        %shift_left3A_387 = arith.shli %get3A_384, %shift_left3A_386 : vector<16xi32>
        %bitcast_convert_type3A_388 = tpu.bitcast %shift_left3A_387 : vector<16xi32> -> vector<16xf32>
        %add3A_389 = arith.addf %add3A_337, %bitcast_convert_type3A_388 : vector<16xf32>
        %bitcast_convert_type3A_390 = tpu.bitcast %get3A_384 : vector<16xi32> -> vector<16xf32>
        %add3A_391 = arith.addf %add3A_339, %bitcast_convert_type3A_390 : vector<16xf32>
        %add3A_392 = arith.constant 1 : i32
        %add3A_393 = arith.addi %mul3A_316, %add3A_392 : i32
        %get3A_394 = arith.index_cast %add3A_393 : i32 to index
        %get3A_395 = arith.constant 32 : index
        %get3A_396 = tpu.vector_load %arg6[%get3A_394, %get3A_395] {strides = array<i32>} : memref<200x64xi32, #tpu.memory_space<vmem>>, vector<1x16xi32>,
        %get3A_397 = vector.shape_cast %get3A_396 : vector<1x16xi32> to vector<16xi32>
        %shift_left3A_398 = arith.constant 16 : i32
        %shift_left3A_399 = vector.broadcast %shift_left3A_398 : i32 to vector<16xi32>
        %shift_left3A_400 = arith.shli %get3A_397, %shift_left3A_399 : vector<16xi32>
        %bitcast_convert_type3A_401 = tpu.bitcast %shift_left3A_400 : vector<16xi32> -> vector<16xf32>
        %add3A_402 = arith.addf %add3A_350, %bitcast_convert_type3A_401 : vector<16xf32>
        %bitcast_convert_type3A_403 = tpu.bitcast %get3A_397 : vector<16xi32> -> vector<16xf32>
        %add3A_404 = arith.addf %add3A_352, %bitcast_convert_type3A_403 : vector<16xf32>
        %add3A_405 = arith.constant 1 : i32
        %add3A_406 = arith.addi %mul3A_316, %add3A_405 : i32
        %get3A_407 = arith.index_cast %add3A_406 : i32 to index
        %get3A_408 = arith.constant 48 : index
        %get3A_409 = tpu.vector_load %arg6[%get3A_407, %get3A_408] {strides = array<i32>} : memref<200x64xi32, #tpu.memory_space<vmem>>, vector<1x16xi32>,
        %get3A_410 = vector.shape_cast %get3A_409 : vector<1x16xi32> to vector<16xi32>
        %shift_left3A_411 = arith.constant 16 : i32
        %shift_left3A_412 = vector.broadcast %shift_left3A_411 : i32 to vector<16xi32>
        %shift_left3A_413 = arith.shli %get3A_410, %shift_left3A_412 : vector<16xi32>
        %bitcast_convert_type3A_414 = tpu.bitcast %shift_left3A_413 : vector<16xi32> -> vector<16xf32>
        %add3A_415 = arith.addf %add3A_363, %bitcast_convert_type3A_414 : vector<16xf32>
        %bitcast_convert_type3A_416 = tpu.bitcast %get3A_410 : vector<16xi32> -> vector<16xf32>
        %add3A_417 = arith.addf %add3A_365, %bitcast_convert_type3A_416 : vector<16xf32>
        %add3A_418 = arith.constant 2 : i32
        %add3A_419 = arith.addi %mul3A_316, %add3A_418 : i32
        %get3A_420 = arith.index_cast %add3A_419 : i32 to index
        %get3A_421 = arith.constant 0 : index
        %get3A_422 = tpu.vector_load %arg6[%get3A_420, %get3A_421] {strides = array<i32>} : memref<200x64xi32, #tpu.memory_space<vmem>>, vector<1x16xi32>,
        %get3A_423 = vector.shape_cast %get3A_422 : vector<1x16xi32> to vector<16xi32>
        %shift_left3A_424 = arith.constant 16 : i32
        %shift_left3A_425 = vector.broadcast %shift_left3A_424 : i32 to vector<16xi32>
        %shift_left3A_426 = arith.shli %get3A_423, %shift_left3A_425 : vector<16xi32>
        %bitcast_convert_type3A_427 = tpu.bitcast %shift_left3A_426 : vector<16xi32> -> vector<16xf32>
        %add3A_428 = arith.addf %add3A_376, %bitcast_convert_type3A_427 : vector<16xf32>
        %bitcast_convert_type3A_429 = tpu.bitcast %get3A_423 : vector<16xi32> -> vector<16xf32>
        %add3A_430 = arith.addf %add3A_378, %bitcast_convert_type3A_429 : vector<16xf32>
        %add3A_431 = arith.constant 2 : i32
        %add3A_432 = arith.addi %mul3A_316, %add3A_431 : i32
        %get3A_433 = arith.index_cast %add3A_432 : i32 to index
        %get3A_434 = arith.constant 16 : index
        %get3A_435 = tpu.vector_load %arg6[%get3A_433, %get3A_434] {strides = array<i32>} : memref<200x64xi32, #tpu.memory_space<vmem>>, vector<1x16xi32>,
        %get3A_436 = vector.shape_cast %get3A_435 : vector<1x16xi32> to vector<16xi32>
        %shift_left3A_437 = arith.constant 16 : i32
        %shift_left3A_438 = vector.broadcast %shift_left3A_437 : i32 to vector<16xi32>
        %shift_left3A_439 = arith.shli %get3A_436, %shift_left3A_438 : vector<16xi32>
        %bitcast_convert_type3A_440 = tpu.bitcast %shift_left3A_439 : vector<16xi32> -> vector<16xf32>
        %add3A_441 = arith.addf %add3A_389, %bitcast_convert_type3A_440 : vector<16xf32>
        %bitcast_convert_type3A_442 = tpu.bitcast %get3A_436 : vector<16xi32> -> vector<16xf32>
        %add3A_443 = arith.addf %add3A_391, %bitcast_convert_type3A_442 : vector<16xf32>
        %add3A_444 = arith.constant 2 : i32
        %add3A_445 = arith.addi %mul3A_316, %add3A_444 : i32
        %get3A_446 = arith.index_cast %add3A_445 : i32 to index
        %get3A_447 = arith.constant 32 : index
        %get3A_448 = tpu.vector_load %arg6[%get3A_446, %get3A_447] {strides = array<i32>} : memref<200x64xi32, #tpu.memory_space<vmem>>, vector<1x16xi32>,
        %get3A_449 = vector.shape_cast %get3A_448 : vector<1x16xi32> to vector<16xi32>
        %shift_left3A_450 = arith.constant 16 : i32
        %shift_left3A_451 = vector.broadcast %shift_left3A_450 : i32 to vector<16xi32>
        %shift_left3A_452 = arith.shli %get3A_449, %shift_left3A_451 : vector<16xi32>
        %bitcast_convert_type3A_453 = tpu.bitcast %shift_left3A_452 : vector<16xi32> -> vector<16xf32>
        %add3A_454 = arith.addf %add3A_402, %bitcast_convert_type3A_453 : vector<16xf32>
        %bitcast_convert_type3A_455 = tpu.bitcast %get3A_449 : vector<16xi32> -> vector<16xf32>
        %add3A_456 = arith.addf %add3A_404, %bitcast_convert_type3A_455 : vector<16xf32>
        %add3A_457 = arith.constant 2 : i32
        %add3A_458 = arith.addi %mul3A_316, %add3A_457 : i32
        %get3A_459 = arith.index_cast %add3A_458 : i32 to index
        %get3A_460 = arith.constant 48 : index
        %get3A_461 = tpu.vector_load %arg6[%get3A_459, %get3A_460] {strides = array<i32>} : memref<200x64xi32, #tpu.memory_space<vmem>>, vector<1x16xi32>,
        %get3A_462 = vector.shape_cast %get3A_461 : vector<1x16xi32> to vector<16xi32>
        %shift_left3A_463 = arith.constant 16 : i32
        %shift_left3A_464 = vector.broadcast %shift_left3A_463 : i32 to vector<16xi32>
        %shift_left3A_465 = arith.shli %get3A_462, %shift_left3A_464 : vector<16xi32>
        %bitcast_convert_type3A_466 = tpu.bitcast %shift_left3A_465 : vector<16xi32> -> vector<16xf32>
        %add3A_467 = arith.addf %add3A_415, %bitcast_convert_type3A_466 : vector<16xf32>
        %bitcast_convert_type3A_468 = tpu.bitcast %get3A_462 : vector<16xi32> -> vector<16xf32>
        %add3A_469 = arith.addf %add3A_417, %bitcast_convert_type3A_468 : vector<16xf32>
        %add3A_470 = arith.constant 3 : i32
        %add3A_471 = arith.addi %mul3A_316, %add3A_470 : i32
        %get3A_472 = arith.index_cast %add3A_471 : i32 to index
        %get3A_473 = arith.constant 0 : index
        %get3A_474 = tpu.vector_load %arg6[%get3A_472, %get3A_473] {strides = array<i32>} : memref<200x64xi32, #tpu.memory_space<vmem>>, vector<1x16xi32>,
        %get3A_475 = vector.shape_cast %get3A_474 : vector<1x16xi32> to vector<16xi32>
        %shift_left3A_476 = arith.constant 16 : i32
        %shift_left3A_477 = vector.broadcast %shift_left3A_476 : i32 to vector<16xi32>
        %shift_left3A_478 = arith.shli %get3A_475, %shift_left3A_477 : vector<16xi32>
        %bitcast_convert_type3A_479 = tpu.bitcast %shift_left3A_478 : vector<16xi32> -> vector<16xf32>
        %add3A_480 = arith.addf %add3A_428, %bitcast_convert_type3A_479 : vector<16xf32>
        %bitcast_convert_type3A_481 = tpu.bitcast %get3A_475 : vector<16xi32> -> vector<16xf32>
        %add3A_482 = arith.addf %add3A_430, %bitcast_convert_type3A_481 : vector<16xf32>
        %add3A_483 = arith.constant 3 : i32
        %add3A_484 = arith.addi %mul3A_316, %add3A_483 : i32
        %get3A_485 = arith.index_cast %add3A_484 : i32 to index
        %get3A_486 = arith.constant 16 : index
        %get3A_487 = tpu.vector_load %arg6[%get3A_485, %get3A_486] {strides = array<i32>} : memref<200x64xi32, #tpu.memory_space<vmem>>, vector<1x16xi32>,
        %get3A_488 = vector.shape_cast %get3A_487 : vector<1x16xi32> to vector<16xi32>
        %shift_left3A_489 = arith.constant 16 : i32
        %shift_left3A_490 = vector.broadcast %shift_left3A_489 : i32 to vector<16xi32>
        %shift_left3A_491 = arith.shli %get3A_488, %shift_left3A_490 : vector<16xi32>
        %bitcast_convert_type3A_492 = tpu.bitcast %shift_left3A_491 : vector<16xi32> -> vector<16xf32>
        %add3A_493 = arith.addf %add3A_441, %bitcast_convert_type3A_492 : vector<16xf32>
        %bitcast_convert_type3A_494 = tpu.bitcast %get3A_488 : vector<16xi32> -> vector<16xf32>
        %add3A_495 = arith.addf %add3A_443, %bitcast_convert_type3A_494 : vector<16xf32>
        %add3A_496 = arith.constant 3 : i32
        %add3A_497 = arith.addi %mul3A_316, %add3A_496 : i32
        %get3A_498 = arith.index_cast %add3A_497 : i32 to index
        %get3A_499 = arith.constant 32 : index
        %get3A_500 = tpu.vector_load %arg6[%get3A_498, %get3A_499] {strides = array<i32>} : memref<200x64xi32, #tpu.memory_space<vmem>>, vector<1x16xi32>,
        %get3A_501 = vector.shape_cast %get3A_500 : vector<1x16xi32> to vector<16xi32>
        %shift_left3A_502 = arith.constant 16 : i32
        %shift_left3A_503 = vector.broadcast %shift_left3A_502 : i32 to vector<16xi32>
        %shift_left3A_504 = arith.shli %get3A_501, %shift_left3A_503 : vector<16xi32>
        %bitcast_convert_type3A_505 = tpu.bitcast %shift_left3A_504 : vector<16xi32> -> vector<16xf32>
        %add3A_506 = arith.addf %add3A_454, %bitcast_convert_type3A_505 : vector<16xf32>
        %bitcast_convert_type3A_507 = tpu.bitcast %get3A_501 : vector<16xi32> -> vector<16xf32>
        %add3A_508 = arith.addf %add3A_456, %bitcast_convert_type3A_507 : vector<16xf32>
        %add3A_509 = arith.constant 3 : i32
        %add3A_510 = arith.addi %mul3A_316, %add3A_509 : i32
        %get3A_511 = arith.index_cast %add3A_510 : i32 to index
        %get3A_512 = arith.constant 48 : index
        %get3A_513 = tpu.vector_load %arg6[%get3A_511, %get3A_512] {strides = array<i32>} : memref<200x64xi32, #tpu.memory_space<vmem>>, vector<1x16xi32>,
        %get3A_514 = vector.shape_cast %get3A_513 : vector<1x16xi32> to vector<16xi32>
        %shift_left3A_515 = arith.constant 16 : i32
        %shift_left3A_516 = vector.broadcast %shift_left3A_515 : i32 to vector<16xi32>
        %shift_left3A_517 = arith.shli %get3A_514, %shift_left3A_516 : vector<16xi32>
        %bitcast_convert_type3A_518 = tpu.bitcast %shift_left3A_517 : vector<16xi32> -> vector<16xf32>
        %add3A_519 = arith.addf %add3A_467, %bitcast_convert_type3A_518 : vector<16xf32>
        %bitcast_convert_type3A_520 = tpu.bitcast %get3A_514 : vector<16xi32> -> vector<16xf32>
        %add3A_521 = arith.addf %add3A_469, %bitcast_convert_type3A_520 : vector<16xf32>
        scf.yield %add3A_480, %add3A_493, %add3A_506, %add3A_519, %add3A_482, %add3A_495, %add3A_508, %add3A_521 : vector<16xf32>, vector<16xf32>, vector<16xf32>, vector<16xf32>, vector<16xf32>, vector<16xf32>, vector<16xf32>, vector<16xf32>
      }
      %scan3A_68 = arith.constant 50 : i32
      %mul3A_69 = arith.constant 5.000000e-03 : f32
      %mul3A_70 = vector.broadcast %mul3A_69 : f32 to vector<16xf32>
      %mul3A_71 = arith.mulf %scan3A_67#0, %mul3A_70 : vector<16xf32>
      %swap3A = arith.index_cast %add3A_53 : i32 to index
      %swap3A_72 = arith.constant 0 : index
      %swap3A_73 = tpu.vector_load %arg9[%swap3A, %swap3A_72] {strides = array<i32>} : memref<96x128xf32, #tpu.memory_space<vmem>>, vector<1x16xf32>,
      %swap3A_74 = vector.shape_cast %swap3A_73 : vector<1x16xf32> to vector<16xf32>
      %swap3A_75 = vector.shape_cast %mul3A_71 : vector<16xf32> to vector<1x16xf32>
      tpu.vector_store %arg9[%swap3A, %swap3A_72], %swap3A_75 {strides = array<i32>} : memref<96x128xf32, #tpu.memory_space<vmem>>, vector<1x16xf32>,
      %mul3A_76 = arith.constant 5.000000e-03 : f32
      %mul3A_77 = vector.broadcast %mul3A_76 : f32 to vector<16xf32>
      %mul3A_78 = arith.mulf %scan3A_67#4, %mul3A_77 : vector<16xf32>
      %swap3A_79 = arith.index_cast %add3A_53 : i32 to index
      %swap3A_80 = arith.constant 16 : index
      %swap3A_81 = tpu.vector_load %arg9[%swap3A_79, %swap3A_80] {strides = array<i32>} : memref<96x128xf32, #tpu.memory_space<vmem>>, vector<1x16xf32>,
      %swap3A_82 = vector.shape_cast %swap3A_81 : vector<1x16xf32> to vector<16xf32>
      %swap3A_83 = vector.shape_cast %mul3A_78 : vector<16xf32> to vector<1x16xf32>
      tpu.vector_store %arg9[%swap3A_79, %swap3A_80], %swap3A_83 {strides = array<i32>} : memref<96x128xf32, #tpu.memory_space<vmem>>, vector<1x16xf32>,
      %mul3A_84 = arith.constant 5.000000e-03 : f32
      %mul3A_85 = vector.broadcast %mul3A_84 : f32 to vector<16xf32>
      %mul3A_86 = arith.mulf %scan3A_67#1, %mul3A_85 : vector<16xf32>
      %swap3A_87 = arith.index_cast %add3A_53 : i32 to index
      %swap3A_88 = arith.constant 32 : index
      %swap3A_89 = tpu.vector_load %arg9[%swap3A_87, %swap3A_88] {strides = array<i32>} : memref<96x128xf32, #tpu.memory_space<vmem>>, vector<1x16xf32>,
      %swap3A_90 = vector.shape_cast %swap3A_89 : vector<1x16xf32> to vector<16xf32>
      %swap3A_91 = vector.shape_cast %mul3A_86 : vector<16xf32> to vector<1x16xf32>
      tpu.vector_store %arg9[%swap3A_87, %swap3A_88], %swap3A_91 {strides = array<i32>} : memref<96x128xf32, #tpu.memory_space<vmem>>, vector<1x16xf32>,
      %mul3A_92 = arith.constant 5.000000e-03 : f32
      %mul3A_93 = vector.broadcast %mul3A_92 : f32 to vector<16xf32>
      %mul3A_94 = arith.mulf %scan3A_67#5, %mul3A_93 : vector<16xf32>
      %swap3A_95 = arith.index_cast %add3A_53 : i32 to index
      %swap3A_96 = arith.constant 48 : index
      %swap3A_97 = tpu.vector_load %arg9[%swap3A_95, %swap3A_96] {strides = array<i32>} : memref<96x128xf32, #tpu.memory_space<vmem>>, vector<1x16xf32>,
      %swap3A_98 = vector.shape_cast %swap3A_97 : vector<1x16xf32> to vector<16xf32>
      %swap3A_99 = vector.shape_cast %mul3A_94 : vector<16xf32> to vector<1x16xf32>
      tpu.vector_store %arg9[%swap3A_95, %swap3A_96], %swap3A_99 {strides = array<i32>} : memref<96x128xf32, #tpu.memory_space<vmem>>, vector<1x16xf32>,
      %mul3A_100 = arith.constant 5.000000e-03 : f32
      %mul3A_101 = vector.broadcast %mul3A_100 : f32 to vector<16xf32>
      %mul3A_102 = arith.mulf %scan3A_67#2, %mul3A_101 : vector<16xf32>
      %swap3A_103 = arith.index_cast %add3A_53 : i32 to index
      %swap3A_104 = arith.constant 64 : index
      %swap3A_105 = tpu.vector_load %arg9[%swap3A_103, %swap3A_104] {strides = array<i32>} : memref<96x128xf32, #tpu.memory_space<vmem>>, vector<1x16xf32>,
      %swap3A_106 = vector.shape_cast %swap3A_105 : vector<1x16xf32> to vector<16xf32>
      %swap3A_107 = vector.shape_cast %mul3A_102 : vector<16xf32> to vector<1x16xf32>
      tpu.vector_store %arg9[%swap3A_103, %swap3A_104], %swap3A_107 {strides = array<i32>} : memref<96x128xf32, #tpu.memory_space<vmem>>, vector<1x16xf32>,
      %mul3A_108 = arith.constant 5.000000e-03 : f32
      %mul3A_109 = vector.broadcast %mul3A_108 : f32 to vector<16xf32>
      %mul3A_110 = arith.mulf %scan3A_67#6, %mul3A_109 : vector<16xf32>
      %swap3A_111 = arith.index_cast %add3A_53 : i32 to index
      %swap3A_112 = arith.constant 80 : index
      %swap3A_113 = tpu.vector_load %arg9[%swap3A_111, %swap3A_112] {strides = array<i32>} : memref<96x128xf32, #tpu.memory_space<vmem>>, vector<1x16xf32>,
      %swap3A_114 = vector.shape_cast %swap3A_113 : vector<1x16xf32> to vector<16xf32>
      %swap3A_115 = vector.shape_cast %mul3A_110 : vector<16xf32> to vector<1x16xf32>
      tpu.vector_store %arg9[%swap3A_111, %swap3A_112], %swap3A_115 {strides = array<i32>} : memref<96x128xf32, #tpu.memory_space<vmem>>, vector<1x16xf32>,
      %mul3A_116 = arith.constant 5.000000e-03 : f32
      %mul3A_117 = vector.broadcast %mul3A_116 : f32 to vector<16xf32>
      %mul3A_118 = arith.mulf %scan3A_67#3, %mul3A_117 : vector<16xf32>
      %swap3A_119 = arith.index_cast %add3A_53 : i32 to index
      %swap3A_120 = arith.constant 96 : index
      %swap3A_121 = tpu.vector_load %arg9[%swap3A_119, %swap3A_120] {strides = array<i32>} : memref<96x128xf32, #tpu.memory_space<vmem>>, vector<1x16xf32>,
      %swap3A_122 = vector.shape_cast %swap3A_121 : vector<1x16xf32> to vector<16xf32>
      %swap3A_123 = vector.shape_cast %mul3A_118 : vector<16xf32> to vector<1x16xf32>
      tpu.vector_store %arg9[%swap3A_119, %swap3A_120], %swap3A_123 {strides = array<i32>} : memref<96x128xf32, #tpu.memory_space<vmem>>, vector<1x16xf32>,
      %mul3A_124 = arith.constant 5.000000e-03 : f32
      %mul3A_125 = vector.broadcast %mul3A_124 : f32 to vector<16xf32>
      %mul3A_126 = arith.mulf %scan3A_67#7, %mul3A_125 : vector<16xf32>
      %swap3A_127 = arith.index_cast %add3A_53 : i32 to index
      %swap3A_128 = arith.constant 112 : index
      %swap3A_129 = tpu.vector_load %arg9[%swap3A_127, %swap3A_128] {strides = array<i32>} : memref<96x128xf32, #tpu.memory_space<vmem>>, vector<1x16xf32>,
      %swap3A_130 = vector.shape_cast %swap3A_129 : vector<1x16xf32> to vector<16xf32>
      %swap3A_131 = vector.shape_cast %mul3A_126 : vector<16xf32> to vector<1x16xf32>
      tpu.vector_store %arg9[%swap3A_127, %swap3A_128], %swap3A_131 {strides = array<i32>} : memref<96x128xf32, #tpu.memory_space<vmem>>, vector<1x16xf32>,
      %mul3A_132 = arith.constant 3 : i32
      %mul3A_133 = arith.muli %scan3A_49, %mul3A_132 : i32
      %add3A_134 = arith.constant 1 : i32
      %add3A_135 = arith.addi %mul3A_133, %add3A_134 : i32
      %dma_wait3A_136 = arith.constant 0 : i32
      %dma_wait3A_137 = arith.constant 0 : i32
      %dma_wait3A_138 = tpu.memref_slice %arg3[%dma_wait3A_136, %dma_wait3A_137] : memref<100000x64xi32, #tpu.memory_space<hbm>> -> memref<200x64xi32, #tpu.memory_space<hbm>>
      %dma_wait3A_139 = arith.constant 0 : i32
      %dma_wait3A_140 = arith.constant 0 : i32
      %dma_wait3A_141 = tpu.memref_slice %arg3[%dma_wait3A_139, %dma_wait3A_140] : memref<100000x64xi32, #tpu.memory_space<hbm>> -> memref<200x64xi32, #tpu.memory_space<hbm>>
      tpu.wait_dma2 semaphore(%arg11 : memref<!tpu.dma_semaphore, #tpu.memory_space<semaphore_mem>>) src(%dma_wait3A_141 : memref<200x64xi32, #tpu.memory_space<hbm>>) dst(%arg7 : memref<200x64xi32, #tpu.memory_space<vmem>>)
      %add3A_142 = arith.constant 2 : i32
      %add3A_143 = arith.addi %add3A_135, %add3A_142 : i32
      %lt3A_144 = arith.constant 96 : i32
      %lt3A_145 = arith.cmpi slt, %add3A_143, %lt3A_144 : i32
      %convert_element_type3A_146 = arith.extui %lt3A_145 : i1 to i32
      %cond3A_147 = arith.constant 0 : i32
      %cond3A_148 = arith.cmpi ne, %convert_element_type3A_146, %cond3A_147 : i32
      scf.if %cond3A_148 {
        %add3A_306 = arith.constant 2 : i32
        %add3A_307 = arith.addi %add3A_135, %add3A_306 : i32
        %mul3A_308 = arith.constant 200 : i32
        %mul3A_309 = arith.muli %add3A_307, %mul3A_308 : i32
        %multiple_of3A_310 = tpu.assume_multiple %mul3A_309, 8 : i32
        %dma_start3A_311 = arith.constant 0 : i32
        %dma_start3A_312 = arith.constant 0 : i32
        %dma_start3A_313 = tpu.memref_slice %arg6[%dma_start3A_311, %dma_start3A_312] : memref<200x64xi32, #tpu.memory_space<vmem>> -> memref<104x64xi32, #tpu.memory_space<vmem>>
        %dma_start3A_314 = tpu.memref_slice %arg5[%multiple_of3A_310] : memref<19200xi32, #tpu.memory_space<vmem>> -> memref<104xi32, #tpu.memory_space<vmem>>
        %dma_start3A_315 = arith.constant 0 : i32
        %dma_start3A_316 = arith.constant 0 : i32
        %dma_start3A_317 = tpu.memref_slice %arg3[%dma_start3A_315, %dma_start3A_316] : memref<100000x64xi32, #tpu.memory_space<hbm>> -> memref<100000x64xi32, #tpu.memory_space<hbm>>
        tpu.enqueue_indirect_dma source(%dma_start3A_317 : memref<100000x64xi32, #tpu.memory_space<hbm>>) target(%dma_start3A_313 : memref<104x64xi32, #tpu.memory_space<vmem>>) offsets(%dma_start3A_314 : memref<104xi32, #tpu.memory_space<vmem>>) semaphore(%arg10 : memref<!tpu.dma_semaphore, #tpu.memory_space<semaphore_mem>>)
        %add3A_318 = arith.constant 104 : i32
        %add3A_319 = arith.addi %multiple_of3A_310, %add3A_318 : i32
        %dma_start3A_320 = arith.constant 104 : i32
        %dma_start3A_321 = arith.constant 0 : i32
        %dma_start3A_322 = tpu.memref_slice %arg6[%dma_start3A_320, %dma_start3A_321] : memref<200x64xi32, #tpu.memory_space<vmem>> -> memref<96x64xi32, #tpu.memory_space<vmem>>
        %dma_start3A_323 = tpu.memref_slice %arg5[%add3A_319] : memref<19200xi32, #tpu.memory_space<vmem>> -> memref<96xi32, #tpu.memory_space<vmem>>
        %dma_start3A_324 = arith.constant 0 : i32
        %dma_start3A_325 = arith.constant 0 : i32
        %dma_start3A_326 = tpu.memref_slice %arg3[%dma_start3A_324, %dma_start3A_325] : memref<100000x64xi32, #tpu.memory_space<hbm>> -> memref<100000x64xi32, #tpu.memory_space<hbm>>
        tpu.enqueue_indirect_dma source(%dma_start3A_326 : memref<100000x64xi32, #tpu.memory_space<hbm>>) target(%dma_start3A_322 : memref<96x64xi32, #tpu.memory_space<vmem>>) offsets(%dma_start3A_323 : memref<96xi32, #tpu.memory_space<vmem>>) semaphore(%arg10 : memref<!tpu.dma_semaphore, #tpu.memory_space<semaphore_mem>>)
      } else {
      }
      %scan3A_149 = arith.constant 0 : i32
      %scan3A_150 = arith.constant 50 : i32
      %scan3A_151 = arith.addi %scan3A_149, %scan3A_150 : i32
      %scan3A_152 = arith.constant 1 : i32
      %scan3A_153:8 = scf.for %scan3A_306 = %scan3A_149 to %scan3A_151 step %scan3A_152 iter_args(%scan3A_307 = %broadcast_in_dim3A_7, %scan3A_308 = %broadcast_in_dim3A_7, %scan3A_309 = %broadcast_in_dim3A_7, %scan3A_310 = %broadcast_in_dim3A_7, %scan3A_311 = %broadcast_in_dim3A_7, %scan3A_312 = %broadcast_in_dim3A_7, %scan3A_313 = %broadcast_in_dim3A_7, %scan3A_314 = %broadcast_in_dim3A_7) -> (vector<16xf32>, vector<16xf32>, vector<16xf32>, vector<16xf32>, vector<16xf32>, vector<16xf32>, vector<16xf32>, vector<16xf32>)  : i32 {
        %mul3A_315 = arith.constant 4 : i32
        %mul3A_316 = arith.muli %scan3A_306, %mul3A_315 : i32
        %add3A_317 = arith.constant 0 : i32
        %add3A_318 = arith.addi %mul3A_316, %add3A_317 : i32
        %get3A = arith.index_cast %add3A_318 : i32 to index
        %get3A_319 = arith.constant 0 : index
        %get3A_320 = tpu.vector_load %arg7[%get3A, %get3A_319] {strides = array<i32>} : memref<200x64xi32, #tpu.memory_space<vmem>>, vector<1x16xi32>,
        %get3A_321 = vector.shape_cast %get3A_320 : vector<1x16xi32> to vector<16xi32>
        %shift_left3A = arith.constant 16 : i32
        %shift_left3A_322 = vector.broadcast %shift_left3A : i32 to vector<16xi32>
        %shift_left3A_323 = arith.shli %get3A_321, %shift_left3A_322 : vector<16xi32>
        %bitcast_convert_type3A = tpu.bitcast %shift_left3A_323 : vector<16xi32> -> vector<16xf32>
        %add3A_324 = arith.addf %scan3A_307, %bitcast_convert_type3A : vector<16xf32>
        %bitcast_convert_type3A_325 = tpu.bitcast %get3A_321 : vector<16xi32> -> vector<16xf32>
        %add3A_326 = arith.addf %scan3A_311, %bitcast_convert_type3A_325 : vector<16xf32>
        %add3A_327 = arith.constant 0 : i32
        %add3A_328 = arith.addi %mul3A_316, %add3A_327 : i32
        %get3A_329 = arith.index_cast %add3A_328 : i32 to index
        %get3A_330 = arith.constant 16 : index
        %get3A_331 = tpu.vector_load %arg7[%get3A_329, %get3A_330] {strides = array<i32>} : memref<200x64xi32, #tpu.memory_space<vmem>>, vector<1x16xi32>,
        %get3A_332 = vector.shape_cast %get3A_331 : vector<1x16xi32> to vector<16xi32>
        %shift_left3A_333 = arith.constant 16 : i32
        %shift_left3A_334 = vector.broadcast %shift_left3A_333 : i32 to vector<16xi32>
        %shift_left3A_335 = arith.shli %get3A_332, %shift_left3A_334 : vector<16xi32>
        %bitcast_convert_type3A_336 = tpu.bitcast %shift_left3A_335 : vector<16xi32> -> vector<16xf32>
        %add3A_337 = arith.addf %scan3A_308, %bitcast_convert_type3A_336 : vector<16xf32>
        %bitcast_convert_type3A_338 = tpu.bitcast %get3A_332 : vector<16xi32> -> vector<16xf32>
        %add3A_339 = arith.addf %scan3A_312, %bitcast_convert_type3A_338 : vector<16xf32>
        %add3A_340 = arith.constant 0 : i32
        %add3A_341 = arith.addi %mul3A_316, %add3A_340 : i32
        %get3A_342 = arith.index_cast %add3A_341 : i32 to index
        %get3A_343 = arith.constant 32 : index
        %get3A_344 = tpu.vector_load %arg7[%get3A_342, %get3A_343] {strides = array<i32>} : memref<200x64xi32, #tpu.memory_space<vmem>>, vector<1x16xi32>,
        %get3A_345 = vector.shape_cast %get3A_344 : vector<1x16xi32> to vector<16xi32>
        %shift_left3A_346 = arith.constant 16 : i32
        %shift_left3A_347 = vector.broadcast %shift_left3A_346 : i32 to vector<16xi32>
        %shift_left3A_348 = arith.shli %get3A_345, %shift_left3A_347 : vector<16xi32>
        %bitcast_convert_type3A_349 = tpu.bitcast %shift_left3A_348 : vector<16xi32> -> vector<16xf32>
        %add3A_350 = arith.addf %scan3A_309, %bitcast_convert_type3A_349 : vector<16xf32>
        %bitcast_convert_type3A_351 = tpu.bitcast %get3A_345 : vector<16xi32> -> vector<16xf32>
        %add3A_352 = arith.addf %scan3A_313, %bitcast_convert_type3A_351 : vector<16xf32>
        %add3A_353 = arith.constant 0 : i32
        %add3A_354 = arith.addi %mul3A_316, %add3A_353 : i32
        %get3A_355 = arith.index_cast %add3A_354 : i32 to index
        %get3A_356 = arith.constant 48 : index
        %get3A_357 = tpu.vector_load %arg7[%get3A_355, %get3A_356] {strides = array<i32>} : memref<200x64xi32, #tpu.memory_space<vmem>>, vector<1x16xi32>,
        %get3A_358 = vector.shape_cast %get3A_357 : vector<1x16xi32> to vector<16xi32>
        %shift_left3A_359 = arith.constant 16 : i32
        %shift_left3A_360 = vector.broadcast %shift_left3A_359 : i32 to vector<16xi32>
        %shift_left3A_361 = arith.shli %get3A_358, %shift_left3A_360 : vector<16xi32>
        %bitcast_convert_type3A_362 = tpu.bitcast %shift_left3A_361 : vector<16xi32> -> vector<16xf32>
        %add3A_363 = arith.addf %scan3A_310, %bitcast_convert_type3A_362 : vector<16xf32>
        %bitcast_convert_type3A_364 = tpu.bitcast %get3A_358 : vector<16xi32> -> vector<16xf32>
        %add3A_365 = arith.addf %scan3A_314, %bitcast_convert_type3A_364 : vector<16xf32>
        %add3A_366 = arith.constant 1 : i32
        %add3A_367 = arith.addi %mul3A_316, %add3A_366 : i32
        %get3A_368 = arith.index_cast %add3A_367 : i32 to index
        %get3A_369 = arith.constant 0 : index
        %get3A_370 = tpu.vector_load %arg7[%get3A_368, %get3A_369] {strides = array<i32>} : memref<200x64xi32, #tpu.memory_space<vmem>>, vector<1x16xi32>,
        %get3A_371 = vector.shape_cast %get3A_370 : vector<1x16xi32> to vector<16xi32>
        %shift_left3A_372 = arith.constant 16 : i32
        %shift_left3A_373 = vector.broadcast %shift_left3A_372 : i32 to vector<16xi32>
        %shift_left3A_374 = arith.shli %get3A_371, %shift_left3A_373 : vector<16xi32>
        %bitcast_convert_type3A_375 = tpu.bitcast %shift_left3A_374 : vector<16xi32> -> vector<16xf32>
        %add3A_376 = arith.addf %add3A_324, %bitcast_convert_type3A_375 : vector<16xf32>
        %bitcast_convert_type3A_377 = tpu.bitcast %get3A_371 : vector<16xi32> -> vector<16xf32>
        %add3A_378 = arith.addf %add3A_326, %bitcast_convert_type3A_377 : vector<16xf32>
        %add3A_379 = arith.constant 1 : i32
        %add3A_380 = arith.addi %mul3A_316, %add3A_379 : i32
        %get3A_381 = arith.index_cast %add3A_380 : i32 to index
        %get3A_382 = arith.constant 16 : index
        %get3A_383 = tpu.vector_load %arg7[%get3A_381, %get3A_382] {strides = array<i32>} : memref<200x64xi32, #tpu.memory_space<vmem>>, vector<1x16xi32>,
        %get3A_384 = vector.shape_cast %get3A_383 : vector<1x16xi32> to vector<16xi32>
        %shift_left3A_385 = arith.constant 16 : i32
        %shift_left3A_386 = vector.broadcast %shift_left3A_385 : i32 to vector<16xi32>
        %shift_left3A_387 = arith.shli %get3A_384, %shift_left3A_386 : vector<16xi32>
        %bitcast_convert_type3A_388 = tpu.bitcast %shift_left3A_387 : vector<16xi32> -> vector<16xf32>
        %add3A_389 = arith.addf %add3A_337, %bitcast_convert_type3A_388 : vector<16xf32>
        %bitcast_convert_type3A_390 = tpu.bitcast %get3A_384 : vector<16xi32> -> vector<16xf32>
        %add3A_391 = arith.addf %add3A_339, %bitcast_convert_type3A_390 : vector<16xf32>
        %add3A_392 = arith.constant 1 : i32
        %add3A_393 = arith.addi %mul3A_316, %add3A_392 : i32
        %get3A_394 = arith.index_cast %add3A_393 : i32 to index
        %get3A_395 = arith.constant 32 : index
        %get3A_396 = tpu.vector_load %arg7[%get3A_394, %get3A_395] {strides = array<i32>} : memref<200x64xi32, #tpu.memory_space<vmem>>, vector<1x16xi32>,
        %get3A_397 = vector.shape_cast %get3A_396 : vector<1x16xi32> to vector<16xi32>
        %shift_left3A_398 = arith.constant 16 : i32
        %shift_left3A_399 = vector.broadcast %shift_left3A_398 : i32 to vector<16xi32>
        %shift_left3A_400 = arith.shli %get3A_397, %shift_left3A_399 : vector<16xi32>
        %bitcast_convert_type3A_401 = tpu.bitcast %shift_left3A_400 : vector<16xi32> -> vector<16xf32>
        %add3A_402 = arith.addf %add3A_350, %bitcast_convert_type3A_401 : vector<16xf32>
        %bitcast_convert_type3A_403 = tpu.bitcast %get3A_397 : vector<16xi32> -> vector<16xf32>
        %add3A_404 = arith.addf %add3A_352, %bitcast_convert_type3A_403 : vector<16xf32>
        %add3A_405 = arith.constant 1 : i32
        %add3A_406 = arith.addi %mul3A_316, %add3A_405 : i32
        %get3A_407 = arith.index_cast %add3A_406 : i32 to index
        %get3A_408 = arith.constant 48 : index
        %get3A_409 = tpu.vector_load %arg7[%get3A_407, %get3A_408] {strides = array<i32>} : memref<200x64xi32, #tpu.memory_space<vmem>>, vector<1x16xi32>,
        %get3A_410 = vector.shape_cast %get3A_409 : vector<1x16xi32> to vector<16xi32>
        %shift_left3A_411 = arith.constant 16 : i32
        %shift_left3A_412 = vector.broadcast %shift_left3A_411 : i32 to vector<16xi32>
        %shift_left3A_413 = arith.shli %get3A_410, %shift_left3A_412 : vector<16xi32>
        %bitcast_convert_type3A_414 = tpu.bitcast %shift_left3A_413 : vector<16xi32> -> vector<16xf32>
        %add3A_415 = arith.addf %add3A_363, %bitcast_convert_type3A_414 : vector<16xf32>
        %bitcast_convert_type3A_416 = tpu.bitcast %get3A_410 : vector<16xi32> -> vector<16xf32>
        %add3A_417 = arith.addf %add3A_365, %bitcast_convert_type3A_416 : vector<16xf32>
        %add3A_418 = arith.constant 2 : i32
        %add3A_419 = arith.addi %mul3A_316, %add3A_418 : i32
        %get3A_420 = arith.index_cast %add3A_419 : i32 to index
        %get3A_421 = arith.constant 0 : index
        %get3A_422 = tpu.vector_load %arg7[%get3A_420, %get3A_421] {strides = array<i32>} : memref<200x64xi32, #tpu.memory_space<vmem>>, vector<1x16xi32>,
        %get3A_423 = vector.shape_cast %get3A_422 : vector<1x16xi32> to vector<16xi32>
        %shift_left3A_424 = arith.constant 16 : i32
        %shift_left3A_425 = vector.broadcast %shift_left3A_424 : i32 to vector<16xi32>
        %shift_left3A_426 = arith.shli %get3A_423, %shift_left3A_425 : vector<16xi32>
        %bitcast_convert_type3A_427 = tpu.bitcast %shift_left3A_426 : vector<16xi32> -> vector<16xf32>
        %add3A_428 = arith.addf %add3A_376, %bitcast_convert_type3A_427 : vector<16xf32>
        %bitcast_convert_type3A_429 = tpu.bitcast %get3A_423 : vector<16xi32> -> vector<16xf32>
        %add3A_430 = arith.addf %add3A_378, %bitcast_convert_type3A_429 : vector<16xf32>
        %add3A_431 = arith.constant 2 : i32
        %add3A_432 = arith.addi %mul3A_316, %add3A_431 : i32
        %get3A_433 = arith.index_cast %add3A_432 : i32 to index
        %get3A_434 = arith.constant 16 : index
        %get3A_435 = tpu.vector_load %arg7[%get3A_433, %get3A_434] {strides = array<i32>} : memref<200x64xi32, #tpu.memory_space<vmem>>, vector<1x16xi32>,
        %get3A_436 = vector.shape_cast %get3A_435 : vector<1x16xi32> to vector<16xi32>
        %shift_left3A_437 = arith.constant 16 : i32
        %shift_left3A_438 = vector.broadcast %shift_left3A_437 : i32 to vector<16xi32>
        %shift_left3A_439 = arith.shli %get3A_436, %shift_left3A_438 : vector<16xi32>
        %bitcast_convert_type3A_440 = tpu.bitcast %shift_left3A_439 : vector<16xi32> -> vector<16xf32>
        %add3A_441 = arith.addf %add3A_389, %bitcast_convert_type3A_440 : vector<16xf32>
        %bitcast_convert_type3A_442 = tpu.bitcast %get3A_436 : vector<16xi32> -> vector<16xf32>
        %add3A_443 = arith.addf %add3A_391, %bitcast_convert_type3A_442 : vector<16xf32>
        %add3A_444 = arith.constant 2 : i32
        %add3A_445 = arith.addi %mul3A_316, %add3A_444 : i32
        %get3A_446 = arith.index_cast %add3A_445 : i32 to index
        %get3A_447 = arith.constant 32 : index
        %get3A_448 = tpu.vector_load %arg7[%get3A_446, %get3A_447] {strides = array<i32>} : memref<200x64xi32, #tpu.memory_space<vmem>>, vector<1x16xi32>,
        %get3A_449 = vector.shape_cast %get3A_448 : vector<1x16xi32> to vector<16xi32>
        %shift_left3A_450 = arith.constant 16 : i32
        %shift_left3A_451 = vector.broadcast %shift_left3A_450 : i32 to vector<16xi32>
        %shift_left3A_452 = arith.shli %get3A_449, %shift_left3A_451 : vector<16xi32>
        %bitcast_convert_type3A_453 = tpu.bitcast %shift_left3A_452 : vector<16xi32> -> vector<16xf32>
        %add3A_454 = arith.addf %add3A_402, %bitcast_convert_type3A_453 : vector<16xf32>
        %bitcast_convert_type3A_455 = tpu.bitcast %get3A_449 : vector<16xi32> -> vector<16xf32>
        %add3A_456 = arith.addf %add3A_404, %bitcast_convert_type3A_455 : vector<16xf32>
        %add3A_457 = arith.constant 2 : i32
        %add3A_458 = arith.addi %mul3A_316, %add3A_457 : i32
        %get3A_459 = arith.index_cast %add3A_458 : i32 to index
        %get3A_460 = arith.constant 48 : index
        %get3A_461 = tpu.vector_load %arg7[%get3A_459, %get3A_460] {strides = array<i32>} : memref<200x64xi32, #tpu.memory_space<vmem>>, vector<1x16xi32>,
        %get3A_462 = vector.shape_cast %get3A_461 : vector<1x16xi32> to vector<16xi32>
        %shift_left3A_463 = arith.constant 16 : i32
        %shift_left3A_464 = vector.broadcast %shift_left3A_463 : i32 to vector<16xi32>
        %shift_left3A_465 = arith.shli %get3A_462, %shift_left3A_464 : vector<16xi32>
        %bitcast_convert_type3A_466 = tpu.bitcast %shift_left3A_465 : vector<16xi32> -> vector<16xf32>
        %add3A_467 = arith.addf %add3A_415, %bitcast_convert_type3A_466 : vector<16xf32>
        %bitcast_convert_type3A_468 = tpu.bitcast %get3A_462 : vector<16xi32> -> vector<16xf32>
        %add3A_469 = arith.addf %add3A_417, %bitcast_convert_type3A_468 : vector<16xf32>
        %add3A_470 = arith.constant 3 : i32
        %add3A_471 = arith.addi %mul3A_316, %add3A_470 : i32
        %get3A_472 = arith.index_cast %add3A_471 : i32 to index
        %get3A_473 = arith.constant 0 : index
        %get3A_474 = tpu.vector_load %arg7[%get3A_472, %get3A_473] {strides = array<i32>} : memref<200x64xi32, #tpu.memory_space<vmem>>, vector<1x16xi32>,
        %get3A_475 = vector.shape_cast %get3A_474 : vector<1x16xi32> to vector<16xi32>
        %shift_left3A_476 = arith.constant 16 : i32
        %shift_left3A_477 = vector.broadcast %shift_left3A_476 : i32 to vector<16xi32>
        %shift_left3A_478 = arith.shli %get3A_475, %shift_left3A_477 : vector<16xi32>
        %bitcast_convert_type3A_479 = tpu.bitcast %shift_left3A_478 : vector<16xi32> -> vector<16xf32>
        %add3A_480 = arith.addf %add3A_428, %bitcast_convert_type3A_479 : vector<16xf32>
        %bitcast_convert_type3A_481 = tpu.bitcast %get3A_475 : vector<16xi32> -> vector<16xf32>
        %add3A_482 = arith.addf %add3A_430, %bitcast_convert_type3A_481 : vector<16xf32>
        %add3A_483 = arith.constant 3 : i32
        %add3A_484 = arith.addi %mul3A_316, %add3A_483 : i32
        %get3A_485 = arith.index_cast %add3A_484 : i32 to index
        %get3A_486 = arith.constant 16 : index
        %get3A_487 = tpu.vector_load %arg7[%get3A_485, %get3A_486] {strides = array<i32>} : memref<200x64xi32, #tpu.memory_space<vmem>>, vector<1x16xi32>,
        %get3A_488 = vector.shape_cast %get3A_487 : vector<1x16xi32> to vector<16xi32>
        %shift_left3A_489 = arith.constant 16 : i32
        %shift_left3A_490 = vector.broadcast %shift_left3A_489 : i32 to vector<16xi32>
        %shift_left3A_491 = arith.shli %get3A_488, %shift_left3A_490 : vector<16xi32>
        %bitcast_convert_type3A_492 = tpu.bitcast %shift_left3A_491 : vector<16xi32> -> vector<16xf32>
        %add3A_493 = arith.addf %add3A_441, %bitcast_convert_type3A_492 : vector<16xf32>
        %bitcast_convert_type3A_494 = tpu.bitcast %get3A_488 : vector<16xi32> -> vector<16xf32>
        %add3A_495 = arith.addf %add3A_443, %bitcast_convert_type3A_494 : vector<16xf32>
        %add3A_496 = arith.constant 3 : i32
        %add3A_497 = arith.addi %mul3A_316, %add3A_496 : i32
        %get3A_498 = arith.index_cast %add3A_497 : i32 to index
        %get3A_499 = arith.constant 32 : index
        %get3A_500 = tpu.vector_load %arg7[%get3A_498, %get3A_499] {strides = array<i32>} : memref<200x64xi32, #tpu.memory_space<vmem>>, vector<1x16xi32>,
        %get3A_501 = vector.shape_cast %get3A_500 : vector<1x16xi32> to vector<16xi32>
        %shift_left3A_502 = arith.constant 16 : i32
        %shift_left3A_503 = vector.broadcast %shift_left3A_502 : i32 to vector<16xi32>
        %shift_left3A_504 = arith.shli %get3A_501, %shift_left3A_503 : vector<16xi32>
        %bitcast_convert_type3A_505 = tpu.bitcast %shift_left3A_504 : vector<16xi32> -> vector<16xf32>
        %add3A_506 = arith.addf %add3A_454, %bitcast_convert_type3A_505 : vector<16xf32>
        %bitcast_convert_type3A_507 = tpu.bitcast %get3A_501 : vector<16xi32> -> vector<16xf32>
        %add3A_508 = arith.addf %add3A_456, %bitcast_convert_type3A_507 : vector<16xf32>
        %add3A_509 = arith.constant 3 : i32
        %add3A_510 = arith.addi %mul3A_316, %add3A_509 : i32
        %get3A_511 = arith.index_cast %add3A_510 : i32 to index
        %get3A_512 = arith.constant 48 : index
        %get3A_513 = tpu.vector_load %arg7[%get3A_511, %get3A_512] {strides = array<i32>} : memref<200x64xi32, #tpu.memory_space<vmem>>, vector<1x16xi32>,
        %get3A_514 = vector.shape_cast %get3A_513 : vector<1x16xi32> to vector<16xi32>
        %shift_left3A_515 = arith.constant 16 : i32
        %shift_left3A_516 = vector.broadcast %shift_left3A_515 : i32 to vector<16xi32>
        %shift_left3A_517 = arith.shli %get3A_514, %shift_left3A_516 : vector<16xi32>
        %bitcast_convert_type3A_518 = tpu.bitcast %shift_left3A_517 : vector<16xi32> -> vector<16xf32>
        %add3A_519 = arith.addf %add3A_467, %bitcast_convert_type3A_518 : vector<16xf32>
        %bitcast_convert_type3A_520 = tpu.bitcast %get3A_514 : vector<16xi32> -> vector<16xf32>
        %add3A_521 = arith.addf %add3A_469, %bitcast_convert_type3A_520 : vector<16xf32>
        scf.yield %add3A_480, %add3A_493, %add3A_506, %add3A_519, %add3A_482, %add3A_495, %add3A_508, %add3A_521 : vector<16xf32>, vector<16xf32>, vector<16xf32>, vector<16xf32>, vector<16xf32>, vector<16xf32>, vector<16xf32>, vector<16xf32>
      }
      %scan3A_154 = arith.constant 50 : i32
      %mul3A_155 = arith.constant 5.000000e-03 : f32
      %mul3A_156 = vector.broadcast %mul3A_155 : f32 to vector<16xf32>
      %mul3A_157 = arith.mulf %scan3A_153#0, %mul3A_156 : vector<16xf32>
      %swap3A_158 = arith.index_cast %add3A_135 : i32 to index
      %swap3A_159 = arith.constant 0 : index
      %swap3A_160 = tpu.vector_load %arg9[%swap3A_158, %swap3A_159] {strides = array<i32>} : memref<96x128xf32, #tpu.memory_space<vmem>>, vector<1x16xf32>,
      %swap3A_161 = vector.shape_cast %swap3A_160 : vector<1x16xf32> to vector<16xf32>
      %swap3A_162 = vector.shape_cast %mul3A_157 : vector<16xf32> to vector<1x16xf32>
      tpu.vector_store %arg9[%swap3A_158, %swap3A_159], %swap3A_162 {strides = array<i32>} : memref<96x128xf32, #tpu.memory_space<vmem>>, vector<1x16xf32>,
      %mul3A_163 = arith.constant 5.000000e-03 : f32
      %mul3A_164 = vector.broadcast %mul3A_163 : f32 to vector<16xf32>
      %mul3A_165 = arith.mulf %scan3A_153#4, %mul3A_164 : vector<16xf32>
      %swap3A_166 = arith.index_cast %add3A_135 : i32 to index
      %swap3A_167 = arith.constant 16 : index
      %swap3A_168 = tpu.vector_load %arg9[%swap3A_166, %swap3A_167] {strides = array<i32>} : memref<96x128xf32, #tpu.memory_space<vmem>>, vector<1x16xf32>,
      %swap3A_169 = vector.shape_cast %swap3A_168 : vector<1x16xf32> to vector<16xf32>
      %swap3A_170 = vector.shape_cast %mul3A_165 : vector<16xf32> to vector<1x16xf32>
      tpu.vector_store %arg9[%swap3A_166, %swap3A_167], %swap3A_170 {strides = array<i32>} : memref<96x128xf32, #tpu.memory_space<vmem>>, vector<1x16xf32>,
      %mul3A_171 = arith.constant 5.000000e-03 : f32
      %mul3A_172 = vector.broadcast %mul3A_171 : f32 to vector<16xf32>
      %mul3A_173 = arith.mulf %scan3A_153#1, %mul3A_172 : vector<16xf32>
      %swap3A_174 = arith.index_cast %add3A_135 : i32 to index
      %swap3A_175 = arith.constant 32 : index
      %swap3A_176 = tpu.vector_load %arg9[%swap3A_174, %swap3A_175] {strides = array<i32>} : memref<96x128xf32, #tpu.memory_space<vmem>>, vector<1x16xf32>,
      %swap3A_177 = vector.shape_cast %swap3A_176 : vector<1x16xf32> to vector<16xf32>
      %swap3A_178 = vector.shape_cast %mul3A_173 : vector<16xf32> to vector<1x16xf32>
      tpu.vector_store %arg9[%swap3A_174, %swap3A_175], %swap3A_178 {strides = array<i32>} : memref<96x128xf32, #tpu.memory_space<vmem>>, vector<1x16xf32>,
      %mul3A_179 = arith.constant 5.000000e-03 : f32
      %mul3A_180 = vector.broadcast %mul3A_179 : f32 to vector<16xf32>
      %mul3A_181 = arith.mulf %scan3A_153#5, %mul3A_180 : vector<16xf32>
      %swap3A_182 = arith.index_cast %add3A_135 : i32 to index
      %swap3A_183 = arith.constant 48 : index
      %swap3A_184 = tpu.vector_load %arg9[%swap3A_182, %swap3A_183] {strides = array<i32>} : memref<96x128xf32, #tpu.memory_space<vmem>>, vector<1x16xf32>,
      %swap3A_185 = vector.shape_cast %swap3A_184 : vector<1x16xf32> to vector<16xf32>
      %swap3A_186 = vector.shape_cast %mul3A_181 : vector<16xf32> to vector<1x16xf32>
      tpu.vector_store %arg9[%swap3A_182, %swap3A_183], %swap3A_186 {strides = array<i32>} : memref<96x128xf32, #tpu.memory_space<vmem>>, vector<1x16xf32>,
      %mul3A_187 = arith.constant 5.000000e-03 : f32
      %mul3A_188 = vector.broadcast %mul3A_187 : f32 to vector<16xf32>
      %mul3A_189 = arith.mulf %scan3A_153#2, %mul3A_188 : vector<16xf32>
      %swap3A_190 = arith.index_cast %add3A_135 : i32 to index
      %swap3A_191 = arith.constant 64 : index
      %swap3A_192 = tpu.vector_load %arg9[%swap3A_190, %swap3A_191] {strides = array<i32>} : memref<96x128xf32, #tpu.memory_space<vmem>>, vector<1x16xf32>,
      %swap3A_193 = vector.shape_cast %swap3A_192 : vector<1x16xf32> to vector<16xf32>
      %swap3A_194 = vector.shape_cast %mul3A_189 : vector<16xf32> to vector<1x16xf32>
      tpu.vector_store %arg9[%swap3A_190, %swap3A_191], %swap3A_194 {strides = array<i32>} : memref<96x128xf32, #tpu.memory_space<vmem>>, vector<1x16xf32>,
      %mul3A_195 = arith.constant 5.000000e-03 : f32
      %mul3A_196 = vector.broadcast %mul3A_195 : f32 to vector<16xf32>
      %mul3A_197 = arith.mulf %scan3A_153#6, %mul3A_196 : vector<16xf32>
      %swap3A_198 = arith.index_cast %add3A_135 : i32 to index
      %swap3A_199 = arith.constant 80 : index
      %swap3A_200 = tpu.vector_load %arg9[%swap3A_198, %swap3A_199] {strides = array<i32>} : memref<96x128xf32, #tpu.memory_space<vmem>>, vector<1x16xf32>,
      %swap3A_201 = vector.shape_cast %swap3A_200 : vector<1x16xf32> to vector<16xf32>
      %swap3A_202 = vector.shape_cast %mul3A_197 : vector<16xf32> to vector<1x16xf32>
      tpu.vector_store %arg9[%swap3A_198, %swap3A_199], %swap3A_202 {strides = array<i32>} : memref<96x128xf32, #tpu.memory_space<vmem>>, vector<1x16xf32>,
      %mul3A_203 = arith.constant 5.000000e-03 : f32
      %mul3A_204 = vector.broadcast %mul3A_203 : f32 to vector<16xf32>
      %mul3A_205 = arith.mulf %scan3A_153#3, %mul3A_204 : vector<16xf32>
      %swap3A_206 = arith.index_cast %add3A_135 : i32 to index
      %swap3A_207 = arith.constant 96 : index
      %swap3A_208 = tpu.vector_load %arg9[%swap3A_206, %swap3A_207] {strides = array<i32>} : memref<96x128xf32, #tpu.memory_space<vmem>>, vector<1x16xf32>,
      %swap3A_209 = vector.shape_cast %swap3A_208 : vector<1x16xf32> to vector<16xf32>
      %swap3A_210 = vector.shape_cast %mul3A_205 : vector<16xf32> to vector<1x16xf32>
      tpu.vector_store %arg9[%swap3A_206, %swap3A_207], %swap3A_210 {strides = array<i32>} : memref<96x128xf32, #tpu.memory_space<vmem>>, vector<1x16xf32>,
      %mul3A_211 = arith.constant 5.000000e-03 : f32
      %mul3A_212 = vector.broadcast %mul3A_211 : f32 to vector<16xf32>
      %mul3A_213 = arith.mulf %scan3A_153#7, %mul3A_212 : vector<16xf32>
      %swap3A_214 = arith.index_cast %add3A_135 : i32 to index
      %swap3A_215 = arith.constant 112 : index
      %swap3A_216 = tpu.vector_load %arg9[%swap3A_214, %swap3A_215] {strides = array<i32>} : memref<96x128xf32, #tpu.memory_space<vmem>>, vector<1x16xf32>,
      %swap3A_217 = vector.shape_cast %swap3A_216 : vector<1x16xf32> to vector<16xf32>
      %swap3A_218 = vector.shape_cast %mul3A_213 : vector<16xf32> to vector<1x16xf32>
      tpu.vector_store %arg9[%swap3A_214, %swap3A_215], %swap3A_218 {strides = array<i32>} : memref<96x128xf32, #tpu.memory_space<vmem>>, vector<1x16xf32>,
      %mul3A_219 = arith.constant 3 : i32
      %mul3A_220 = arith.muli %scan3A_49, %mul3A_219 : i32
      %add3A_221 = arith.constant 2 : i32
      %add3A_222 = arith.addi %mul3A_220, %add3A_221 : i32
      %dma_wait3A_223 = arith.constant 0 : i32
      %dma_wait3A_224 = arith.constant 0 : i32
      %dma_wait3A_225 = tpu.memref_slice %arg3[%dma_wait3A_223, %dma_wait3A_224] : memref<100000x64xi32, #tpu.memory_space<hbm>> -> memref<200x64xi32, #tpu.memory_space<hbm>>
      %dma_wait3A_226 = arith.constant 0 : i32
      %dma_wait3A_227 = arith.constant 0 : i32
      %dma_wait3A_228 = tpu.memref_slice %arg3[%dma_wait3A_226, %dma_wait3A_227] : memref<100000x64xi32, #tpu.memory_space<hbm>> -> memref<200x64xi32, #tpu.memory_space<hbm>>
      tpu.wait_dma2 semaphore(%arg12 : memref<!tpu.dma_semaphore, #tpu.memory_space<semaphore_mem>>) src(%dma_wait3A_228 : memref<200x64xi32, #tpu.memory_space<hbm>>) dst(%arg8 : memref<200x64xi32, #tpu.memory_space<vmem>>)
      %add3A_229 = arith.constant 2 : i32
      %add3A_230 = arith.addi %add3A_222, %add3A_229 : i32
      %lt3A_231 = arith.constant 96 : i32
      %lt3A_232 = arith.cmpi slt, %add3A_230, %lt3A_231 : i32
      %convert_element_type3A_233 = arith.extui %lt3A_232 : i1 to i32
      %cond3A_234 = arith.constant 0 : i32
      %cond3A_235 = arith.cmpi ne, %convert_element_type3A_233, %cond3A_234 : i32
      scf.if %cond3A_235 {
        %add3A_306 = arith.constant 2 : i32
        %add3A_307 = arith.addi %add3A_222, %add3A_306 : i32
        %mul3A_308 = arith.constant 200 : i32
        %mul3A_309 = arith.muli %add3A_307, %mul3A_308 : i32
        %multiple_of3A_310 = tpu.assume_multiple %mul3A_309, 8 : i32
        %dma_start3A_311 = arith.constant 0 : i32
        %dma_start3A_312 = arith.constant 0 : i32
        %dma_start3A_313 = tpu.memref_slice %arg7[%dma_start3A_311, %dma_start3A_312] : memref<200x64xi32, #tpu.memory_space<vmem>> -> memref<104x64xi32, #tpu.memory_space<vmem>>
        %dma_start3A_314 = tpu.memref_slice %arg5[%multiple_of3A_310] : memref<19200xi32, #tpu.memory_space<vmem>> -> memref<104xi32, #tpu.memory_space<vmem>>
        %dma_start3A_315 = arith.constant 0 : i32
        %dma_start3A_316 = arith.constant 0 : i32
        %dma_start3A_317 = tpu.memref_slice %arg3[%dma_start3A_315, %dma_start3A_316] : memref<100000x64xi32, #tpu.memory_space<hbm>> -> memref<100000x64xi32, #tpu.memory_space<hbm>>
        tpu.enqueue_indirect_dma source(%dma_start3A_317 : memref<100000x64xi32, #tpu.memory_space<hbm>>) target(%dma_start3A_313 : memref<104x64xi32, #tpu.memory_space<vmem>>) offsets(%dma_start3A_314 : memref<104xi32, #tpu.memory_space<vmem>>) semaphore(%arg11 : memref<!tpu.dma_semaphore, #tpu.memory_space<semaphore_mem>>)
        %add3A_318 = arith.constant 104 : i32
        %add3A_319 = arith.addi %multiple_of3A_310, %add3A_318 : i32
        %dma_start3A_320 = arith.constant 104 : i32
        %dma_start3A_321 = arith.constant 0 : i32
        %dma_start3A_322 = tpu.memref_slice %arg7[%dma_start3A_320, %dma_start3A_321] : memref<200x64xi32, #tpu.memory_space<vmem>> -> memref<96x64xi32, #tpu.memory_space<vmem>>
        %dma_start3A_323 = tpu.memref_slice %arg5[%add3A_319] : memref<19200xi32, #tpu.memory_space<vmem>> -> memref<96xi32, #tpu.memory_space<vmem>>
        %dma_start3A_324 = arith.constant 0 : i32
        %dma_start3A_325 = arith.constant 0 : i32
        %dma_start3A_326 = tpu.memref_slice %arg3[%dma_start3A_324, %dma_start3A_325] : memref<100000x64xi32, #tpu.memory_space<hbm>> -> memref<100000x64xi32, #tpu.memory_space<hbm>>
        tpu.enqueue_indirect_dma source(%dma_start3A_326 : memref<100000x64xi32, #tpu.memory_space<hbm>>) target(%dma_start3A_322 : memref<96x64xi32, #tpu.memory_space<vmem>>) offsets(%dma_start3A_323 : memref<96xi32, #tpu.memory_space<vmem>>) semaphore(%arg11 : memref<!tpu.dma_semaphore, #tpu.memory_space<semaphore_mem>>)
      } else {
      }
      %scan3A_236 = arith.constant 0 : i32
      %scan3A_237 = arith.constant 50 : i32
      %scan3A_238 = arith.addi %scan3A_236, %scan3A_237 : i32
      %scan3A_239 = arith.constant 1 : i32
      %scan3A_240:8 = scf.for %scan3A_306 = %scan3A_236 to %scan3A_238 step %scan3A_239 iter_args(%scan3A_307 = %broadcast_in_dim3A_7, %scan3A_308 = %broadcast_in_dim3A_7, %scan3A_309 = %broadcast_in_dim3A_7, %scan3A_310 = %broadcast_in_dim3A_7, %scan3A_311 = %broadcast_in_dim3A_7, %scan3A_312 = %broadcast_in_dim3A_7, %scan3A_313 = %broadcast_in_dim3A_7, %scan3A_314 = %broadcast_in_dim3A_7) -> (vector<16xf32>, vector<16xf32>, vector<16xf32>, vector<16xf32>, vector<16xf32>, vector<16xf32>, vector<16xf32>, vector<16xf32>)  : i32 {
        %mul3A_315 = arith.constant 4 : i32
        %mul3A_316 = arith.muli %scan3A_306, %mul3A_315 : i32
        %add3A_317 = arith.constant 0 : i32
        %add3A_318 = arith.addi %mul3A_316, %add3A_317 : i32
        %get3A = arith.index_cast %add3A_318 : i32 to index
        %get3A_319 = arith.constant 0 : index
        %get3A_320 = tpu.vector_load %arg8[%get3A, %get3A_319] {strides = array<i32>} : memref<200x64xi32, #tpu.memory_space<vmem>>, vector<1x16xi32>,
        %get3A_321 = vector.shape_cast %get3A_320 : vector<1x16xi32> to vector<16xi32>
        %shift_left3A = arith.constant 16 : i32
        %shift_left3A_322 = vector.broadcast %shift_left3A : i32 to vector<16xi32>
        %shift_left3A_323 = arith.shli %get3A_321, %shift_left3A_322 : vector<16xi32>
        %bitcast_convert_type3A = tpu.bitcast %shift_left3A_323 : vector<16xi32> -> vector<16xf32>
        %add3A_324 = arith.addf %scan3A_307, %bitcast_convert_type3A : vector<16xf32>
        %bitcast_convert_type3A_325 = tpu.bitcast %get3A_321 : vector<16xi32> -> vector<16xf32>
        %add3A_326 = arith.addf %scan3A_311, %bitcast_convert_type3A_325 : vector<16xf32>
        %add3A_327 = arith.constant 0 : i32
        %add3A_328 = arith.addi %mul3A_316, %add3A_327 : i32
        %get3A_329 = arith.index_cast %add3A_328 : i32 to index
        %get3A_330 = arith.constant 16 : index
        %get3A_331 = tpu.vector_load %arg8[%get3A_329, %get3A_330] {strides = array<i32>} : memref<200x64xi32, #tpu.memory_space<vmem>>, vector<1x16xi32>,
        %get3A_332 = vector.shape_cast %get3A_331 : vector<1x16xi32> to vector<16xi32>
        %shift_left3A_333 = arith.constant 16 : i32
        %shift_left3A_334 = vector.broadcast %shift_left3A_333 : i32 to vector<16xi32>
        %shift_left3A_335 = arith.shli %get3A_332, %shift_left3A_334 : vector<16xi32>
        %bitcast_convert_type3A_336 = tpu.bitcast %shift_left3A_335 : vector<16xi32> -> vector<16xf32>
        %add3A_337 = arith.addf %scan3A_308, %bitcast_convert_type3A_336 : vector<16xf32>
        %bitcast_convert_type3A_338 = tpu.bitcast %get3A_332 : vector<16xi32> -> vector<16xf32>
        %add3A_339 = arith.addf %scan3A_312, %bitcast_convert_type3A_338 : vector<16xf32>
        %add3A_340 = arith.constant 0 : i32
        %add3A_341 = arith.addi %mul3A_316, %add3A_340 : i32
        %get3A_342 = arith.index_cast %add3A_341 : i32 to index
        %get3A_343 = arith.constant 32 : index
        %get3A_344 = tpu.vector_load %arg8[%get3A_342, %get3A_343] {strides = array<i32>} : memref<200x64xi32, #tpu.memory_space<vmem>>, vector<1x16xi32>,
        %get3A_345 = vector.shape_cast %get3A_344 : vector<1x16xi32> to vector<16xi32>
        %shift_left3A_346 = arith.constant 16 : i32
        %shift_left3A_347 = vector.broadcast %shift_left3A_346 : i32 to vector<16xi32>
        %shift_left3A_348 = arith.shli %get3A_345, %shift_left3A_347 : vector<16xi32>
        %bitcast_convert_type3A_349 = tpu.bitcast %shift_left3A_348 : vector<16xi32> -> vector<16xf32>
        %add3A_350 = arith.addf %scan3A_309, %bitcast_convert_type3A_349 : vector<16xf32>
        %bitcast_convert_type3A_351 = tpu.bitcast %get3A_345 : vector<16xi32> -> vector<16xf32>
        %add3A_352 = arith.addf %scan3A_313, %bitcast_convert_type3A_351 : vector<16xf32>
        %add3A_353 = arith.constant 0 : i32
        %add3A_354 = arith.addi %mul3A_316, %add3A_353 : i32
        %get3A_355 = arith.index_cast %add3A_354 : i32 to index
        %get3A_356 = arith.constant 48 : index
        %get3A_357 = tpu.vector_load %arg8[%get3A_355, %get3A_356] {strides = array<i32>} : memref<200x64xi32, #tpu.memory_space<vmem>>, vector<1x16xi32>,
        %get3A_358 = vector.shape_cast %get3A_357 : vector<1x16xi32> to vector<16xi32>
        %shift_left3A_359 = arith.constant 16 : i32
        %shift_left3A_360 = vector.broadcast %shift_left3A_359 : i32 to vector<16xi32>
        %shift_left3A_361 = arith.shli %get3A_358, %shift_left3A_360 : vector<16xi32>
        %bitcast_convert_type3A_362 = tpu.bitcast %shift_left3A_361 : vector<16xi32> -> vector<16xf32>
        %add3A_363 = arith.addf %scan3A_310, %bitcast_convert_type3A_362 : vector<16xf32>
        %bitcast_convert_type3A_364 = tpu.bitcast %get3A_358 : vector<16xi32> -> vector<16xf32>
        %add3A_365 = arith.addf %scan3A_314, %bitcast_convert_type3A_364 : vector<16xf32>
        %add3A_366 = arith.constant 1 : i32
        %add3A_367 = arith.addi %mul3A_316, %add3A_366 : i32
        %get3A_368 = arith.index_cast %add3A_367 : i32 to index
        %get3A_369 = arith.constant 0 : index
        %get3A_370 = tpu.vector_load %arg8[%get3A_368, %get3A_369] {strides = array<i32>} : memref<200x64xi32, #tpu.memory_space<vmem>>, vector<1x16xi32>,
        %get3A_371 = vector.shape_cast %get3A_370 : vector<1x16xi32> to vector<16xi32>
        %shift_left3A_372 = arith.constant 16 : i32
        %shift_left3A_373 = vector.broadcast %shift_left3A_372 : i32 to vector<16xi32>
        %shift_left3A_374 = arith.shli %get3A_371, %shift_left3A_373 : vector<16xi32>
        %bitcast_convert_type3A_375 = tpu.bitcast %shift_left3A_374 : vector<16xi32> -> vector<16xf32>
        %add3A_376 = arith.addf %add3A_324, %bitcast_convert_type3A_375 : vector<16xf32>
        %bitcast_convert_type3A_377 = tpu.bitcast %get3A_371 : vector<16xi32> -> vector<16xf32>
        %add3A_378 = arith.addf %add3A_326, %bitcast_convert_type3A_377 : vector<16xf32>
        %add3A_379 = arith.constant 1 : i32
        %add3A_380 = arith.addi %mul3A_316, %add3A_379 : i32
        %get3A_381 = arith.index_cast %add3A_380 : i32 to index
        %get3A_382 = arith.constant 16 : index
        %get3A_383 = tpu.vector_load %arg8[%get3A_381, %get3A_382] {strides = array<i32>} : memref<200x64xi32, #tpu.memory_space<vmem>>, vector<1x16xi32>,
        %get3A_384 = vector.shape_cast %get3A_383 : vector<1x16xi32> to vector<16xi32>
        %shift_left3A_385 = arith.constant 16 : i32
        %shift_left3A_386 = vector.broadcast %shift_left3A_385 : i32 to vector<16xi32>
        %shift_left3A_387 = arith.shli %get3A_384, %shift_left3A_386 : vector<16xi32>
        %bitcast_convert_type3A_388 = tpu.bitcast %shift_left3A_387 : vector<16xi32> -> vector<16xf32>
        %add3A_389 = arith.addf %add3A_337, %bitcast_convert_type3A_388 : vector<16xf32>
        %bitcast_convert_type3A_390 = tpu.bitcast %get3A_384 : vector<16xi32> -> vector<16xf32>
        %add3A_391 = arith.addf %add3A_339, %bitcast_convert_type3A_390 : vector<16xf32>
        %add3A_392 = arith.constant 1 : i32
        %add3A_393 = arith.addi %mul3A_316, %add3A_392 : i32
        %get3A_394 = arith.index_cast %add3A_393 : i32 to index
        %get3A_395 = arith.constant 32 : index
        %get3A_396 = tpu.vector_load %arg8[%get3A_394, %get3A_395] {strides = array<i32>} : memref<200x64xi32, #tpu.memory_space<vmem>>, vector<1x16xi32>,
        %get3A_397 = vector.shape_cast %get3A_396 : vector<1x16xi32> to vector<16xi32>
        %shift_left3A_398 = arith.constant 16 : i32
        %shift_left3A_399 = vector.broadcast %shift_left3A_398 : i32 to vector<16xi32>
        %shift_left3A_400 = arith.shli %get3A_397, %shift_left3A_399 : vector<16xi32>
        %bitcast_convert_type3A_401 = tpu.bitcast %shift_left3A_400 : vector<16xi32> -> vector<16xf32>
        %add3A_402 = arith.addf %add3A_350, %bitcast_convert_type3A_401 : vector<16xf32>
        %bitcast_convert_type3A_403 = tpu.bitcast %get3A_397 : vector<16xi32> -> vector<16xf32>
        %add3A_404 = arith.addf %add3A_352, %bitcast_convert_type3A_403 : vector<16xf32>
        %add3A_405 = arith.constant 1 : i32
        %add3A_406 = arith.addi %mul3A_316, %add3A_405 : i32
        %get3A_407 = arith.index_cast %add3A_406 : i32 to index
        %get3A_408 = arith.constant 48 : index
        %get3A_409 = tpu.vector_load %arg8[%get3A_407, %get3A_408] {strides = array<i32>} : memref<200x64xi32, #tpu.memory_space<vmem>>, vector<1x16xi32>,
        %get3A_410 = vector.shape_cast %get3A_409 : vector<1x16xi32> to vector<16xi32>
        %shift_left3A_411 = arith.constant 16 : i32
        %shift_left3A_412 = vector.broadcast %shift_left3A_411 : i32 to vector<16xi32>
        %shift_left3A_413 = arith.shli %get3A_410, %shift_left3A_412 : vector<16xi32>
        %bitcast_convert_type3A_414 = tpu.bitcast %shift_left3A_413 : vector<16xi32> -> vector<16xf32>
        %add3A_415 = arith.addf %add3A_363, %bitcast_convert_type3A_414 : vector<16xf32>
        %bitcast_convert_type3A_416 = tpu.bitcast %get3A_410 : vector<16xi32> -> vector<16xf32>
        %add3A_417 = arith.addf %add3A_365, %bitcast_convert_type3A_416 : vector<16xf32>
        %add3A_418 = arith.constant 2 : i32
        %add3A_419 = arith.addi %mul3A_316, %add3A_418 : i32
        %get3A_420 = arith.index_cast %add3A_419 : i32 to index
        %get3A_421 = arith.constant 0 : index
        %get3A_422 = tpu.vector_load %arg8[%get3A_420, %get3A_421] {strides = array<i32>} : memref<200x64xi32, #tpu.memory_space<vmem>>, vector<1x16xi32>,
        %get3A_423 = vector.shape_cast %get3A_422 : vector<1x16xi32> to vector<16xi32>
        %shift_left3A_424 = arith.constant 16 : i32
        %shift_left3A_425 = vector.broadcast %shift_left3A_424 : i32 to vector<16xi32>
        %shift_left3A_426 = arith.shli %get3A_423, %shift_left3A_425 : vector<16xi32>
        %bitcast_convert_type3A_427 = tpu.bitcast %shift_left3A_426 : vector<16xi32> -> vector<16xf32>
        %add3A_428 = arith.addf %add3A_376, %bitcast_convert_type3A_427 : vector<16xf32>
        %bitcast_convert_type3A_429 = tpu.bitcast %get3A_423 : vector<16xi32> -> vector<16xf32>
        %add3A_430 = arith.addf %add3A_378, %bitcast_convert_type3A_429 : vector<16xf32>
        %add3A_431 = arith.constant 2 : i32
        %add3A_432 = arith.addi %mul3A_316, %add3A_431 : i32
        %get3A_433 = arith.index_cast %add3A_432 : i32 to index
        %get3A_434 = arith.constant 16 : index
        %get3A_435 = tpu.vector_load %arg8[%get3A_433, %get3A_434] {strides = array<i32>} : memref<200x64xi32, #tpu.memory_space<vmem>>, vector<1x16xi32>,
        %get3A_436 = vector.shape_cast %get3A_435 : vector<1x16xi32> to vector<16xi32>
        %shift_left3A_437 = arith.constant 16 : i32
        %shift_left3A_438 = vector.broadcast %shift_left3A_437 : i32 to vector<16xi32>
        %shift_left3A_439 = arith.shli %get3A_436, %shift_left3A_438 : vector<16xi32>
        %bitcast_convert_type3A_440 = tpu.bitcast %shift_left3A_439 : vector<16xi32> -> vector<16xf32>
        %add3A_441 = arith.addf %add3A_389, %bitcast_convert_type3A_440 : vector<16xf32>
        %bitcast_convert_type3A_442 = tpu.bitcast %get3A_436 : vector<16xi32> -> vector<16xf32>
        %add3A_443 = arith.addf %add3A_391, %bitcast_convert_type3A_442 : vector<16xf32>
        %add3A_444 = arith.constant 2 : i32
        %add3A_445 = arith.addi %mul3A_316, %add3A_444 : i32
        %get3A_446 = arith.index_cast %add3A_445 : i32 to index
        %get3A_447 = arith.constant 32 : index
        %get3A_448 = tpu.vector_load %arg8[%get3A_446, %get3A_447] {strides = array<i32>} : memref<200x64xi32, #tpu.memory_space<vmem>>, vector<1x16xi32>,
        %get3A_449 = vector.shape_cast %get3A_448 : vector<1x16xi32> to vector<16xi32>
        %shift_left3A_450 = arith.constant 16 : i32
        %shift_left3A_451 = vector.broadcast %shift_left3A_450 : i32 to vector<16xi32>
        %shift_left3A_452 = arith.shli %get3A_449, %shift_left3A_451 : vector<16xi32>
        %bitcast_convert_type3A_453 = tpu.bitcast %shift_left3A_452 : vector<16xi32> -> vector<16xf32>
        %add3A_454 = arith.addf %add3A_402, %bitcast_convert_type3A_453 : vector<16xf32>
        %bitcast_convert_type3A_455 = tpu.bitcast %get3A_449 : vector<16xi32> -> vector<16xf32>
        %add3A_456 = arith.addf %add3A_404, %bitcast_convert_type3A_455 : vector<16xf32>
        %add3A_457 = arith.constant 2 : i32
        %add3A_458 = arith.addi %mul3A_316, %add3A_457 : i32
        %get3A_459 = arith.index_cast %add3A_458 : i32 to index
        %get3A_460 = arith.constant 48 : index
        %get3A_461 = tpu.vector_load %arg8[%get3A_459, %get3A_460] {strides = array<i32>} : memref<200x64xi32, #tpu.memory_space<vmem>>, vector<1x16xi32>,
        %get3A_462 = vector.shape_cast %get3A_461 : vector<1x16xi32> to vector<16xi32>
        %shift_left3A_463 = arith.constant 16 : i32
        %shift_left3A_464 = vector.broadcast %shift_left3A_463 : i32 to vector<16xi32>
        %shift_left3A_465 = arith.shli %get3A_462, %shift_left3A_464 : vector<16xi32>
        %bitcast_convert_type3A_466 = tpu.bitcast %shift_left3A_465 : vector<16xi32> -> vector<16xf32>
        %add3A_467 = arith.addf %add3A_415, %bitcast_convert_type3A_466 : vector<16xf32>
        %bitcast_convert_type3A_468 = tpu.bitcast %get3A_462 : vector<16xi32> -> vector<16xf32>
        %add3A_469 = arith.addf %add3A_417, %bitcast_convert_type3A_468 : vector<16xf32>
        %add3A_470 = arith.constant 3 : i32
        %add3A_471 = arith.addi %mul3A_316, %add3A_470 : i32
        %get3A_472 = arith.index_cast %add3A_471 : i32 to index
        %get3A_473 = arith.constant 0 : index
        %get3A_474 = tpu.vector_load %arg8[%get3A_472, %get3A_473] {strides = array<i32>} : memref<200x64xi32, #tpu.memory_space<vmem>>, vector<1x16xi32>,
        %get3A_475 = vector.shape_cast %get3A_474 : vector<1x16xi32> to vector<16xi32>
        %shift_left3A_476 = arith.constant 16 : i32
        %shift_left3A_477 = vector.broadcast %shift_left3A_476 : i32 to vector<16xi32>
        %shift_left3A_478 = arith.shli %get3A_475, %shift_left3A_477 : vector<16xi32>
        %bitcast_convert_type3A_479 = tpu.bitcast %shift_left3A_478 : vector<16xi32> -> vector<16xf32>
        %add3A_480 = arith.addf %add3A_428, %bitcast_convert_type3A_479 : vector<16xf32>
        %bitcast_convert_type3A_481 = tpu.bitcast %get3A_475 : vector<16xi32> -> vector<16xf32>
        %add3A_482 = arith.addf %add3A_430, %bitcast_convert_type3A_481 : vector<16xf32>
        %add3A_483 = arith.constant 3 : i32
        %add3A_484 = arith.addi %mul3A_316, %add3A_483 : i32
        %get3A_485 = arith.index_cast %add3A_484 : i32 to index
        %get3A_486 = arith.constant 16 : index
        %get3A_487 = tpu.vector_load %arg8[%get3A_485, %get3A_486] {strides = array<i32>} : memref<200x64xi32, #tpu.memory_space<vmem>>, vector<1x16xi32>,
        %get3A_488 = vector.shape_cast %get3A_487 : vector<1x16xi32> to vector<16xi32>
        %shift_left3A_489 = arith.constant 16 : i32
        %shift_left3A_490 = vector.broadcast %shift_left3A_489 : i32 to vector<16xi32>
        %shift_left3A_491 = arith.shli %get3A_488, %shift_left3A_490 : vector<16xi32>
        %bitcast_convert_type3A_492 = tpu.bitcast %shift_left3A_491 : vector<16xi32> -> vector<16xf32>
        %add3A_493 = arith.addf %add3A_441, %bitcast_convert_type3A_492 : vector<16xf32>
        %bitcast_convert_type3A_494 = tpu.bitcast %get3A_488 : vector<16xi32> -> vector<16xf32>
        %add3A_495 = arith.addf %add3A_443, %bitcast_convert_type3A_494 : vector<16xf32>
        %add3A_496 = arith.constant 3 : i32
        %add3A_497 = arith.addi %mul3A_316, %add3A_496 : i32
        %get3A_498 = arith.index_cast %add3A_497 : i32 to index
        %get3A_499 = arith.constant 32 : index
        %get3A_500 = tpu.vector_load %arg8[%get3A_498, %get3A_499] {strides = array<i32>} : memref<200x64xi32, #tpu.memory_space<vmem>>, vector<1x16xi32>,
        %get3A_501 = vector.shape_cast %get3A_500 : vector<1x16xi32> to vector<16xi32>
        %shift_left3A_502 = arith.constant 16 : i32
        %shift_left3A_503 = vector.broadcast %shift_left3A_502 : i32 to vector<16xi32>
        %shift_left3A_504 = arith.shli %get3A_501, %shift_left3A_503 : vector<16xi32>
        %bitcast_convert_type3A_505 = tpu.bitcast %shift_left3A_504 : vector<16xi32> -> vector<16xf32>
        %add3A_506 = arith.addf %add3A_454, %bitcast_convert_type3A_505 : vector<16xf32>
        %bitcast_convert_type3A_507 = tpu.bitcast %get3A_501 : vector<16xi32> -> vector<16xf32>
        %add3A_508 = arith.addf %add3A_456, %bitcast_convert_type3A_507 : vector<16xf32>
        %add3A_509 = arith.constant 3 : i32
        %add3A_510 = arith.addi %mul3A_316, %add3A_509 : i32
        %get3A_511 = arith.index_cast %add3A_510 : i32 to index
        %get3A_512 = arith.constant 48 : index
        %get3A_513 = tpu.vector_load %arg8[%get3A_511, %get3A_512] {strides = array<i32>} : memref<200x64xi32, #tpu.memory_space<vmem>>, vector<1x16xi32>,
        %get3A_514 = vector.shape_cast %get3A_513 : vector<1x16xi32> to vector<16xi32>
        %shift_left3A_515 = arith.constant 16 : i32
        %shift_left3A_516 = vector.broadcast %shift_left3A_515 : i32 to vector<16xi32>
        %shift_left3A_517 = arith.shli %get3A_514, %shift_left3A_516 : vector<16xi32>
        %bitcast_convert_type3A_518 = tpu.bitcast %shift_left3A_517 : vector<16xi32> -> vector<16xf32>
        %add3A_519 = arith.addf %add3A_467, %bitcast_convert_type3A_518 : vector<16xf32>
        %bitcast_convert_type3A_520 = tpu.bitcast %get3A_514 : vector<16xi32> -> vector<16xf32>
        %add3A_521 = arith.addf %add3A_469, %bitcast_convert_type3A_520 : vector<16xf32>
        scf.yield %add3A_480, %add3A_493, %add3A_506, %add3A_519, %add3A_482, %add3A_495, %add3A_508, %add3A_521 : vector<16xf32>, vector<16xf32>, vector<16xf32>, vector<16xf32>, vector<16xf32>, vector<16xf32>, vector<16xf32>, vector<16xf32>
      }
      %scan3A_241 = arith.constant 50 : i32
      %mul3A_242 = arith.constant 5.000000e-03 : f32
      %mul3A_243 = vector.broadcast %mul3A_242 : f32 to vector<16xf32>
      %mul3A_244 = arith.mulf %scan3A_240#0, %mul3A_243 : vector<16xf32>
      %swap3A_245 = arith.index_cast %add3A_222 : i32 to index
      %swap3A_246 = arith.constant 0 : index
      %swap3A_247 = tpu.vector_load %arg9[%swap3A_245, %swap3A_246] {strides = array<i32>} : memref<96x128xf32, #tpu.memory_space<vmem>>, vector<1x16xf32>,
      %swap3A_248 = vector.shape_cast %swap3A_247 : vector<1x16xf32> to vector<16xf32>
      %swap3A_249 = vector.shape_cast %mul3A_244 : vector<16xf32> to vector<1x16xf32>
      tpu.vector_store %arg9[%swap3A_245, %swap3A_246], %swap3A_249 {strides = array<i32>} : memref<96x128xf32, #tpu.memory_space<vmem>>, vector<1x16xf32>,
      %mul3A_250 = arith.constant 5.000000e-03 : f32
      %mul3A_251 = vector.broadcast %mul3A_250 : f32 to vector<16xf32>
      %mul3A_252 = arith.mulf %scan3A_240#4, %mul3A_251 : vector<16xf32>
      %swap3A_253 = arith.index_cast %add3A_222 : i32 to index
      %swap3A_254 = arith.constant 16 : index
      %swap3A_255 = tpu.vector_load %arg9[%swap3A_253, %swap3A_254] {strides = array<i32>} : memref<96x128xf32, #tpu.memory_space<vmem>>, vector<1x16xf32>,
      %swap3A_256 = vector.shape_cast %swap3A_255 : vector<1x16xf32> to vector<16xf32>
      %swap3A_257 = vector.shape_cast %mul3A_252 : vector<16xf32> to vector<1x16xf32>
      tpu.vector_store %arg9[%swap3A_253, %swap3A_254], %swap3A_257 {strides = array<i32>} : memref<96x128xf32, #tpu.memory_space<vmem>>, vector<1x16xf32>,
      %mul3A_258 = arith.constant 5.000000e-03 : f32
      %mul3A_259 = vector.broadcast %mul3A_258 : f32 to vector<16xf32>
      %mul3A_260 = arith.mulf %scan3A_240#1, %mul3A_259 : vector<16xf32>
      %swap3A_261 = arith.index_cast %add3A_222 : i32 to index
      %swap3A_262 = arith.constant 32 : index
      %swap3A_263 = tpu.vector_load %arg9[%swap3A_261, %swap3A_262] {strides = array<i32>} : memref<96x128xf32, #tpu.memory_space<vmem>>, vector<1x16xf32>,
      %swap3A_264 = vector.shape_cast %swap3A_263 : vector<1x16xf32> to vector<16xf32>
      %swap3A_265 = vector.shape_cast %mul3A_260 : vector<16xf32> to vector<1x16xf32>
      tpu.vector_store %arg9[%swap3A_261, %swap3A_262], %swap3A_265 {strides = array<i32>} : memref<96x128xf32, #tpu.memory_space<vmem>>, vector<1x16xf32>,
      %mul3A_266 = arith.constant 5.000000e-03 : f32
      %mul3A_267 = vector.broadcast %mul3A_266 : f32 to vector<16xf32>
      %mul3A_268 = arith.mulf %scan3A_240#5, %mul3A_267 : vector<16xf32>
      %swap3A_269 = arith.index_cast %add3A_222 : i32 to index
      %swap3A_270 = arith.constant 48 : index
      %swap3A_271 = tpu.vector_load %arg9[%swap3A_269, %swap3A_270] {strides = array<i32>} : memref<96x128xf32, #tpu.memory_space<vmem>>, vector<1x16xf32>,
      %swap3A_272 = vector.shape_cast %swap3A_271 : vector<1x16xf32> to vector<16xf32>
      %swap3A_273 = vector.shape_cast %mul3A_268 : vector<16xf32> to vector<1x16xf32>
      tpu.vector_store %arg9[%swap3A_269, %swap3A_270], %swap3A_273 {strides = array<i32>} : memref<96x128xf32, #tpu.memory_space<vmem>>, vector<1x16xf32>,
      %mul3A_274 = arith.constant 5.000000e-03 : f32
      %mul3A_275 = vector.broadcast %mul3A_274 : f32 to vector<16xf32>
      %mul3A_276 = arith.mulf %scan3A_240#2, %mul3A_275 : vector<16xf32>
      %swap3A_277 = arith.index_cast %add3A_222 : i32 to index
      %swap3A_278 = arith.constant 64 : index
      %swap3A_279 = tpu.vector_load %arg9[%swap3A_277, %swap3A_278] {strides = array<i32>} : memref<96x128xf32, #tpu.memory_space<vmem>>, vector<1x16xf32>,
      %swap3A_280 = vector.shape_cast %swap3A_279 : vector<1x16xf32> to vector<16xf32>
      %swap3A_281 = vector.shape_cast %mul3A_276 : vector<16xf32> to vector<1x16xf32>
      tpu.vector_store %arg9[%swap3A_277, %swap3A_278], %swap3A_281 {strides = array<i32>} : memref<96x128xf32, #tpu.memory_space<vmem>>, vector<1x16xf32>,
      %mul3A_282 = arith.constant 5.000000e-03 : f32
      %mul3A_283 = vector.broadcast %mul3A_282 : f32 to vector<16xf32>
      %mul3A_284 = arith.mulf %scan3A_240#6, %mul3A_283 : vector<16xf32>
      %swap3A_285 = arith.index_cast %add3A_222 : i32 to index
      %swap3A_286 = arith.constant 80 : index
      %swap3A_287 = tpu.vector_load %arg9[%swap3A_285, %swap3A_286] {strides = array<i32>} : memref<96x128xf32, #tpu.memory_space<vmem>>, vector<1x16xf32>,
      %swap3A_288 = vector.shape_cast %swap3A_287 : vector<1x16xf32> to vector<16xf32>
      %swap3A_289 = vector.shape_cast %mul3A_284 : vector<16xf32> to vector<1x16xf32>
      tpu.vector_store %arg9[%swap3A_285, %swap3A_286], %swap3A_289 {strides = array<i32>} : memref<96x128xf32, #tpu.memory_space<vmem>>, vector<1x16xf32>,
      %mul3A_290 = arith.constant 5.000000e-03 : f32
      %mul3A_291 = vector.broadcast %mul3A_290 : f32 to vector<16xf32>
      %mul3A_292 = arith.mulf %scan3A_240#3, %mul3A_291 : vector<16xf32>
      %swap3A_293 = arith.index_cast %add3A_222 : i32 to index
      %swap3A_294 = arith.constant 96 : index
      %swap3A_295 = tpu.vector_load %arg9[%swap3A_293, %swap3A_294] {strides = array<i32>} : memref<96x128xf32, #tpu.memory_space<vmem>>, vector<1x16xf32>,
      %swap3A_296 = vector.shape_cast %swap3A_295 : vector<1x16xf32> to vector<16xf32>
      %swap3A_297 = vector.shape_cast %mul3A_292 : vector<16xf32> to vector<1x16xf32>
      tpu.vector_store %arg9[%swap3A_293, %swap3A_294], %swap3A_297 {strides = array<i32>} : memref<96x128xf32, #tpu.memory_space<vmem>>, vector<1x16xf32>,
      %mul3A_298 = arith.constant 5.000000e-03 : f32
      %mul3A_299 = vector.broadcast %mul3A_298 : f32 to vector<16xf32>
      %mul3A_300 = arith.mulf %scan3A_240#7, %mul3A_299 : vector<16xf32>
      %swap3A_301 = arith.index_cast %add3A_222 : i32 to index
      %swap3A_302 = arith.constant 112 : index
      %swap3A_303 = tpu.vector_load %arg9[%swap3A_301, %swap3A_302] {strides = array<i32>} : memref<96x128xf32, #tpu.memory_space<vmem>>, vector<1x16xf32>,
      %swap3A_304 = vector.shape_cast %swap3A_303 : vector<1x16xf32> to vector<16xf32>
      %swap3A_305 = vector.shape_cast %mul3A_300 : vector<16xf32> to vector<1x16xf32>
      tpu.vector_store %arg9[%swap3A_301, %swap3A_302], %swap3A_305 {strides = array<i32>} : memref<96x128xf32, #tpu.memory_space<vmem>>, vector<1x16xf32>,
    }
    %scan3A_46 = arith.constant 32 : i32
    %mul3A_47 = arith.constant 96 : i32
    %mul3A_48 = arith.muli %add3A, %mul3A_47 : i32
    "tpu.region"() ({
      %run_scoped3A = tpu.sem_alloc : memref<!tpu.dma_semaphore, #tpu.memory_space<semaphore_mem>>
      %dma_start3A_49 = arith.constant 0 : i32
      %dma_start3A_50 = tpu.memref_slice %arg4[%mul3A_48, %dma_start3A_49] : memref<3072x128xf32, #tpu.memory_space<hbm>> -> memref<96x128xf32, #tpu.memory_space<hbm>>
      %dma_start3A_51 = arith.constant 0 : i32
      %dma_start3A_52 = tpu.memref_slice %arg4[%mul3A_48, %dma_start3A_51] : memref<3072x128xf32, #tpu.memory_space<hbm>> -> memref<96x128xf32, #tpu.memory_space<hbm>>
      tpu.enqueue_dma source(%arg9 : memref<96x128xf32, #tpu.memory_space<vmem>>) target(%dma_start3A_52 : memref<96x128xf32, #tpu.memory_space<hbm>>) target_semaphore(%run_scoped3A : memref<!tpu.dma_semaphore, #tpu.memory_space<semaphore_mem>>)
      %dma_wait3A = arith.constant 0 : i32
      %dma_wait3A_53 = tpu.memref_slice %arg4[%mul3A_48, %dma_wait3A] : memref<3072x128xf32, #tpu.memory_space<hbm>> -> memref<96x128xf32, #tpu.memory_space<hbm>>
      %dma_wait3A_54 = arith.constant 0 : i32
      %dma_wait3A_55 = tpu.memref_slice %arg4[%mul3A_48, %dma_wait3A_54] : memref<3072x128xf32, #tpu.memory_space<hbm>> -> memref<96x128xf32, #tpu.memory_space<hbm>>
      tpu.wait_dma2 semaphore(%run_scoped3A : memref<!tpu.dma_semaphore, #tpu.memory_space<semaphore_mem>>) src(%arg9 : memref<96x128xf32, #tpu.memory_space<vmem>>) dst(%dma_wait3A_55 : memref<96x128xf32, #tpu.memory_space<hbm>>)
      tpu.yield
    }) : () -> ()
    return
  }
}

#map = affine_map<(d0, d1) -> (0)>
#map1 = affine_map<(d0, d1) -> (0, 0)>
module attributes {stable_mosaic.version = 14 : i64} {
  func.func @_bag_f32_body(%arg0: i32, %arg1: i32, %arg2: memref<819200xi32, #tpu.memory_space<hbm>>, %arg3: memref<100000x128xf32, #tpu.memory_space<hbm>>, %arg4: memref<1024x128xf32, #tpu.memory_space<hbm>>, %arg5: memref<6400xi32, #tpu.memory_space<vmem>>, %arg6: memref<200x128xf32, #tpu.memory_space<vmem>>, %arg7: memref<200x128xf32, #tpu.memory_space<vmem>>, %arg8: memref<32x128xf32, #tpu.memory_space<vmem>>, %arg9: memref<!tpu.dma_semaphore, #tpu.memory_space<semaphore_mem>>, %arg10: memref<!tpu.dma_semaphore, #tpu.memory_space<semaphore_mem>>) attributes {dimension_semantics = [#tpu.dimension_semantics<core_parallel>, #tpu.dimension_semantics<subcore_parallel>], iteration_bounds = array<i64: 2, 16>, scalar_prefetch = 0 : i64, scratch_operands = 6 : i64, tpu.core_type = #tpu.core_type<sc_vector_subcore>, window_params = [{transform_indices = #map}, {transform_indices = #map1}, {transform_indices = #map1}]} {
    %mul3A = arith.constant 2 : i32
    %mul3A_0 = arith.muli %arg1, %mul3A : i32
    %add3A = arith.addi %mul3A_0, %arg0 : i32
    %mul3A_1 = arith.constant 32 : i32
    %mul3A_2 = arith.muli %add3A, %mul3A_1 : i32
    %mul3A_3 = arith.constant 200 : i32
    %mul3A_4 = arith.muli %mul3A_2, %mul3A_3 : i32
    "tpu.region"() ({
      %run_scoped3A = tpu.sem_alloc : memref<!tpu.dma_semaphore, #tpu.memory_space<semaphore_mem>>
      %dma_start3A_45 = tpu.memref_slice %arg2[%mul3A_4] : memref<819200xi32, #tpu.memory_space<hbm>> -> memref<6400xi32, #tpu.memory_space<hbm>>
      %dma_start3A_46 = tpu.memref_slice %arg2[%mul3A_4] : memref<819200xi32, #tpu.memory_space<hbm>> -> memref<6400xi32, #tpu.memory_space<hbm>>
      tpu.enqueue_dma source(%dma_start3A_46 : memref<6400xi32, #tpu.memory_space<hbm>>) target(%arg5 : memref<6400xi32, #tpu.memory_space<vmem>>) target_semaphore(%run_scoped3A : memref<!tpu.dma_semaphore, #tpu.memory_space<semaphore_mem>>)
      %dma_wait3A = tpu.memref_slice %arg2[%mul3A_4] : memref<819200xi32, #tpu.memory_space<hbm>> -> memref<6400xi32, #tpu.memory_space<hbm>>
      %dma_wait3A_47 = tpu.memref_slice %arg2[%mul3A_4] : memref<819200xi32, #tpu.memory_space<hbm>> -> memref<6400xi32, #tpu.memory_space<hbm>>
      tpu.wait_dma2 semaphore(%run_scoped3A : memref<!tpu.dma_semaphore, #tpu.memory_space<semaphore_mem>>) src(%dma_wait3A_47 : memref<6400xi32, #tpu.memory_space<hbm>>) dst(%arg5 : memref<6400xi32, #tpu.memory_space<vmem>>)
      tpu.yield
    }) : () -> ()
    %broadcast_in_dim3A = arith.constant 0.000000e+00 : f32
    %broadcast_in_dim3A_5 = vector.broadcast %broadcast_in_dim3A : f32 to vector<16xf32>
    %multiple_of3A = arith.constant 0 : i32
    %multiple_of3A_6 = tpu.assume_multiple %multiple_of3A, 8 : i32
    %dma_start3A = arith.constant 0 : i32
    %dma_start3A_7 = arith.constant 0 : i32
    %dma_start3A_8 = tpu.memref_slice %arg6[%dma_start3A, %dma_start3A_7] : memref<200x128xf32, #tpu.memory_space<vmem>> -> memref<104x128xf32, #tpu.memory_space<vmem>>
    %dma_start3A_9 = tpu.memref_slice %arg5[%multiple_of3A_6] : memref<6400xi32, #tpu.memory_space<vmem>> -> memref<104xi32, #tpu.memory_space<vmem>>
    %dma_start3A_10 = arith.constant 0 : i32
    %dma_start3A_11 = arith.constant 0 : i32
    %dma_start3A_12 = tpu.memref_slice %arg3[%dma_start3A_10, %dma_start3A_11] : memref<100000x128xf32, #tpu.memory_space<hbm>> -> memref<100000x128xf32, #tpu.memory_space<hbm>>
    tpu.enqueue_indirect_dma source(%dma_start3A_12 : memref<100000x128xf32, #tpu.memory_space<hbm>>) target(%dma_start3A_8 : memref<104x128xf32, #tpu.memory_space<vmem>>) offsets(%dma_start3A_9 : memref<104xi32, #tpu.memory_space<vmem>>) semaphore(%arg9 : memref<!tpu.dma_semaphore, #tpu.memory_space<semaphore_mem>>)
    %add3A_13 = arith.constant 104 : i32
    %add3A_14 = arith.addi %multiple_of3A_6, %add3A_13 : i32
    %dma_start3A_15 = arith.constant 104 : i32
    %dma_start3A_16 = arith.constant 0 : i32
    %dma_start3A_17 = tpu.memref_slice %arg6[%dma_start3A_15, %dma_start3A_16] : memref<200x128xf32, #tpu.memory_space<vmem>> -> memref<96x128xf32, #tpu.memory_space<vmem>>
    %dma_start3A_18 = tpu.memref_slice %arg5[%add3A_14] : memref<6400xi32, #tpu.memory_space<vmem>> -> memref<96xi32, #tpu.memory_space<vmem>>
    %dma_start3A_19 = arith.constant 0 : i32
    %dma_start3A_20 = arith.constant 0 : i32
    %dma_start3A_21 = tpu.memref_slice %arg3[%dma_start3A_19, %dma_start3A_20] : memref<100000x128xf32, #tpu.memory_space<hbm>> -> memref<100000x128xf32, #tpu.memory_space<hbm>>
    tpu.enqueue_indirect_dma source(%dma_start3A_21 : memref<100000x128xf32, #tpu.memory_space<hbm>>) target(%dma_start3A_17 : memref<96x128xf32, #tpu.memory_space<vmem>>) offsets(%dma_start3A_18 : memref<96xi32, #tpu.memory_space<vmem>>) semaphore(%arg9 : memref<!tpu.dma_semaphore, #tpu.memory_space<semaphore_mem>>)
    %multiple_of3A_22 = arith.constant 200 : i32
    %multiple_of3A_23 = tpu.assume_multiple %multiple_of3A_22, 8 : i32
    %dma_start3A_24 = arith.constant 0 : i32
    %dma_start3A_25 = arith.constant 0 : i32
    %dma_start3A_26 = tpu.memref_slice %arg7[%dma_start3A_24, %dma_start3A_25] : memref<200x128xf32, #tpu.memory_space<vmem>> -> memref<104x128xf32, #tpu.memory_space<vmem>>
    %dma_start3A_27 = tpu.memref_slice %arg5[%multiple_of3A_23] : memref<6400xi32, #tpu.memory_space<vmem>> -> memref<104xi32, #tpu.memory_space<vmem>>
    %dma_start3A_28 = arith.constant 0 : i32
    %dma_start3A_29 = arith.constant 0 : i32
    %dma_start3A_30 = tpu.memref_slice %arg3[%dma_start3A_28, %dma_start3A_29] : memref<100000x128xf32, #tpu.memory_space<hbm>> -> memref<100000x128xf32, #tpu.memory_space<hbm>>
    tpu.enqueue_indirect_dma source(%dma_start3A_30 : memref<100000x128xf32, #tpu.memory_space<hbm>>) target(%dma_start3A_26 : memref<104x128xf32, #tpu.memory_space<vmem>>) offsets(%dma_start3A_27 : memref<104xi32, #tpu.memory_space<vmem>>) semaphore(%arg10 : memref<!tpu.dma_semaphore, #tpu.memory_space<semaphore_mem>>)
    %add3A_31 = arith.constant 104 : i32
    %add3A_32 = arith.addi %multiple_of3A_23, %add3A_31 : i32
    %dma_start3A_33 = arith.constant 104 : i32
    %dma_start3A_34 = arith.constant 0 : i32
    %dma_start3A_35 = tpu.memref_slice %arg7[%dma_start3A_33, %dma_start3A_34] : memref<200x128xf32, #tpu.memory_space<vmem>> -> memref<96x128xf32, #tpu.memory_space<vmem>>
    %dma_start3A_36 = tpu.memref_slice %arg5[%add3A_32] : memref<6400xi32, #tpu.memory_space<vmem>> -> memref<96xi32, #tpu.memory_space<vmem>>
    %dma_start3A_37 = arith.constant 0 : i32
    %dma_start3A_38 = arith.constant 0 : i32
    %dma_start3A_39 = tpu.memref_slice %arg3[%dma_start3A_37, %dma_start3A_38] : memref<100000x128xf32, #tpu.memory_space<hbm>> -> memref<100000x128xf32, #tpu.memory_space<hbm>>
    tpu.enqueue_indirect_dma source(%dma_start3A_39 : memref<100000x128xf32, #tpu.memory_space<hbm>>) target(%dma_start3A_35 : memref<96x128xf32, #tpu.memory_space<vmem>>) offsets(%dma_start3A_36 : memref<96xi32, #tpu.memory_space<vmem>>) semaphore(%arg10 : memref<!tpu.dma_semaphore, #tpu.memory_space<semaphore_mem>>)
    %scan3A = arith.constant 0 : i32
    %scan3A_40 = arith.constant 0 : i32
    %scan3A_41 = arith.constant 16 : i32
    %scan3A_42 = arith.addi %scan3A_40, %scan3A_41 : i32
    %scan3A_43 = arith.constant 1 : i32
    scf.for %scan3A_45 = %scan3A_40 to %scan3A_42 step %scan3A_43  : i32 {
      %mul3A_46 = arith.constant 2 : i32
      %mul3A_47 = arith.muli %scan3A_45, %mul3A_46 : i32
      %add3A_48 = arith.constant 0 : i32
      %add3A_49 = arith.addi %mul3A_47, %add3A_48 : i32
      %dma_wait3A = arith.constant 0 : i32
      %dma_wait3A_50 = arith.constant 0 : i32
      %dma_wait3A_51 = tpu.memref_slice %arg3[%dma_wait3A, %dma_wait3A_50] : memref<100000x128xf32, #tpu.memory_space<hbm>> -> memref<200x128xf32, #tpu.memory_space<hbm>>
      %dma_wait3A_52 = arith.constant 0 : i32
      %dma_wait3A_53 = arith.constant 0 : i32
      %dma_wait3A_54 = tpu.memref_slice %arg3[%dma_wait3A_52, %dma_wait3A_53] : memref<100000x128xf32, #tpu.memory_space<hbm>> -> memref<200x128xf32, #tpu.memory_space<hbm>>
      tpu.wait_dma2 semaphore(%arg9 : memref<!tpu.dma_semaphore, #tpu.memory_space<semaphore_mem>>) src(%dma_wait3A_54 : memref<200x128xf32, #tpu.memory_space<hbm>>) dst(%arg6 : memref<200x128xf32, #tpu.memory_space<vmem>>)
      %scan3A_55 = arith.constant 0 : i32
      %scan3A_56 = arith.constant 50 : i32
      %scan3A_57 = arith.addi %scan3A_55, %scan3A_56 : i32
      %scan3A_58 = arith.constant 1 : i32
      %scan3A_59:8 = scf.for %scan3A_215 = %scan3A_55 to %scan3A_57 step %scan3A_58 iter_args(%scan3A_216 = %broadcast_in_dim3A_5, %scan3A_217 = %broadcast_in_dim3A_5, %scan3A_218 = %broadcast_in_dim3A_5, %scan3A_219 = %broadcast_in_dim3A_5, %scan3A_220 = %broadcast_in_dim3A_5, %scan3A_221 = %broadcast_in_dim3A_5, %scan3A_222 = %broadcast_in_dim3A_5, %scan3A_223 = %broadcast_in_dim3A_5) -> (vector<16xf32>, vector<16xf32>, vector<16xf32>, vector<16xf32>, vector<16xf32>, vector<16xf32>, vector<16xf32>, vector<16xf32>)  : i32 {
        %mul3A_224 = arith.constant 4 : i32
        %mul3A_225 = arith.muli %scan3A_215, %mul3A_224 : i32
        %add3A_226 = arith.constant 0 : i32
        %add3A_227 = arith.addi %mul3A_225, %add3A_226 : i32
        %get3A = arith.index_cast %add3A_227 : i32 to index
        %get3A_228 = arith.constant 0 : index
        %get3A_229 = tpu.vector_load %arg6[%get3A, %get3A_228] {strides = array<i32>} : memref<200x128xf32, #tpu.memory_space<vmem>>, vector<1x16xf32>,
        %get3A_230 = vector.shape_cast %get3A_229 : vector<1x16xf32> to vector<16xf32>
        %add3A_231 = arith.addf %scan3A_216, %get3A_230 : vector<16xf32>
        %add3A_232 = arith.constant 0 : i32
        %add3A_233 = arith.addi %mul3A_225, %add3A_232 : i32
        %get3A_234 = arith.index_cast %add3A_233 : i32 to index
        %get3A_235 = arith.constant 16 : index
        %get3A_236 = tpu.vector_load %arg6[%get3A_234, %get3A_235] {strides = array<i32>} : memref<200x128xf32, #tpu.memory_space<vmem>>, vector<1x16xf32>,
        %get3A_237 = vector.shape_cast %get3A_236 : vector<1x16xf32> to vector<16xf32>
        %add3A_238 = arith.addf %scan3A_217, %get3A_237 : vector<16xf32>
        %add3A_239 = arith.constant 0 : i32
        %add3A_240 = arith.addi %mul3A_225, %add3A_239 : i32
        %get3A_241 = arith.index_cast %add3A_240 : i32 to index
        %get3A_242 = arith.constant 32 : index
        %get3A_243 = tpu.vector_load %arg6[%get3A_241, %get3A_242] {strides = array<i32>} : memref<200x128xf32, #tpu.memory_space<vmem>>, vector<1x16xf32>,
        %get3A_244 = vector.shape_cast %get3A_243 : vector<1x16xf32> to vector<16xf32>
        %add3A_245 = arith.addf %scan3A_218, %get3A_244 : vector<16xf32>
        %add3A_246 = arith.constant 0 : i32
        %add3A_247 = arith.addi %mul3A_225, %add3A_246 : i32
        %get3A_248 = arith.index_cast %add3A_247 : i32 to index
        %get3A_249 = arith.constant 48 : index
        %get3A_250 = tpu.vector_load %arg6[%get3A_248, %get3A_249] {strides = array<i32>} : memref<200x128xf32, #tpu.memory_space<vmem>>, vector<1x16xf32>,
        %get3A_251 = vector.shape_cast %get3A_250 : vector<1x16xf32> to vector<16xf32>
        %add3A_252 = arith.addf %scan3A_219, %get3A_251 : vector<16xf32>
        %add3A_253 = arith.constant 0 : i32
        %add3A_254 = arith.addi %mul3A_225, %add3A_253 : i32
        %get3A_255 = arith.index_cast %add3A_254 : i32 to index
        %get3A_256 = arith.constant 64 : index
        %get3A_257 = tpu.vector_load %arg6[%get3A_255, %get3A_256] {strides = array<i32>} : memref<200x128xf32, #tpu.memory_space<vmem>>, vector<1x16xf32>,
        %get3A_258 = vector.shape_cast %get3A_257 : vector<1x16xf32> to vector<16xf32>
        %add3A_259 = arith.addf %scan3A_220, %get3A_258 : vector<16xf32>
        %add3A_260 = arith.constant 0 : i32
        %add3A_261 = arith.addi %mul3A_225, %add3A_260 : i32
        %get3A_262 = arith.index_cast %add3A_261 : i32 to index
        %get3A_263 = arith.constant 80 : index
        %get3A_264 = tpu.vector_load %arg6[%get3A_262, %get3A_263] {strides = array<i32>} : memref<200x128xf32, #tpu.memory_space<vmem>>, vector<1x16xf32>,
        %get3A_265 = vector.shape_cast %get3A_264 : vector<1x16xf32> to vector<16xf32>
        %add3A_266 = arith.addf %scan3A_221, %get3A_265 : vector<16xf32>
        %add3A_267 = arith.constant 0 : i32
        %add3A_268 = arith.addi %mul3A_225, %add3A_267 : i32
        %get3A_269 = arith.index_cast %add3A_268 : i32 to index
        %get3A_270 = arith.constant 96 : index
        %get3A_271 = tpu.vector_load %arg6[%get3A_269, %get3A_270] {strides = array<i32>} : memref<200x128xf32, #tpu.memory_space<vmem>>, vector<1x16xf32>,
        %get3A_272 = vector.shape_cast %get3A_271 : vector<1x16xf32> to vector<16xf32>
        %add3A_273 = arith.addf %scan3A_222, %get3A_272 : vector<16xf32>
        %add3A_274 = arith.constant 0 : i32
        %add3A_275 = arith.addi %mul3A_225, %add3A_274 : i32
        %get3A_276 = arith.index_cast %add3A_275 : i32 to index
        %get3A_277 = arith.constant 112 : index
        %get3A_278 = tpu.vector_load %arg6[%get3A_276, %get3A_277] {strides = array<i32>} : memref<200x128xf32, #tpu.memory_space<vmem>>, vector<1x16xf32>,
        %get3A_279 = vector.shape_cast %get3A_278 : vector<1x16xf32> to vector<16xf32>
        %add3A_280 = arith.addf %scan3A_223, %get3A_279 : vector<16xf32>
        %add3A_281 = arith.constant 1 : i32
        %add3A_282 = arith.addi %mul3A_225, %add3A_281 : i32
        %get3A_283 = arith.index_cast %add3A_282 : i32 to index
        %get3A_284 = arith.constant 0 : index
        %get3A_285 = tpu.vector_load %arg6[%get3A_283, %get3A_284] {strides = array<i32>} : memref<200x128xf32, #tpu.memory_space<vmem>>, vector<1x16xf32>,
        %get3A_286 = vector.shape_cast %get3A_285 : vector<1x16xf32> to vector<16xf32>
        %add3A_287 = arith.addf %add3A_231, %get3A_286 : vector<16xf32>
        %add3A_288 = arith.constant 1 : i32
        %add3A_289 = arith.addi %mul3A_225, %add3A_288 : i32
        %get3A_290 = arith.index_cast %add3A_289 : i32 to index
        %get3A_291 = arith.constant 16 : index
        %get3A_292 = tpu.vector_load %arg6[%get3A_290, %get3A_291] {strides = array<i32>} : memref<200x128xf32, #tpu.memory_space<vmem>>, vector<1x16xf32>,
        %get3A_293 = vector.shape_cast %get3A_292 : vector<1x16xf32> to vector<16xf32>
        %add3A_294 = arith.addf %add3A_238, %get3A_293 : vector<16xf32>
        %add3A_295 = arith.constant 1 : i32
        %add3A_296 = arith.addi %mul3A_225, %add3A_295 : i32
        %get3A_297 = arith.index_cast %add3A_296 : i32 to index
        %get3A_298 = arith.constant 32 : index
        %get3A_299 = tpu.vector_load %arg6[%get3A_297, %get3A_298] {strides = array<i32>} : memref<200x128xf32, #tpu.memory_space<vmem>>, vector<1x16xf32>,
        %get3A_300 = vector.shape_cast %get3A_299 : vector<1x16xf32> to vector<16xf32>
        %add3A_301 = arith.addf %add3A_245, %get3A_300 : vector<16xf32>
        %add3A_302 = arith.constant 1 : i32
        %add3A_303 = arith.addi %mul3A_225, %add3A_302 : i32
        %get3A_304 = arith.index_cast %add3A_303 : i32 to index
        %get3A_305 = arith.constant 48 : index
        %get3A_306 = tpu.vector_load %arg6[%get3A_304, %get3A_305] {strides = array<i32>} : memref<200x128xf32, #tpu.memory_space<vmem>>, vector<1x16xf32>,
        %get3A_307 = vector.shape_cast %get3A_306 : vector<1x16xf32> to vector<16xf32>
        %add3A_308 = arith.addf %add3A_252, %get3A_307 : vector<16xf32>
        %add3A_309 = arith.constant 1 : i32
        %add3A_310 = arith.addi %mul3A_225, %add3A_309 : i32
        %get3A_311 = arith.index_cast %add3A_310 : i32 to index
        %get3A_312 = arith.constant 64 : index
        %get3A_313 = tpu.vector_load %arg6[%get3A_311, %get3A_312] {strides = array<i32>} : memref<200x128xf32, #tpu.memory_space<vmem>>, vector<1x16xf32>,
        %get3A_314 = vector.shape_cast %get3A_313 : vector<1x16xf32> to vector<16xf32>
        %add3A_315 = arith.addf %add3A_259, %get3A_314 : vector<16xf32>
        %add3A_316 = arith.constant 1 : i32
        %add3A_317 = arith.addi %mul3A_225, %add3A_316 : i32
        %get3A_318 = arith.index_cast %add3A_317 : i32 to index
        %get3A_319 = arith.constant 80 : index
        %get3A_320 = tpu.vector_load %arg6[%get3A_318, %get3A_319] {strides = array<i32>} : memref<200x128xf32, #tpu.memory_space<vmem>>, vector<1x16xf32>,
        %get3A_321 = vector.shape_cast %get3A_320 : vector<1x16xf32> to vector<16xf32>
        %add3A_322 = arith.addf %add3A_266, %get3A_321 : vector<16xf32>
        %add3A_323 = arith.constant 1 : i32
        %add3A_324 = arith.addi %mul3A_225, %add3A_323 : i32
        %get3A_325 = arith.index_cast %add3A_324 : i32 to index
        %get3A_326 = arith.constant 96 : index
        %get3A_327 = tpu.vector_load %arg6[%get3A_325, %get3A_326] {strides = array<i32>} : memref<200x128xf32, #tpu.memory_space<vmem>>, vector<1x16xf32>,
        %get3A_328 = vector.shape_cast %get3A_327 : vector<1x16xf32> to vector<16xf32>
        %add3A_329 = arith.addf %add3A_273, %get3A_328 : vector<16xf32>
        %add3A_330 = arith.constant 1 : i32
        %add3A_331 = arith.addi %mul3A_225, %add3A_330 : i32
        %get3A_332 = arith.index_cast %add3A_331 : i32 to index
        %get3A_333 = arith.constant 112 : index
        %get3A_334 = tpu.vector_load %arg6[%get3A_332, %get3A_333] {strides = array<i32>} : memref<200x128xf32, #tpu.memory_space<vmem>>, vector<1x16xf32>,
        %get3A_335 = vector.shape_cast %get3A_334 : vector<1x16xf32> to vector<16xf32>
        %add3A_336 = arith.addf %add3A_280, %get3A_335 : vector<16xf32>
        %add3A_337 = arith.constant 2 : i32
        %add3A_338 = arith.addi %mul3A_225, %add3A_337 : i32
        %get3A_339 = arith.index_cast %add3A_338 : i32 to index
        %get3A_340 = arith.constant 0 : index
        %get3A_341 = tpu.vector_load %arg6[%get3A_339, %get3A_340] {strides = array<i32>} : memref<200x128xf32, #tpu.memory_space<vmem>>, vector<1x16xf32>,
        %get3A_342 = vector.shape_cast %get3A_341 : vector<1x16xf32> to vector<16xf32>
        %add3A_343 = arith.addf %add3A_287, %get3A_342 : vector<16xf32>
        %add3A_344 = arith.constant 2 : i32
        %add3A_345 = arith.addi %mul3A_225, %add3A_344 : i32
        %get3A_346 = arith.index_cast %add3A_345 : i32 to index
        %get3A_347 = arith.constant 16 : index
        %get3A_348 = tpu.vector_load %arg6[%get3A_346, %get3A_347] {strides = array<i32>} : memref<200x128xf32, #tpu.memory_space<vmem>>, vector<1x16xf32>,
        %get3A_349 = vector.shape_cast %get3A_348 : vector<1x16xf32> to vector<16xf32>
        %add3A_350 = arith.addf %add3A_294, %get3A_349 : vector<16xf32>
        %add3A_351 = arith.constant 2 : i32
        %add3A_352 = arith.addi %mul3A_225, %add3A_351 : i32
        %get3A_353 = arith.index_cast %add3A_352 : i32 to index
        %get3A_354 = arith.constant 32 : index
        %get3A_355 = tpu.vector_load %arg6[%get3A_353, %get3A_354] {strides = array<i32>} : memref<200x128xf32, #tpu.memory_space<vmem>>, vector<1x16xf32>,
        %get3A_356 = vector.shape_cast %get3A_355 : vector<1x16xf32> to vector<16xf32>
        %add3A_357 = arith.addf %add3A_301, %get3A_356 : vector<16xf32>
        %add3A_358 = arith.constant 2 : i32
        %add3A_359 = arith.addi %mul3A_225, %add3A_358 : i32
        %get3A_360 = arith.index_cast %add3A_359 : i32 to index
        %get3A_361 = arith.constant 48 : index
        %get3A_362 = tpu.vector_load %arg6[%get3A_360, %get3A_361] {strides = array<i32>} : memref<200x128xf32, #tpu.memory_space<vmem>>, vector<1x16xf32>,
        %get3A_363 = vector.shape_cast %get3A_362 : vector<1x16xf32> to vector<16xf32>
        %add3A_364 = arith.addf %add3A_308, %get3A_363 : vector<16xf32>
        %add3A_365 = arith.constant 2 : i32
        %add3A_366 = arith.addi %mul3A_225, %add3A_365 : i32
        %get3A_367 = arith.index_cast %add3A_366 : i32 to index
        %get3A_368 = arith.constant 64 : index
        %get3A_369 = tpu.vector_load %arg6[%get3A_367, %get3A_368] {strides = array<i32>} : memref<200x128xf32, #tpu.memory_space<vmem>>, vector<1x16xf32>,
        %get3A_370 = vector.shape_cast %get3A_369 : vector<1x16xf32> to vector<16xf32>
        %add3A_371 = arith.addf %add3A_315, %get3A_370 : vector<16xf32>
        %add3A_372 = arith.constant 2 : i32
        %add3A_373 = arith.addi %mul3A_225, %add3A_372 : i32
        %get3A_374 = arith.index_cast %add3A_373 : i32 to index
        %get3A_375 = arith.constant 80 : index
        %get3A_376 = tpu.vector_load %arg6[%get3A_374, %get3A_375] {strides = array<i32>} : memref<200x128xf32, #tpu.memory_space<vmem>>, vector<1x16xf32>,
        %get3A_377 = vector.shape_cast %get3A_376 : vector<1x16xf32> to vector<16xf32>
        %add3A_378 = arith.addf %add3A_322, %get3A_377 : vector<16xf32>
        %add3A_379 = arith.constant 2 : i32
        %add3A_380 = arith.addi %mul3A_225, %add3A_379 : i32
        %get3A_381 = arith.index_cast %add3A_380 : i32 to index
        %get3A_382 = arith.constant 96 : index
        %get3A_383 = tpu.vector_load %arg6[%get3A_381, %get3A_382] {strides = array<i32>} : memref<200x128xf32, #tpu.memory_space<vmem>>, vector<1x16xf32>,
        %get3A_384 = vector.shape_cast %get3A_383 : vector<1x16xf32> to vector<16xf32>
        %add3A_385 = arith.addf %add3A_329, %get3A_384 : vector<16xf32>
        %add3A_386 = arith.constant 2 : i32
        %add3A_387 = arith.addi %mul3A_225, %add3A_386 : i32
        %get3A_388 = arith.index_cast %add3A_387 : i32 to index
        %get3A_389 = arith.constant 112 : index
        %get3A_390 = tpu.vector_load %arg6[%get3A_388, %get3A_389] {strides = array<i32>} : memref<200x128xf32, #tpu.memory_space<vmem>>, vector<1x16xf32>,
        %get3A_391 = vector.shape_cast %get3A_390 : vector<1x16xf32> to vector<16xf32>
        %add3A_392 = arith.addf %add3A_336, %get3A_391 : vector<16xf32>
        %add3A_393 = arith.constant 3 : i32
        %add3A_394 = arith.addi %mul3A_225, %add3A_393 : i32
        %get3A_395 = arith.index_cast %add3A_394 : i32 to index
        %get3A_396 = arith.constant 0 : index
        %get3A_397 = tpu.vector_load %arg6[%get3A_395, %get3A_396] {strides = array<i32>} : memref<200x128xf32, #tpu.memory_space<vmem>>, vector<1x16xf32>,
        %get3A_398 = vector.shape_cast %get3A_397 : vector<1x16xf32> to vector<16xf32>
        %add3A_399 = arith.addf %add3A_343, %get3A_398 : vector<16xf32>
        %add3A_400 = arith.constant 3 : i32
        %add3A_401 = arith.addi %mul3A_225, %add3A_400 : i32
        %get3A_402 = arith.index_cast %add3A_401 : i32 to index
        %get3A_403 = arith.constant 16 : index
        %get3A_404 = tpu.vector_load %arg6[%get3A_402, %get3A_403] {strides = array<i32>} : memref<200x128xf32, #tpu.memory_space<vmem>>, vector<1x16xf32>,
        %get3A_405 = vector.shape_cast %get3A_404 : vector<1x16xf32> to vector<16xf32>
        %add3A_406 = arith.addf %add3A_350, %get3A_405 : vector<16xf32>
        %add3A_407 = arith.constant 3 : i32
        %add3A_408 = arith.addi %mul3A_225, %add3A_407 : i32
        %get3A_409 = arith.index_cast %add3A_408 : i32 to index
        %get3A_410 = arith.constant 32 : index
        %get3A_411 = tpu.vector_load %arg6[%get3A_409, %get3A_410] {strides = array<i32>} : memref<200x128xf32, #tpu.memory_space<vmem>>, vector<1x16xf32>,
        %get3A_412 = vector.shape_cast %get3A_411 : vector<1x16xf32> to vector<16xf32>
        %add3A_413 = arith.addf %add3A_357, %get3A_412 : vector<16xf32>
        %add3A_414 = arith.constant 3 : i32
        %add3A_415 = arith.addi %mul3A_225, %add3A_414 : i32
        %get3A_416 = arith.index_cast %add3A_415 : i32 to index
        %get3A_417 = arith.constant 48 : index
        %get3A_418 = tpu.vector_load %arg6[%get3A_416, %get3A_417] {strides = array<i32>} : memref<200x128xf32, #tpu.memory_space<vmem>>, vector<1x16xf32>,
        %get3A_419 = vector.shape_cast %get3A_418 : vector<1x16xf32> to vector<16xf32>
        %add3A_420 = arith.addf %add3A_364, %get3A_419 : vector<16xf32>
        %add3A_421 = arith.constant 3 : i32
        %add3A_422 = arith.addi %mul3A_225, %add3A_421 : i32
        %get3A_423 = arith.index_cast %add3A_422 : i32 to index
        %get3A_424 = arith.constant 64 : index
        %get3A_425 = tpu.vector_load %arg6[%get3A_423, %get3A_424] {strides = array<i32>} : memref<200x128xf32, #tpu.memory_space<vmem>>, vector<1x16xf32>,
        %get3A_426 = vector.shape_cast %get3A_425 : vector<1x16xf32> to vector<16xf32>
        %add3A_427 = arith.addf %add3A_371, %get3A_426 : vector<16xf32>
        %add3A_428 = arith.constant 3 : i32
        %add3A_429 = arith.addi %mul3A_225, %add3A_428 : i32
        %get3A_430 = arith.index_cast %add3A_429 : i32 to index
        %get3A_431 = arith.constant 80 : index
        %get3A_432 = tpu.vector_load %arg6[%get3A_430, %get3A_431] {strides = array<i32>} : memref<200x128xf32, #tpu.memory_space<vmem>>, vector<1x16xf32>,
        %get3A_433 = vector.shape_cast %get3A_432 : vector<1x16xf32> to vector<16xf32>
        %add3A_434 = arith.addf %add3A_378, %get3A_433 : vector<16xf32>
        %add3A_435 = arith.constant 3 : i32
        %add3A_436 = arith.addi %mul3A_225, %add3A_435 : i32
        %get3A_437 = arith.index_cast %add3A_436 : i32 to index
        %get3A_438 = arith.constant 96 : index
        %get3A_439 = tpu.vector_load %arg6[%get3A_437, %get3A_438] {strides = array<i32>} : memref<200x128xf32, #tpu.memory_space<vmem>>, vector<1x16xf32>,
        %get3A_440 = vector.shape_cast %get3A_439 : vector<1x16xf32> to vector<16xf32>
        %add3A_441 = arith.addf %add3A_385, %get3A_440 : vector<16xf32>
        %add3A_442 = arith.constant 3 : i32
        %add3A_443 = arith.addi %mul3A_225, %add3A_442 : i32
        %get3A_444 = arith.index_cast %add3A_443 : i32 to index
        %get3A_445 = arith.constant 112 : index
        %get3A_446 = tpu.vector_load %arg6[%get3A_444, %get3A_445] {strides = array<i32>} : memref<200x128xf32, #tpu.memory_space<vmem>>, vector<1x16xf32>,
        %get3A_447 = vector.shape_cast %get3A_446 : vector<1x16xf32> to vector<16xf32>
        %add3A_448 = arith.addf %add3A_392, %get3A_447 : vector<16xf32>
        scf.yield %add3A_399, %add3A_406, %add3A_413, %add3A_420, %add3A_427, %add3A_434, %add3A_441, %add3A_448 : vector<16xf32>, vector<16xf32>, vector<16xf32>, vector<16xf32>, vector<16xf32>, vector<16xf32>, vector<16xf32>, vector<16xf32>
      }
      %scan3A_60 = arith.constant 50 : i32
      %mul3A_61 = arith.constant 5.000000e-03 : f32
      %mul3A_62 = vector.broadcast %mul3A_61 : f32 to vector<16xf32>
      %mul3A_63 = arith.mulf %scan3A_59#0, %mul3A_62 : vector<16xf32>
      %swap3A = arith.index_cast %add3A_49 : i32 to index
      %swap3A_64 = arith.constant 0 : index
      %swap3A_65 = tpu.vector_load %arg8[%swap3A, %swap3A_64] {strides = array<i32>} : memref<32x128xf32, #tpu.memory_space<vmem>>, vector<1x16xf32>,
      %swap3A_66 = vector.shape_cast %swap3A_65 : vector<1x16xf32> to vector<16xf32>
      %swap3A_67 = vector.shape_cast %mul3A_63 : vector<16xf32> to vector<1x16xf32>
      tpu.vector_store %arg8[%swap3A, %swap3A_64], %swap3A_67 {strides = array<i32>} : memref<32x128xf32, #tpu.memory_space<vmem>>, vector<1x16xf32>,
      %mul3A_68 = arith.constant 5.000000e-03 : f32
      %mul3A_69 = vector.broadcast %mul3A_68 : f32 to vector<16xf32>
      %mul3A_70 = arith.mulf %scan3A_59#1, %mul3A_69 : vector<16xf32>
      %swap3A_71 = arith.index_cast %add3A_49 : i32 to index
      %swap3A_72 = arith.constant 16 : index
      %swap3A_73 = tpu.vector_load %arg8[%swap3A_71, %swap3A_72] {strides = array<i32>} : memref<32x128xf32, #tpu.memory_space<vmem>>, vector<1x16xf32>,
      %swap3A_74 = vector.shape_cast %swap3A_73 : vector<1x16xf32> to vector<16xf32>
      %swap3A_75 = vector.shape_cast %mul3A_70 : vector<16xf32> to vector<1x16xf32>
      tpu.vector_store %arg8[%swap3A_71, %swap3A_72], %swap3A_75 {strides = array<i32>} : memref<32x128xf32, #tpu.memory_space<vmem>>, vector<1x16xf32>,
      %mul3A_76 = arith.constant 5.000000e-03 : f32
      %mul3A_77 = vector.broadcast %mul3A_76 : f32 to vector<16xf32>
      %mul3A_78 = arith.mulf %scan3A_59#2, %mul3A_77 : vector<16xf32>
      %swap3A_79 = arith.index_cast %add3A_49 : i32 to index
      %swap3A_80 = arith.constant 32 : index
      %swap3A_81 = tpu.vector_load %arg8[%swap3A_79, %swap3A_80] {strides = array<i32>} : memref<32x128xf32, #tpu.memory_space<vmem>>, vector<1x16xf32>,
      %swap3A_82 = vector.shape_cast %swap3A_81 : vector<1x16xf32> to vector<16xf32>
      %swap3A_83 = vector.shape_cast %mul3A_78 : vector<16xf32> to vector<1x16xf32>
      tpu.vector_store %arg8[%swap3A_79, %swap3A_80], %swap3A_83 {strides = array<i32>} : memref<32x128xf32, #tpu.memory_space<vmem>>, vector<1x16xf32>,
      %mul3A_84 = arith.constant 5.000000e-03 : f32
      %mul3A_85 = vector.broadcast %mul3A_84 : f32 to vector<16xf32>
      %mul3A_86 = arith.mulf %scan3A_59#3, %mul3A_85 : vector<16xf32>
      %swap3A_87 = arith.index_cast %add3A_49 : i32 to index
      %swap3A_88 = arith.constant 48 : index
      %swap3A_89 = tpu.vector_load %arg8[%swap3A_87, %swap3A_88] {strides = array<i32>} : memref<32x128xf32, #tpu.memory_space<vmem>>, vector<1x16xf32>,
      %swap3A_90 = vector.shape_cast %swap3A_89 : vector<1x16xf32> to vector<16xf32>
      %swap3A_91 = vector.shape_cast %mul3A_86 : vector<16xf32> to vector<1x16xf32>
      tpu.vector_store %arg8[%swap3A_87, %swap3A_88], %swap3A_91 {strides = array<i32>} : memref<32x128xf32, #tpu.memory_space<vmem>>, vector<1x16xf32>,
      %mul3A_92 = arith.constant 5.000000e-03 : f32
      %mul3A_93 = vector.broadcast %mul3A_92 : f32 to vector<16xf32>
      %mul3A_94 = arith.mulf %scan3A_59#4, %mul3A_93 : vector<16xf32>
      %swap3A_95 = arith.index_cast %add3A_49 : i32 to index
      %swap3A_96 = arith.constant 64 : index
      %swap3A_97 = tpu.vector_load %arg8[%swap3A_95, %swap3A_96] {strides = array<i32>} : memref<32x128xf32, #tpu.memory_space<vmem>>, vector<1x16xf32>,
      %swap3A_98 = vector.shape_cast %swap3A_97 : vector<1x16xf32> to vector<16xf32>
      %swap3A_99 = vector.shape_cast %mul3A_94 : vector<16xf32> to vector<1x16xf32>
      tpu.vector_store %arg8[%swap3A_95, %swap3A_96], %swap3A_99 {strides = array<i32>} : memref<32x128xf32, #tpu.memory_space<vmem>>, vector<1x16xf32>,
      %mul3A_100 = arith.constant 5.000000e-03 : f32
      %mul3A_101 = vector.broadcast %mul3A_100 : f32 to vector<16xf32>
      %mul3A_102 = arith.mulf %scan3A_59#5, %mul3A_101 : vector<16xf32>
      %swap3A_103 = arith.index_cast %add3A_49 : i32 to index
      %swap3A_104 = arith.constant 80 : index
      %swap3A_105 = tpu.vector_load %arg8[%swap3A_103, %swap3A_104] {strides = array<i32>} : memref<32x128xf32, #tpu.memory_space<vmem>>, vector<1x16xf32>,
      %swap3A_106 = vector.shape_cast %swap3A_105 : vector<1x16xf32> to vector<16xf32>
      %swap3A_107 = vector.shape_cast %mul3A_102 : vector<16xf32> to vector<1x16xf32>
      tpu.vector_store %arg8[%swap3A_103, %swap3A_104], %swap3A_107 {strides = array<i32>} : memref<32x128xf32, #tpu.memory_space<vmem>>, vector<1x16xf32>,
      %mul3A_108 = arith.constant 5.000000e-03 : f32
      %mul3A_109 = vector.broadcast %mul3A_108 : f32 to vector<16xf32>
      %mul3A_110 = arith.mulf %scan3A_59#6, %mul3A_109 : vector<16xf32>
      %swap3A_111 = arith.index_cast %add3A_49 : i32 to index
      %swap3A_112 = arith.constant 96 : index
      %swap3A_113 = tpu.vector_load %arg8[%swap3A_111, %swap3A_112] {strides = array<i32>} : memref<32x128xf32, #tpu.memory_space<vmem>>, vector<1x16xf32>,
      %swap3A_114 = vector.shape_cast %swap3A_113 : vector<1x16xf32> to vector<16xf32>
      %swap3A_115 = vector.shape_cast %mul3A_110 : vector<16xf32> to vector<1x16xf32>
      tpu.vector_store %arg8[%swap3A_111, %swap3A_112], %swap3A_115 {strides = array<i32>} : memref<32x128xf32, #tpu.memory_space<vmem>>, vector<1x16xf32>,
      %mul3A_116 = arith.constant 5.000000e-03 : f32
      %mul3A_117 = vector.broadcast %mul3A_116 : f32 to vector<16xf32>
      %mul3A_118 = arith.mulf %scan3A_59#7, %mul3A_117 : vector<16xf32>
      %swap3A_119 = arith.index_cast %add3A_49 : i32 to index
      %swap3A_120 = arith.constant 112 : index
      %swap3A_121 = tpu.vector_load %arg8[%swap3A_119, %swap3A_120] {strides = array<i32>} : memref<32x128xf32, #tpu.memory_space<vmem>>, vector<1x16xf32>,
      %swap3A_122 = vector.shape_cast %swap3A_121 : vector<1x16xf32> to vector<16xf32>
      %swap3A_123 = vector.shape_cast %mul3A_118 : vector<16xf32> to vector<1x16xf32>
      tpu.vector_store %arg8[%swap3A_119, %swap3A_120], %swap3A_123 {strides = array<i32>} : memref<32x128xf32, #tpu.memory_space<vmem>>, vector<1x16xf32>,
      %add3A_124 = arith.constant 2 : i32
      %add3A_125 = arith.addi %add3A_49, %add3A_124 : i32
      %lt3A = arith.constant 32 : i32
      %lt3A_126 = arith.cmpi slt, %add3A_125, %lt3A : i32
      %convert_element_type3A = arith.extui %lt3A_126 : i1 to i32
      %cond3A = arith.constant 0 : i32
      %cond3A_127 = arith.cmpi ne, %convert_element_type3A, %cond3A : i32
      scf.if %cond3A_127 {
        %add3A_215 = arith.constant 2 : i32
        %add3A_216 = arith.addi %add3A_49, %add3A_215 : i32
        %mul3A_217 = arith.constant 200 : i32
        %mul3A_218 = arith.muli %add3A_216, %mul3A_217 : i32
        %multiple_of3A_219 = tpu.assume_multiple %mul3A_218, 8 : i32
        %dma_start3A_220 = arith.constant 0 : i32
        %dma_start3A_221 = arith.constant 0 : i32
        %dma_start3A_222 = tpu.memref_slice %arg6[%dma_start3A_220, %dma_start3A_221] : memref<200x128xf32, #tpu.memory_space<vmem>> -> memref<104x128xf32, #tpu.memory_space<vmem>>
        %dma_start3A_223 = tpu.memref_slice %arg5[%multiple_of3A_219] : memref<6400xi32, #tpu.memory_space<vmem>> -> memref<104xi32, #tpu.memory_space<vmem>>
        %dma_start3A_224 = arith.constant 0 : i32
        %dma_start3A_225 = arith.constant 0 : i32
        %dma_start3A_226 = tpu.memref_slice %arg3[%dma_start3A_224, %dma_start3A_225] : memref<100000x128xf32, #tpu.memory_space<hbm>> -> memref<100000x128xf32, #tpu.memory_space<hbm>>
        tpu.enqueue_indirect_dma source(%dma_start3A_226 : memref<100000x128xf32, #tpu.memory_space<hbm>>) target(%dma_start3A_222 : memref<104x128xf32, #tpu.memory_space<vmem>>) offsets(%dma_start3A_223 : memref<104xi32, #tpu.memory_space<vmem>>) semaphore(%arg9 : memref<!tpu.dma_semaphore, #tpu.memory_space<semaphore_mem>>)
        %add3A_227 = arith.constant 104 : i32
        %add3A_228 = arith.addi %multiple_of3A_219, %add3A_227 : i32
        %dma_start3A_229 = arith.constant 104 : i32
        %dma_start3A_230 = arith.constant 0 : i32
        %dma_start3A_231 = tpu.memref_slice %arg6[%dma_start3A_229, %dma_start3A_230] : memref<200x128xf32, #tpu.memory_space<vmem>> -> memref<96x128xf32, #tpu.memory_space<vmem>>
        %dma_start3A_232 = tpu.memref_slice %arg5[%add3A_228] : memref<6400xi32, #tpu.memory_space<vmem>> -> memref<96xi32, #tpu.memory_space<vmem>>
        %dma_start3A_233 = arith.constant 0 : i32
        %dma_start3A_234 = arith.constant 0 : i32
        %dma_start3A_235 = tpu.memref_slice %arg3[%dma_start3A_233, %dma_start3A_234] : memref<100000x128xf32, #tpu.memory_space<hbm>> -> memref<100000x128xf32, #tpu.memory_space<hbm>>
        tpu.enqueue_indirect_dma source(%dma_start3A_235 : memref<100000x128xf32, #tpu.memory_space<hbm>>) target(%dma_start3A_231 : memref<96x128xf32, #tpu.memory_space<vmem>>) offsets(%dma_start3A_232 : memref<96xi32, #tpu.memory_space<vmem>>) semaphore(%arg9 : memref<!tpu.dma_semaphore, #tpu.memory_space<semaphore_mem>>)
      } else {
      }
      %mul3A_128 = arith.constant 2 : i32
      %mul3A_129 = arith.muli %scan3A_45, %mul3A_128 : i32
      %add3A_130 = arith.constant 1 : i32
      %add3A_131 = arith.addi %mul3A_129, %add3A_130 : i32
      %dma_wait3A_132 = arith.constant 0 : i32
      %dma_wait3A_133 = arith.constant 0 : i32
      %dma_wait3A_134 = tpu.memref_slice %arg3[%dma_wait3A_132, %dma_wait3A_133] : memref<100000x128xf32, #tpu.memory_space<hbm>> -> memref<200x128xf32, #tpu.memory_space<hbm>>
      %dma_wait3A_135 = arith.constant 0 : i32
      %dma_wait3A_136 = arith.constant 0 : i32
      %dma_wait3A_137 = tpu.memref_slice %arg3[%dma_wait3A_135, %dma_wait3A_136] : memref<100000x128xf32, #tpu.memory_space<hbm>> -> memref<200x128xf32, #tpu.memory_space<hbm>>
      tpu.wait_dma2 semaphore(%arg10 : memref<!tpu.dma_semaphore, #tpu.memory_space<semaphore_mem>>) src(%dma_wait3A_137 : memref<200x128xf32, #tpu.memory_space<hbm>>) dst(%arg7 : memref<200x128xf32, #tpu.memory_space<vmem>>)
      %scan3A_138 = arith.constant 0 : i32
      %scan3A_139 = arith.constant 50 : i32
      %scan3A_140 = arith.addi %scan3A_138, %scan3A_139 : i32
      %scan3A_141 = arith.constant 1 : i32
      %scan3A_142:8 = scf.for %scan3A_215 = %scan3A_138 to %scan3A_140 step %scan3A_141 iter_args(%scan3A_216 = %broadcast_in_dim3A_5, %scan3A_217 = %broadcast_in_dim3A_5, %scan3A_218 = %broadcast_in_dim3A_5, %scan3A_219 = %broadcast_in_dim3A_5, %scan3A_220 = %broadcast_in_dim3A_5, %scan3A_221 = %broadcast_in_dim3A_5, %scan3A_222 = %broadcast_in_dim3A_5, %scan3A_223 = %broadcast_in_dim3A_5) -> (vector<16xf32>, vector<16xf32>, vector<16xf32>, vector<16xf32>, vector<16xf32>, vector<16xf32>, vector<16xf32>, vector<16xf32>)  : i32 {
        %mul3A_224 = arith.constant 4 : i32
        %mul3A_225 = arith.muli %scan3A_215, %mul3A_224 : i32
        %add3A_226 = arith.constant 0 : i32
        %add3A_227 = arith.addi %mul3A_225, %add3A_226 : i32
        %get3A = arith.index_cast %add3A_227 : i32 to index
        %get3A_228 = arith.constant 0 : index
        %get3A_229 = tpu.vector_load %arg7[%get3A, %get3A_228] {strides = array<i32>} : memref<200x128xf32, #tpu.memory_space<vmem>>, vector<1x16xf32>,
        %get3A_230 = vector.shape_cast %get3A_229 : vector<1x16xf32> to vector<16xf32>
        %add3A_231 = arith.addf %scan3A_216, %get3A_230 : vector<16xf32>
        %add3A_232 = arith.constant 0 : i32
        %add3A_233 = arith.addi %mul3A_225, %add3A_232 : i32
        %get3A_234 = arith.index_cast %add3A_233 : i32 to index
        %get3A_235 = arith.constant 16 : index
        %get3A_236 = tpu.vector_load %arg7[%get3A_234, %get3A_235] {strides = array<i32>} : memref<200x128xf32, #tpu.memory_space<vmem>>, vector<1x16xf32>,
        %get3A_237 = vector.shape_cast %get3A_236 : vector<1x16xf32> to vector<16xf32>
        %add3A_238 = arith.addf %scan3A_217, %get3A_237 : vector<16xf32>
        %add3A_239 = arith.constant 0 : i32
        %add3A_240 = arith.addi %mul3A_225, %add3A_239 : i32
        %get3A_241 = arith.index_cast %add3A_240 : i32 to index
        %get3A_242 = arith.constant 32 : index
        %get3A_243 = tpu.vector_load %arg7[%get3A_241, %get3A_242] {strides = array<i32>} : memref<200x128xf32, #tpu.memory_space<vmem>>, vector<1x16xf32>,
        %get3A_244 = vector.shape_cast %get3A_243 : vector<1x16xf32> to vector<16xf32>
        %add3A_245 = arith.addf %scan3A_218, %get3A_244 : vector<16xf32>
        %add3A_246 = arith.constant 0 : i32
        %add3A_247 = arith.addi %mul3A_225, %add3A_246 : i32
        %get3A_248 = arith.index_cast %add3A_247 : i32 to index
        %get3A_249 = arith.constant 48 : index
        %get3A_250 = tpu.vector_load %arg7[%get3A_248, %get3A_249] {strides = array<i32>} : memref<200x128xf32, #tpu.memory_space<vmem>>, vector<1x16xf32>,
        %get3A_251 = vector.shape_cast %get3A_250 : vector<1x16xf32> to vector<16xf32>
        %add3A_252 = arith.addf %scan3A_219, %get3A_251 : vector<16xf32>
        %add3A_253 = arith.constant 0 : i32
        %add3A_254 = arith.addi %mul3A_225, %add3A_253 : i32
        %get3A_255 = arith.index_cast %add3A_254 : i32 to index
        %get3A_256 = arith.constant 64 : index
        %get3A_257 = tpu.vector_load %arg7[%get3A_255, %get3A_256] {strides = array<i32>} : memref<200x128xf32, #tpu.memory_space<vmem>>, vector<1x16xf32>,
        %get3A_258 = vector.shape_cast %get3A_257 : vector<1x16xf32> to vector<16xf32>
        %add3A_259 = arith.addf %scan3A_220, %get3A_258 : vector<16xf32>
        %add3A_260 = arith.constant 0 : i32
        %add3A_261 = arith.addi %mul3A_225, %add3A_260 : i32
        %get3A_262 = arith.index_cast %add3A_261 : i32 to index
        %get3A_263 = arith.constant 80 : index
        %get3A_264 = tpu.vector_load %arg7[%get3A_262, %get3A_263] {strides = array<i32>} : memref<200x128xf32, #tpu.memory_space<vmem>>, vector<1x16xf32>,
        %get3A_265 = vector.shape_cast %get3A_264 : vector<1x16xf32> to vector<16xf32>
        %add3A_266 = arith.addf %scan3A_221, %get3A_265 : vector<16xf32>
        %add3A_267 = arith.constant 0 : i32
        %add3A_268 = arith.addi %mul3A_225, %add3A_267 : i32
        %get3A_269 = arith.index_cast %add3A_268 : i32 to index
        %get3A_270 = arith.constant 96 : index
        %get3A_271 = tpu.vector_load %arg7[%get3A_269, %get3A_270] {strides = array<i32>} : memref<200x128xf32, #tpu.memory_space<vmem>>, vector<1x16xf32>,
        %get3A_272 = vector.shape_cast %get3A_271 : vector<1x16xf32> to vector<16xf32>
        %add3A_273 = arith.addf %scan3A_222, %get3A_272 : vector<16xf32>
        %add3A_274 = arith.constant 0 : i32
        %add3A_275 = arith.addi %mul3A_225, %add3A_274 : i32
        %get3A_276 = arith.index_cast %add3A_275 : i32 to index
        %get3A_277 = arith.constant 112 : index
        %get3A_278 = tpu.vector_load %arg7[%get3A_276, %get3A_277] {strides = array<i32>} : memref<200x128xf32, #tpu.memory_space<vmem>>, vector<1x16xf32>,
        %get3A_279 = vector.shape_cast %get3A_278 : vector<1x16xf32> to vector<16xf32>
        %add3A_280 = arith.addf %scan3A_223, %get3A_279 : vector<16xf32>
        %add3A_281 = arith.constant 1 : i32
        %add3A_282 = arith.addi %mul3A_225, %add3A_281 : i32
        %get3A_283 = arith.index_cast %add3A_282 : i32 to index
        %get3A_284 = arith.constant 0 : index
        %get3A_285 = tpu.vector_load %arg7[%get3A_283, %get3A_284] {strides = array<i32>} : memref<200x128xf32, #tpu.memory_space<vmem>>, vector<1x16xf32>,
        %get3A_286 = vector.shape_cast %get3A_285 : vector<1x16xf32> to vector<16xf32>
        %add3A_287 = arith.addf %add3A_231, %get3A_286 : vector<16xf32>
        %add3A_288 = arith.constant 1 : i32
        %add3A_289 = arith.addi %mul3A_225, %add3A_288 : i32
        %get3A_290 = arith.index_cast %add3A_289 : i32 to index
        %get3A_291 = arith.constant 16 : index
        %get3A_292 = tpu.vector_load %arg7[%get3A_290, %get3A_291] {strides = array<i32>} : memref<200x128xf32, #tpu.memory_space<vmem>>, vector<1x16xf32>,
        %get3A_293 = vector.shape_cast %get3A_292 : vector<1x16xf32> to vector<16xf32>
        %add3A_294 = arith.addf %add3A_238, %get3A_293 : vector<16xf32>
        %add3A_295 = arith.constant 1 : i32
        %add3A_296 = arith.addi %mul3A_225, %add3A_295 : i32
        %get3A_297 = arith.index_cast %add3A_296 : i32 to index
        %get3A_298 = arith.constant 32 : index
        %get3A_299 = tpu.vector_load %arg7[%get3A_297, %get3A_298] {strides = array<i32>} : memref<200x128xf32, #tpu.memory_space<vmem>>, vector<1x16xf32>,
        %get3A_300 = vector.shape_cast %get3A_299 : vector<1x16xf32> to vector<16xf32>
        %add3A_301 = arith.addf %add3A_245, %get3A_300 : vector<16xf32>
        %add3A_302 = arith.constant 1 : i32
        %add3A_303 = arith.addi %mul3A_225, %add3A_302 : i32
        %get3A_304 = arith.index_cast %add3A_303 : i32 to index
        %get3A_305 = arith.constant 48 : index
        %get3A_306 = tpu.vector_load %arg7[%get3A_304, %get3A_305] {strides = array<i32>} : memref<200x128xf32, #tpu.memory_space<vmem>>, vector<1x16xf32>,
        %get3A_307 = vector.shape_cast %get3A_306 : vector<1x16xf32> to vector<16xf32>
        %add3A_308 = arith.addf %add3A_252, %get3A_307 : vector<16xf32>
        %add3A_309 = arith.constant 1 : i32
        %add3A_310 = arith.addi %mul3A_225, %add3A_309 : i32
        %get3A_311 = arith.index_cast %add3A_310 : i32 to index
        %get3A_312 = arith.constant 64 : index
        %get3A_313 = tpu.vector_load %arg7[%get3A_311, %get3A_312] {strides = array<i32>} : memref<200x128xf32, #tpu.memory_space<vmem>>, vector<1x16xf32>,
        %get3A_314 = vector.shape_cast %get3A_313 : vector<1x16xf32> to vector<16xf32>
        %add3A_315 = arith.addf %add3A_259, %get3A_314 : vector<16xf32>
        %add3A_316 = arith.constant 1 : i32
        %add3A_317 = arith.addi %mul3A_225, %add3A_316 : i32
        %get3A_318 = arith.index_cast %add3A_317 : i32 to index
        %get3A_319 = arith.constant 80 : index
        %get3A_320 = tpu.vector_load %arg7[%get3A_318, %get3A_319] {strides = array<i32>} : memref<200x128xf32, #tpu.memory_space<vmem>>, vector<1x16xf32>,
        %get3A_321 = vector.shape_cast %get3A_320 : vector<1x16xf32> to vector<16xf32>
        %add3A_322 = arith.addf %add3A_266, %get3A_321 : vector<16xf32>
        %add3A_323 = arith.constant 1 : i32
        %add3A_324 = arith.addi %mul3A_225, %add3A_323 : i32
        %get3A_325 = arith.index_cast %add3A_324 : i32 to index
        %get3A_326 = arith.constant 96 : index
        %get3A_327 = tpu.vector_load %arg7[%get3A_325, %get3A_326] {strides = array<i32>} : memref<200x128xf32, #tpu.memory_space<vmem>>, vector<1x16xf32>,
        %get3A_328 = vector.shape_cast %get3A_327 : vector<1x16xf32> to vector<16xf32>
        %add3A_329 = arith.addf %add3A_273, %get3A_328 : vector<16xf32>
        %add3A_330 = arith.constant 1 : i32
        %add3A_331 = arith.addi %mul3A_225, %add3A_330 : i32
        %get3A_332 = arith.index_cast %add3A_331 : i32 to index
        %get3A_333 = arith.constant 112 : index
        %get3A_334 = tpu.vector_load %arg7[%get3A_332, %get3A_333] {strides = array<i32>} : memref<200x128xf32, #tpu.memory_space<vmem>>, vector<1x16xf32>,
        %get3A_335 = vector.shape_cast %get3A_334 : vector<1x16xf32> to vector<16xf32>
        %add3A_336 = arith.addf %add3A_280, %get3A_335 : vector<16xf32>
        %add3A_337 = arith.constant 2 : i32
        %add3A_338 = arith.addi %mul3A_225, %add3A_337 : i32
        %get3A_339 = arith.index_cast %add3A_338 : i32 to index
        %get3A_340 = arith.constant 0 : index
        %get3A_341 = tpu.vector_load %arg7[%get3A_339, %get3A_340] {strides = array<i32>} : memref<200x128xf32, #tpu.memory_space<vmem>>, vector<1x16xf32>,
        %get3A_342 = vector.shape_cast %get3A_341 : vector<1x16xf32> to vector<16xf32>
        %add3A_343 = arith.addf %add3A_287, %get3A_342 : vector<16xf32>
        %add3A_344 = arith.constant 2 : i32
        %add3A_345 = arith.addi %mul3A_225, %add3A_344 : i32
        %get3A_346 = arith.index_cast %add3A_345 : i32 to index
        %get3A_347 = arith.constant 16 : index
        %get3A_348 = tpu.vector_load %arg7[%get3A_346, %get3A_347] {strides = array<i32>} : memref<200x128xf32, #tpu.memory_space<vmem>>, vector<1x16xf32>,
        %get3A_349 = vector.shape_cast %get3A_348 : vector<1x16xf32> to vector<16xf32>
        %add3A_350 = arith.addf %add3A_294, %get3A_349 : vector<16xf32>
        %add3A_351 = arith.constant 2 : i32
        %add3A_352 = arith.addi %mul3A_225, %add3A_351 : i32
        %get3A_353 = arith.index_cast %add3A_352 : i32 to index
        %get3A_354 = arith.constant 32 : index
        %get3A_355 = tpu.vector_load %arg7[%get3A_353, %get3A_354] {strides = array<i32>} : memref<200x128xf32, #tpu.memory_space<vmem>>, vector<1x16xf32>,
        %get3A_356 = vector.shape_cast %get3A_355 : vector<1x16xf32> to vector<16xf32>
        %add3A_357 = arith.addf %add3A_301, %get3A_356 : vector<16xf32>
        %add3A_358 = arith.constant 2 : i32
        %add3A_359 = arith.addi %mul3A_225, %add3A_358 : i32
        %get3A_360 = arith.index_cast %add3A_359 : i32 to index
        %get3A_361 = arith.constant 48 : index
        %get3A_362 = tpu.vector_load %arg7[%get3A_360, %get3A_361] {strides = array<i32>} : memref<200x128xf32, #tpu.memory_space<vmem>>, vector<1x16xf32>,
        %get3A_363 = vector.shape_cast %get3A_362 : vector<1x16xf32> to vector<16xf32>
        %add3A_364 = arith.addf %add3A_308, %get3A_363 : vector<16xf32>
        %add3A_365 = arith.constant 2 : i32
        %add3A_366 = arith.addi %mul3A_225, %add3A_365 : i32
        %get3A_367 = arith.index_cast %add3A_366 : i32 to index
        %get3A_368 = arith.constant 64 : index
        %get3A_369 = tpu.vector_load %arg7[%get3A_367, %get3A_368] {strides = array<i32>} : memref<200x128xf32, #tpu.memory_space<vmem>>, vector<1x16xf32>,
        %get3A_370 = vector.shape_cast %get3A_369 : vector<1x16xf32> to vector<16xf32>
        %add3A_371 = arith.addf %add3A_315, %get3A_370 : vector<16xf32>
        %add3A_372 = arith.constant 2 : i32
        %add3A_373 = arith.addi %mul3A_225, %add3A_372 : i32
        %get3A_374 = arith.index_cast %add3A_373 : i32 to index
        %get3A_375 = arith.constant 80 : index
        %get3A_376 = tpu.vector_load %arg7[%get3A_374, %get3A_375] {strides = array<i32>} : memref<200x128xf32, #tpu.memory_space<vmem>>, vector<1x16xf32>,
        %get3A_377 = vector.shape_cast %get3A_376 : vector<1x16xf32> to vector<16xf32>
        %add3A_378 = arith.addf %add3A_322, %get3A_377 : vector<16xf32>
        %add3A_379 = arith.constant 2 : i32
        %add3A_380 = arith.addi %mul3A_225, %add3A_379 : i32
        %get3A_381 = arith.index_cast %add3A_380 : i32 to index
        %get3A_382 = arith.constant 96 : index
        %get3A_383 = tpu.vector_load %arg7[%get3A_381, %get3A_382] {strides = array<i32>} : memref<200x128xf32, #tpu.memory_space<vmem>>, vector<1x16xf32>,
        %get3A_384 = vector.shape_cast %get3A_383 : vector<1x16xf32> to vector<16xf32>
        %add3A_385 = arith.addf %add3A_329, %get3A_384 : vector<16xf32>
        %add3A_386 = arith.constant 2 : i32
        %add3A_387 = arith.addi %mul3A_225, %add3A_386 : i32
        %get3A_388 = arith.index_cast %add3A_387 : i32 to index
        %get3A_389 = arith.constant 112 : index
        %get3A_390 = tpu.vector_load %arg7[%get3A_388, %get3A_389] {strides = array<i32>} : memref<200x128xf32, #tpu.memory_space<vmem>>, vector<1x16xf32>,
        %get3A_391 = vector.shape_cast %get3A_390 : vector<1x16xf32> to vector<16xf32>
        %add3A_392 = arith.addf %add3A_336, %get3A_391 : vector<16xf32>
        %add3A_393 = arith.constant 3 : i32
        %add3A_394 = arith.addi %mul3A_225, %add3A_393 : i32
        %get3A_395 = arith.index_cast %add3A_394 : i32 to index
        %get3A_396 = arith.constant 0 : index
        %get3A_397 = tpu.vector_load %arg7[%get3A_395, %get3A_396] {strides = array<i32>} : memref<200x128xf32, #tpu.memory_space<vmem>>, vector<1x16xf32>,
        %get3A_398 = vector.shape_cast %get3A_397 : vector<1x16xf32> to vector<16xf32>
        %add3A_399 = arith.addf %add3A_343, %get3A_398 : vector<16xf32>
        %add3A_400 = arith.constant 3 : i32
        %add3A_401 = arith.addi %mul3A_225, %add3A_400 : i32
        %get3A_402 = arith.index_cast %add3A_401 : i32 to index
        %get3A_403 = arith.constant 16 : index
        %get3A_404 = tpu.vector_load %arg7[%get3A_402, %get3A_403] {strides = array<i32>} : memref<200x128xf32, #tpu.memory_space<vmem>>, vector<1x16xf32>,
        %get3A_405 = vector.shape_cast %get3A_404 : vector<1x16xf32> to vector<16xf32>
        %add3A_406 = arith.addf %add3A_350, %get3A_405 : vector<16xf32>
        %add3A_407 = arith.constant 3 : i32
        %add3A_408 = arith.addi %mul3A_225, %add3A_407 : i32
        %get3A_409 = arith.index_cast %add3A_408 : i32 to index
        %get3A_410 = arith.constant 32 : index
        %get3A_411 = tpu.vector_load %arg7[%get3A_409, %get3A_410] {strides = array<i32>} : memref<200x128xf32, #tpu.memory_space<vmem>>, vector<1x16xf32>,
        %get3A_412 = vector.shape_cast %get3A_411 : vector<1x16xf32> to vector<16xf32>
        %add3A_413 = arith.addf %add3A_357, %get3A_412 : vector<16xf32>
        %add3A_414 = arith.constant 3 : i32
        %add3A_415 = arith.addi %mul3A_225, %add3A_414 : i32
        %get3A_416 = arith.index_cast %add3A_415 : i32 to index
        %get3A_417 = arith.constant 48 : index
        %get3A_418 = tpu.vector_load %arg7[%get3A_416, %get3A_417] {strides = array<i32>} : memref<200x128xf32, #tpu.memory_space<vmem>>, vector<1x16xf32>,
        %get3A_419 = vector.shape_cast %get3A_418 : vector<1x16xf32> to vector<16xf32>
        %add3A_420 = arith.addf %add3A_364, %get3A_419 : vector<16xf32>
        %add3A_421 = arith.constant 3 : i32
        %add3A_422 = arith.addi %mul3A_225, %add3A_421 : i32
        %get3A_423 = arith.index_cast %add3A_422 : i32 to index
        %get3A_424 = arith.constant 64 : index
        %get3A_425 = tpu.vector_load %arg7[%get3A_423, %get3A_424] {strides = array<i32>} : memref<200x128xf32, #tpu.memory_space<vmem>>, vector<1x16xf32>,
        %get3A_426 = vector.shape_cast %get3A_425 : vector<1x16xf32> to vector<16xf32>
        %add3A_427 = arith.addf %add3A_371, %get3A_426 : vector<16xf32>
        %add3A_428 = arith.constant 3 : i32
        %add3A_429 = arith.addi %mul3A_225, %add3A_428 : i32
        %get3A_430 = arith.index_cast %add3A_429 : i32 to index
        %get3A_431 = arith.constant 80 : index
        %get3A_432 = tpu.vector_load %arg7[%get3A_430, %get3A_431] {strides = array<i32>} : memref<200x128xf32, #tpu.memory_space<vmem>>, vector<1x16xf32>,
        %get3A_433 = vector.shape_cast %get3A_432 : vector<1x16xf32> to vector<16xf32>
        %add3A_434 = arith.addf %add3A_378, %get3A_433 : vector<16xf32>
        %add3A_435 = arith.constant 3 : i32
        %add3A_436 = arith.addi %mul3A_225, %add3A_435 : i32
        %get3A_437 = arith.index_cast %add3A_436 : i32 to index
        %get3A_438 = arith.constant 96 : index
        %get3A_439 = tpu.vector_load %arg7[%get3A_437, %get3A_438] {strides = array<i32>} : memref<200x128xf32, #tpu.memory_space<vmem>>, vector<1x16xf32>,
        %get3A_440 = vector.shape_cast %get3A_439 : vector<1x16xf32> to vector<16xf32>
        %add3A_441 = arith.addf %add3A_385, %get3A_440 : vector<16xf32>
        %add3A_442 = arith.constant 3 : i32
        %add3A_443 = arith.addi %mul3A_225, %add3A_442 : i32
        %get3A_444 = arith.index_cast %add3A_443 : i32 to index
        %get3A_445 = arith.constant 112 : index
        %get3A_446 = tpu.vector_load %arg7[%get3A_444, %get3A_445] {strides = array<i32>} : memref<200x128xf32, #tpu.memory_space<vmem>>, vector<1x16xf32>,
        %get3A_447 = vector.shape_cast %get3A_446 : vector<1x16xf32> to vector<16xf32>
        %add3A_448 = arith.addf %add3A_392, %get3A_447 : vector<16xf32>
        scf.yield %add3A_399, %add3A_406, %add3A_413, %add3A_420, %add3A_427, %add3A_434, %add3A_441, %add3A_448 : vector<16xf32>, vector<16xf32>, vector<16xf32>, vector<16xf32>, vector<16xf32>, vector<16xf32>, vector<16xf32>, vector<16xf32>
      }
      %scan3A_143 = arith.constant 50 : i32
      %mul3A_144 = arith.constant 5.000000e-03 : f32
      %mul3A_145 = vector.broadcast %mul3A_144 : f32 to vector<16xf32>
      %mul3A_146 = arith.mulf %scan3A_142#0, %mul3A_145 : vector<16xf32>
      %swap3A_147 = arith.index_cast %add3A_131 : i32 to index
      %swap3A_148 = arith.constant 0 : index
      %swap3A_149 = tpu.vector_load %arg8[%swap3A_147, %swap3A_148] {strides = array<i32>} : memref<32x128xf32, #tpu.memory_space<vmem>>, vector<1x16xf32>,
      %swap3A_150 = vector.shape_cast %swap3A_149 : vector<1x16xf32> to vector<16xf32>
      %swap3A_151 = vector.shape_cast %mul3A_146 : vector<16xf32> to vector<1x16xf32>
      tpu.vector_store %arg8[%swap3A_147, %swap3A_148], %swap3A_151 {strides = array<i32>} : memref<32x128xf32, #tpu.memory_space<vmem>>, vector<1x16xf32>,
      %mul3A_152 = arith.constant 5.000000e-03 : f32
      %mul3A_153 = vector.broadcast %mul3A_152 : f32 to vector<16xf32>
      %mul3A_154 = arith.mulf %scan3A_142#1, %mul3A_153 : vector<16xf32>
      %swap3A_155 = arith.index_cast %add3A_131 : i32 to index
      %swap3A_156 = arith.constant 16 : index
      %swap3A_157 = tpu.vector_load %arg8[%swap3A_155, %swap3A_156] {strides = array<i32>} : memref<32x128xf32, #tpu.memory_space<vmem>>, vector<1x16xf32>,
      %swap3A_158 = vector.shape_cast %swap3A_157 : vector<1x16xf32> to vector<16xf32>
      %swap3A_159 = vector.shape_cast %mul3A_154 : vector<16xf32> to vector<1x16xf32>
      tpu.vector_store %arg8[%swap3A_155, %swap3A_156], %swap3A_159 {strides = array<i32>} : memref<32x128xf32, #tpu.memory_space<vmem>>, vector<1x16xf32>,
      %mul3A_160 = arith.constant 5.000000e-03 : f32
      %mul3A_161 = vector.broadcast %mul3A_160 : f32 to vector<16xf32>
      %mul3A_162 = arith.mulf %scan3A_142#2, %mul3A_161 : vector<16xf32>
      %swap3A_163 = arith.index_cast %add3A_131 : i32 to index
      %swap3A_164 = arith.constant 32 : index
      %swap3A_165 = tpu.vector_load %arg8[%swap3A_163, %swap3A_164] {strides = array<i32>} : memref<32x128xf32, #tpu.memory_space<vmem>>, vector<1x16xf32>,
      %swap3A_166 = vector.shape_cast %swap3A_165 : vector<1x16xf32> to vector<16xf32>
      %swap3A_167 = vector.shape_cast %mul3A_162 : vector<16xf32> to vector<1x16xf32>
      tpu.vector_store %arg8[%swap3A_163, %swap3A_164], %swap3A_167 {strides = array<i32>} : memref<32x128xf32, #tpu.memory_space<vmem>>, vector<1x16xf32>,
      %mul3A_168 = arith.constant 5.000000e-03 : f32
      %mul3A_169 = vector.broadcast %mul3A_168 : f32 to vector<16xf32>
      %mul3A_170 = arith.mulf %scan3A_142#3, %mul3A_169 : vector<16xf32>
      %swap3A_171 = arith.index_cast %add3A_131 : i32 to index
      %swap3A_172 = arith.constant 48 : index
      %swap3A_173 = tpu.vector_load %arg8[%swap3A_171, %swap3A_172] {strides = array<i32>} : memref<32x128xf32, #tpu.memory_space<vmem>>, vector<1x16xf32>,
      %swap3A_174 = vector.shape_cast %swap3A_173 : vector<1x16xf32> to vector<16xf32>
      %swap3A_175 = vector.shape_cast %mul3A_170 : vector<16xf32> to vector<1x16xf32>
      tpu.vector_store %arg8[%swap3A_171, %swap3A_172], %swap3A_175 {strides = array<i32>} : memref<32x128xf32, #tpu.memory_space<vmem>>, vector<1x16xf32>,
      %mul3A_176 = arith.constant 5.000000e-03 : f32
      %mul3A_177 = vector.broadcast %mul3A_176 : f32 to vector<16xf32>
      %mul3A_178 = arith.mulf %scan3A_142#4, %mul3A_177 : vector<16xf32>
      %swap3A_179 = arith.index_cast %add3A_131 : i32 to index
      %swap3A_180 = arith.constant 64 : index
      %swap3A_181 = tpu.vector_load %arg8[%swap3A_179, %swap3A_180] {strides = array<i32>} : memref<32x128xf32, #tpu.memory_space<vmem>>, vector<1x16xf32>,
      %swap3A_182 = vector.shape_cast %swap3A_181 : vector<1x16xf32> to vector<16xf32>
      %swap3A_183 = vector.shape_cast %mul3A_178 : vector<16xf32> to vector<1x16xf32>
      tpu.vector_store %arg8[%swap3A_179, %swap3A_180], %swap3A_183 {strides = array<i32>} : memref<32x128xf32, #tpu.memory_space<vmem>>, vector<1x16xf32>,
      %mul3A_184 = arith.constant 5.000000e-03 : f32
      %mul3A_185 = vector.broadcast %mul3A_184 : f32 to vector<16xf32>
      %mul3A_186 = arith.mulf %scan3A_142#5, %mul3A_185 : vector<16xf32>
      %swap3A_187 = arith.index_cast %add3A_131 : i32 to index
      %swap3A_188 = arith.constant 80 : index
      %swap3A_189 = tpu.vector_load %arg8[%swap3A_187, %swap3A_188] {strides = array<i32>} : memref<32x128xf32, #tpu.memory_space<vmem>>, vector<1x16xf32>,
      %swap3A_190 = vector.shape_cast %swap3A_189 : vector<1x16xf32> to vector<16xf32>
      %swap3A_191 = vector.shape_cast %mul3A_186 : vector<16xf32> to vector<1x16xf32>
      tpu.vector_store %arg8[%swap3A_187, %swap3A_188], %swap3A_191 {strides = array<i32>} : memref<32x128xf32, #tpu.memory_space<vmem>>, vector<1x16xf32>,
      %mul3A_192 = arith.constant 5.000000e-03 : f32
      %mul3A_193 = vector.broadcast %mul3A_192 : f32 to vector<16xf32>
      %mul3A_194 = arith.mulf %scan3A_142#6, %mul3A_193 : vector<16xf32>
      %swap3A_195 = arith.index_cast %add3A_131 : i32 to index
      %swap3A_196 = arith.constant 96 : index
      %swap3A_197 = tpu.vector_load %arg8[%swap3A_195, %swap3A_196] {strides = array<i32>} : memref<32x128xf32, #tpu.memory_space<vmem>>, vector<1x16xf32>,
      %swap3A_198 = vector.shape_cast %swap3A_197 : vector<1x16xf32> to vector<16xf32>
      %swap3A_199 = vector.shape_cast %mul3A_194 : vector<16xf32> to vector<1x16xf32>
      tpu.vector_store %arg8[%swap3A_195, %swap3A_196], %swap3A_199 {strides = array<i32>} : memref<32x128xf32, #tpu.memory_space<vmem>>, vector<1x16xf32>,
      %mul3A_200 = arith.constant 5.000000e-03 : f32
      %mul3A_201 = vector.broadcast %mul3A_200 : f32 to vector<16xf32>
      %mul3A_202 = arith.mulf %scan3A_142#7, %mul3A_201 : vector<16xf32>
      %swap3A_203 = arith.index_cast %add3A_131 : i32 to index
      %swap3A_204 = arith.constant 112 : index
      %swap3A_205 = tpu.vector_load %arg8[%swap3A_203, %swap3A_204] {strides = array<i32>} : memref<32x128xf32, #tpu.memory_space<vmem>>, vector<1x16xf32>,
      %swap3A_206 = vector.shape_cast %swap3A_205 : vector<1x16xf32> to vector<16xf32>
      %swap3A_207 = vector.shape_cast %mul3A_202 : vector<16xf32> to vector<1x16xf32>
      tpu.vector_store %arg8[%swap3A_203, %swap3A_204], %swap3A_207 {strides = array<i32>} : memref<32x128xf32, #tpu.memory_space<vmem>>, vector<1x16xf32>,
      %add3A_208 = arith.constant 2 : i32
      %add3A_209 = arith.addi %add3A_131, %add3A_208 : i32
      %lt3A_210 = arith.constant 32 : i32
      %lt3A_211 = arith.cmpi slt, %add3A_209, %lt3A_210 : i32
      %convert_element_type3A_212 = arith.extui %lt3A_211 : i1 to i32
      %cond3A_213 = arith.constant 0 : i32
      %cond3A_214 = arith.cmpi ne, %convert_element_type3A_212, %cond3A_213 : i32
      scf.if %cond3A_214 {
        %add3A_215 = arith.constant 2 : i32
        %add3A_216 = arith.addi %add3A_131, %add3A_215 : i32
        %mul3A_217 = arith.constant 200 : i32
        %mul3A_218 = arith.muli %add3A_216, %mul3A_217 : i32
        %multiple_of3A_219 = tpu.assume_multiple %mul3A_218, 8 : i32
        %dma_start3A_220 = arith.constant 0 : i32
        %dma_start3A_221 = arith.constant 0 : i32
        %dma_start3A_222 = tpu.memref_slice %arg7[%dma_start3A_220, %dma_start3A_221] : memref<200x128xf32, #tpu.memory_space<vmem>> -> memref<104x128xf32, #tpu.memory_space<vmem>>
        %dma_start3A_223 = tpu.memref_slice %arg5[%multiple_of3A_219] : memref<6400xi32, #tpu.memory_space<vmem>> -> memref<104xi32, #tpu.memory_space<vmem>>
        %dma_start3A_224 = arith.constant 0 : i32
        %dma_start3A_225 = arith.constant 0 : i32
        %dma_start3A_226 = tpu.memref_slice %arg3[%dma_start3A_224, %dma_start3A_225] : memref<100000x128xf32, #tpu.memory_space<hbm>> -> memref<100000x128xf32, #tpu.memory_space<hbm>>
        tpu.enqueue_indirect_dma source(%dma_start3A_226 : memref<100000x128xf32, #tpu.memory_space<hbm>>) target(%dma_start3A_222 : memref<104x128xf32, #tpu.memory_space<vmem>>) offsets(%dma_start3A_223 : memref<104xi32, #tpu.memory_space<vmem>>) semaphore(%arg10 : memref<!tpu.dma_semaphore, #tpu.memory_space<semaphore_mem>>)
        %add3A_227 = arith.constant 104 : i32
        %add3A_228 = arith.addi %multiple_of3A_219, %add3A_227 : i32
        %dma_start3A_229 = arith.constant 104 : i32
        %dma_start3A_230 = arith.constant 0 : i32
        %dma_start3A_231 = tpu.memref_slice %arg7[%dma_start3A_229, %dma_start3A_230] : memref<200x128xf32, #tpu.memory_space<vmem>> -> memref<96x128xf32, #tpu.memory_space<vmem>>
        %dma_start3A_232 = tpu.memref_slice %arg5[%add3A_228] : memref<6400xi32, #tpu.memory_space<vmem>> -> memref<96xi32, #tpu.memory_space<vmem>>
        %dma_start3A_233 = arith.constant 0 : i32
        %dma_start3A_234 = arith.constant 0 : i32
        %dma_start3A_235 = tpu.memref_slice %arg3[%dma_start3A_233, %dma_start3A_234] : memref<100000x128xf32, #tpu.memory_space<hbm>> -> memref<100000x128xf32, #tpu.memory_space<hbm>>
        tpu.enqueue_indirect_dma source(%dma_start3A_235 : memref<100000x128xf32, #tpu.memory_space<hbm>>) target(%dma_start3A_231 : memref<96x128xf32, #tpu.memory_space<vmem>>) offsets(%dma_start3A_232 : memref<96xi32, #tpu.memory_space<vmem>>) semaphore(%arg10 : memref<!tpu.dma_semaphore, #tpu.memory_space<semaphore_mem>>)
      } else {
      }
    }
    %scan3A_44 = arith.constant 16 : i32
    "tpu.region"() ({
      %run_scoped3A = tpu.sem_alloc : memref<!tpu.dma_semaphore, #tpu.memory_space<semaphore_mem>>
      %dma_start3A_45 = arith.constant 0 : i32
      %dma_start3A_46 = tpu.memref_slice %arg4[%mul3A_2, %dma_start3A_45] : memref<1024x128xf32, #tpu.memory_space<hbm>> -> memref<32x128xf32, #tpu.memory_space<hbm>>
      %dma_start3A_47 = arith.constant 0 : i32
      %dma_start3A_48 = tpu.memref_slice %arg4[%mul3A_2, %dma_start3A_47] : memref<1024x128xf32, #tpu.memory_space<hbm>> -> memref<32x128xf32, #tpu.memory_space<hbm>>
      tpu.enqueue_dma source(%arg8 : memref<32x128xf32, #tpu.memory_space<vmem>>) target(%dma_start3A_48 : memref<32x128xf32, #tpu.memory_space<hbm>>) target_semaphore(%run_scoped3A : memref<!tpu.dma_semaphore, #tpu.memory_space<semaphore_mem>>)
      %dma_wait3A = arith.constant 0 : i32
      %dma_wait3A_49 = tpu.memref_slice %arg4[%mul3A_2, %dma_wait3A] : memref<1024x128xf32, #tpu.memory_space<hbm>> -> memref<32x128xf32, #tpu.memory_space<hbm>>
      %dma_wait3A_50 = arith.constant 0 : i32
      %dma_wait3A_51 = tpu.memref_slice %arg4[%mul3A_2, %dma_wait3A_50] : memref<1024x128xf32, #tpu.memory_space<hbm>> -> memref<32x128xf32, #tpu.memory_space<hbm>>
      tpu.wait_dma2 semaphore(%run_scoped3A : memref<!tpu.dma_semaphore, #tpu.memory_space<semaphore_mem>>) src(%arg8 : memref<32x128xf32, #tpu.memory_space<vmem>>) dst(%dma_wait3A_51 : memref<32x128xf32, #tpu.memory_space<hbm>>)
      tpu.yield
    }) : () -> ()
    return
  }
}

module attributes {stable_mosaic.version = 14 : i64} {
  func.func @_pack_tc_body(%arg0: i32, %arg1: memref<2000x128xf32, #tpu.memory_space<vmem>>, %arg2: memref<2000x128xf32, #tpu.memory_space<vmem>>, %arg3: memref<256x128xi32, #tpu.memory_space<vmem>>, %arg4: memref<2000x128xi32, #tpu.memory_space<vmem>>, %arg5: memref<256x128xi32, #tpu.memory_space<vmem>>) attributes {dimension_semantics = [#tpu.dimension_semantics<arbitrary>], iteration_bounds = array<i64: 25>, scalar_prefetch = 0 : i64, scratch_operands = 0 : i64, tpu.core_type = #tpu.core_type<tc>, window_params = [{transform_indices = @transform_0, window_bounds = array<i64: 2000, 128>}, {transform_indices = @transform_1, window_bounds = array<i64: 2000, 128>}, {transform_indices = @transform_2, window_bounds = array<i64: 256, 128>}, {transform_indices = @transform_3, window_bounds = array<i64: 2000, 128>}, {transform_indices = @transform_4, window_bounds = array<i64: 256, 128>}]} {
    %get3A = arith.constant 0 : index
    %get3A_0 = arith.constant 0 : index
    %get3A_1 = vector.load %arg1[%get3A, %get3A_0] : memref<2000x128xf32, #tpu.memory_space<vmem>>, vector<2000x128xf32>
    %bitcast_convert_type3A = tpu.bitcast %get3A_1 : vector<2000x128xf32> -> vector<2000x128xi32>
    %get3A_2 = arith.constant 0 : index
    %get3A_3 = arith.constant 0 : index
    %get3A_4 = vector.load %arg2[%get3A_2, %get3A_3] : memref<2000x128xf32, #tpu.memory_space<vmem>>, vector<2000x128xf32>
    %bitcast_convert_type3A_5 = tpu.bitcast %get3A_4 : vector<2000x128xf32> -> vector<2000x128xi32>
    %add3A = arith.constant 32768 : i32
    %add3A_6 = vector.broadcast %add3A : i32 to vector<2000x128xi32>
    %add3A_7 = arith.addi %bitcast_convert_type3A, %add3A_6 : vector<2000x128xi32>
    %add3A_8 = arith.constant 32768 : i32
    %add3A_9 = vector.broadcast %add3A_8 : i32 to vector<2000x128xi32>
    %add3A_10 = arith.addi %bitcast_convert_type3A_5, %add3A_9 : vector<2000x128xi32>
    %shift_right_logical3A = arith.constant 16 : i32
    %shift_right_logical3A_11 = vector.broadcast %shift_right_logical3A : i32 to vector<2000x128xi32>
    %shift_right_logical3A_12 = arith.shrui %add3A_7, %shift_right_logical3A_11 : vector<2000x128xi32>
    %and3A = arith.constant -65536 : i32
    %and3A_13 = vector.broadcast %and3A : i32 to vector<2000x128xi32>
    %and3A_14 = arith.andi %add3A_7, %and3A_13 : vector<2000x128xi32>
    %slice3A = vector.extract_strided_slice %and3A_14 {offsets = [0, 64], sizes = [2000, 64], strides = [1, 1]} : vector<2000x128xi32> to vector<2000x64xi32>
    %slice3A_15 = vector.extract_strided_slice %and3A_14 {offsets = [0, 0], sizes = [2000, 64], strides = [1, 1]} : vector<2000x128xi32> to vector<2000x64xi32>
    %concatenate3A = tpu.concatenate %slice3A, %slice3A_15 in 1 : vector<2000x64xi32>, vector<2000x64xi32> -> vector<2000x128xi32>
    %or3A = arith.ori %shift_right_logical3A_12, %concatenate3A : vector<2000x128xi32>
    %shift_right_logical3A_16 = arith.constant 16 : i32
    %shift_right_logical3A_17 = vector.broadcast %shift_right_logical3A_16 : i32 to vector<2000x128xi32>
    %shift_right_logical3A_18 = arith.shrui %add3A_10, %shift_right_logical3A_17 : vector<2000x128xi32>
    %slice3A_19 = vector.extract_strided_slice %shift_right_logical3A_18 {offsets = [0, 64], sizes = [2000, 64], strides = [1, 1]} : vector<2000x128xi32> to vector<2000x64xi32>
    %slice3A_20 = vector.extract_strided_slice %shift_right_logical3A_18 {offsets = [0, 0], sizes = [2000, 64], strides = [1, 1]} : vector<2000x128xi32> to vector<2000x64xi32>
    %concatenate3A_21 = tpu.concatenate %slice3A_19, %slice3A_20 in 1 : vector<2000x64xi32>, vector<2000x64xi32> -> vector<2000x128xi32>
    %and3A_22 = arith.constant -65536 : i32
    %and3A_23 = vector.broadcast %and3A_22 : i32 to vector<2000x128xi32>
    %and3A_24 = arith.andi %add3A_10, %and3A_23 : vector<2000x128xi32>
    %or3A_25 = arith.ori %concatenate3A_21, %and3A_24 : vector<2000x128xi32>
    %iota3A = tpu.iota {dimensions = array<i32: 1>} : vector<2000x128xi32>
    %lt3A = arith.constant 64 : i32
    %lt3A_26 = vector.broadcast %lt3A : i32 to vector<2000x128xi32>
    %lt3A_27 = arith.cmpi slt, %iota3A, %lt3A_26 : vector<2000x128xi32>
    %select_n3A = arith.select %lt3A_27, %or3A, %or3A_25 : vector<2000x128xi1>, vector<2000x128xi32>
    %swap3A = arith.constant 0 : index
    %swap3A_28 = arith.constant 0 : index
    %swap3A_29 = vector.load %arg4[%swap3A, %swap3A_28] : memref<2000x128xi32, #tpu.memory_space<vmem>>, vector<2000x128xi32>
    tpu.vector_store %arg4[%swap3A, %swap3A_28], %select_n3A {strides = array<i32>} : memref<2000x128xi32, #tpu.memory_space<vmem>>, vector<2000x128xi32>,
    %get3A_30 = arith.constant 0 : index
    %get3A_31 = arith.constant 0 : index
    %get3A_32 = vector.load %arg3[%get3A_30, %get3A_31] : memref<256x128xi32, #tpu.memory_space<vmem>>, vector<256x128xi32>
    %lt3A_33 = arith.constant 50000 : i32
    %lt3A_34 = vector.broadcast %lt3A_33 : i32 to vector<256x128xi32>
    %lt3A_35 = arith.cmpi slt, %get3A_32, %lt3A_34 : vector<256x128xi32>
    %mul3A = arith.constant 2 : i32
    %mul3A_36 = vector.broadcast %mul3A : i32 to vector<256x128xi32>
    %mul3A_37 = arith.muli %get3A_32, %mul3A_36 : vector<256x128xi32>
    %mul3A_38 = arith.constant 2 : i32
    %mul3A_39 = vector.broadcast %mul3A_38 : i32 to vector<256x128xi32>
    %mul3A_40 = arith.muli %get3A_32, %mul3A_39 : vector<256x128xi32>
    %sub3A = arith.constant 99999 : i32
    %sub3A_41 = vector.broadcast %sub3A : i32 to vector<256x128xi32>
    %sub3A_42 = arith.subi %mul3A_40, %sub3A_41 : vector<256x128xi32>
    %select_n3A_43 = arith.select %lt3A_35, %mul3A_37, %sub3A_42 : vector<256x128xi1>, vector<256x128xi32>
    %swap3A_44 = arith.constant 0 : index
    %swap3A_45 = arith.constant 0 : index
    %swap3A_46 = vector.load %arg5[%swap3A_44, %swap3A_45] : memref<256x128xi32, #tpu.memory_space<vmem>>, vector<256x128xi32>
    tpu.vector_store %arg5[%swap3A_44, %swap3A_45], %select_n3A_43 {strides = array<i32>} : memref<256x128xi32, #tpu.memory_space<vmem>>, vector<256x128xi32>,
    return
  }
  func.func @transform_0(%arg0: i32) -> (i32, i32) {
    %c0_i32 = arith.constant 0 : i32
    %c0_i32_0 = arith.constant 0 : i32
    return %arg0, %c0_i32 : i32, i32
  }
  func.func @transform_1(%arg0: i32) -> (i32, i32) {
    %add3A = arith.constant 25 : i32
    %add3A_0 = arith.addi %arg0, %add3A : i32
    %c0_i32 = arith.constant 0 : i32
    %c0_i32_1 = arith.constant 0 : i32
    return %add3A_0, %c0_i32 : i32, i32
  }
  func.func @transform_2(%arg0: i32) -> (i32, i32) {
    %c0_i32 = arith.constant 0 : i32
    %c0_i32_0 = arith.constant 0 : i32
    return %arg0, %c0_i32 : i32, i32
  }
  func.func @transform_3(%arg0: i32) -> (i32, i32) {
    %c0_i32 = arith.constant 0 : i32
    %c0_i32_0 = arith.constant 0 : i32
    return %arg0, %c0_i32 : i32, i32
  }
  func.func @transform_4(%arg0: i32) -> (i32, i32) {
    %c0_i32 = arith.constant 0 : i32
    %c0_i32_0 = arith.constant 0 : i32
    return %arg0, %c0_i32 : i32, i32
  }
}

module attributes {stable_mosaic.version = 14 : i64} {
  func.func @_dense_body(%arg0: i32, %arg1: memref<1024x128xf32, #tpu.memory_space<vmem>>, %arg2: memref<1024x128xf32, #tpu.memory_space<vmem>>, %arg3: memref<128x128xf32, #tpu.memory_space<vmem>>, %arg4: memref<128x128xf32, #tpu.memory_space<vmem>>, %arg5: memref<1x128xf32, #tpu.memory_space<vmem>>, %arg6: memref<1000x128xf32, #tpu.memory_space<vmem>>, %arg7: memref<128x128xf32, #tpu.memory_space<vmem>>, %arg8: memref<1x128xf32, #tpu.memory_space<vmem>>, %arg9: memref<1024x1000xf32, #tpu.memory_space<vmem>>) attributes {dimension_semantics = [#tpu.dimension_semantics<arbitrary>], iteration_bounds = array<i64: 4>, scalar_prefetch = 0 : i64, scratch_operands = 0 : i64, tpu.core_type = #tpu.core_type<tc>, window_params = [{pipeline_mode = #tpu.pipeline_mode<synchronous>, transform_indices = @transform_0, window_bounds = array<i64: 1024, 128>}, {transform_indices = @transform_1, window_bounds = array<i64: 1024, 128>}, {pipeline_mode = #tpu.pipeline_mode<synchronous>, transform_indices = @transform_2, window_bounds = array<i64: 128, 128>}, {pipeline_mode = #tpu.pipeline_mode<synchronous>, transform_indices = @transform_3, window_bounds = array<i64: 128, 128>}, {pipeline_mode = #tpu.pipeline_mode<synchronous>, transform_indices = @transform_4, window_bounds = array<i64: 1, 128>}, {pipeline_mode = #tpu.pipeline_mode<synchronous>, transform_indices = @transform_5, window_bounds = array<i64: 1000, 128>}, {pipeline_mode = #tpu.pipeline_mode<synchronous>, transform_indices = @transform_6, window_bounds = array<i64: 128, 128>}, {pipeline_mode = #tpu.pipeline_mode<synchronous>, transform_indices = @transform_7, window_bounds = array<i64: 1, 128>}, {transform_indices = @transform_8, window_bounds = array<i64: 1024, 1000>}]} {
    %eq3A = arith.constant 0 : i32
    %eq3A_0 = arith.cmpi eq, %arg0, %eq3A : i32
    %get3A = arith.constant 0 : index
    %get3A_1 = arith.constant 0 : index
    %get3A_2 = vector.load %arg1[%get3A, %get3A_1] : memref<1024x128xf32, #tpu.memory_space<vmem>>, vector<1024x128xf32>
    %get3A_3 = arith.constant 0 : index
    %get3A_4 = arith.constant 0 : index
    %get3A_5 = vector.load %arg2[%get3A_3, %get3A_4] : memref<1024x128xf32, #tpu.memory_space<vmem>>, vector<1024x128xf32>
    %select_n3A = arith.select %eq3A_0, %get3A_2, %get3A_5 : vector<1024x128xf32>
    %get3A_6 = arith.constant 0 : index
    %get3A_7 = arith.constant 0 : index
    %get3A_8 = vector.load %arg3[%get3A_6, %get3A_7] : memref<128x128xf32, #tpu.memory_space<vmem>>, vector<128x128xf32>
    %get3A_9 = arith.constant 0 : index
    %get3A_10 = arith.constant 0 : index
    %get3A_11 = vector.load %arg4[%get3A_9, %get3A_10] : memref<128x128xf32, #tpu.memory_space<vmem>>, vector<128x128xf32>
    %select_n3A_12 = arith.select %eq3A_0, %get3A_8, %get3A_11 : vector<128x128xf32>
    %max3A = arith.constant 0.000000e+00 : f32
    %max3A_13 = vector.broadcast %max3A : f32 to vector<1024x128xf32>
    %max3A_14 = arith.maximumf %select_n3A, %max3A_13 : vector<1024x128xf32>
    %dot_general3A = arith.constant dense<0.000000e+00> : vector<1024x128xf32>
    %dot_general3A_15 = tpu.matmul %max3A_14, %select_n3A_12, %dot_general3A {dimension_numbers = #tpu.dot_dimension_numbers<[1], [1], [0], [0], [0, 0, 1, 0], [], []>, transpose_lhs_hint = false} : vector<1024x128xf32>, vector<128x128xf32>, vector<1024x128xf32> -> vector<1024x128xf32>
    %get3A_16 = arith.constant 0 : index
    %get3A_17 = arith.constant 0 : index
    %get3A_18 = vector.load %arg5[%get3A_16, %get3A_17] : memref<1x128xf32, #tpu.memory_space<vmem>>, vector<1x128xf32>
    %add3A = vector.broadcast %get3A_18 : vector<1x128xf32> to vector<1024x128xf32>
    %add3A_19 = arith.addf %dot_general3A_15, %add3A : vector<1024x128xf32>
    %get3A_20 = arith.constant 0 : index
    %get3A_21 = arith.constant 0 : index
    %get3A_22 = vector.load %arg6[%get3A_20, %get3A_21] : memref<1000x128xf32, #tpu.memory_space<vmem>>, vector<1000x128xf32>
    %max3A_23 = arith.constant 0.000000e+00 : f32
    %max3A_24 = vector.broadcast %max3A_23 : f32 to vector<1000x128xf32>
    %max3A_25 = arith.maximumf %get3A_22, %max3A_24 : vector<1000x128xf32>
    %get3A_26 = arith.constant 0 : index
    %get3A_27 = arith.constant 0 : index
    %get3A_28 = vector.load %arg7[%get3A_26, %get3A_27] : memref<128x128xf32, #tpu.memory_space<vmem>>, vector<128x128xf32>
    %dot_general3A_29 = arith.constant dense<0.000000e+00> : vector<1000x128xf32>
    %dot_general3A_30 = tpu.matmul %max3A_25, %get3A_28, %dot_general3A_29 {dimension_numbers = #tpu.dot_dimension_numbers<[1], [1], [0], [0], [0, 0, 1, 0], [], []>, transpose_lhs_hint = false} : vector<1000x128xf32>, vector<128x128xf32>, vector<1000x128xf32> -> vector<1000x128xf32>
    %get3A_31 = arith.constant 0 : index
    %get3A_32 = arith.constant 0 : index
    %get3A_33 = vector.load %arg8[%get3A_31, %get3A_32] : memref<1x128xf32, #tpu.memory_space<vmem>>, vector<1x128xf32>
    %add3A_34 = vector.broadcast %get3A_33 : vector<1x128xf32> to vector<1000x128xf32>
    %add3A_35 = arith.addf %dot_general3A_30, %add3A_34 : vector<1000x128xf32>
    %dot_general3A_36 = arith.constant dense<0.000000e+00> : vector<1024x1000xf32>
    %dot_general3A_37 = tpu.matmul %add3A_19, %add3A_35, %dot_general3A_36 {dimension_numbers = #tpu.dot_dimension_numbers<[1], [1], [0], [0], [0, 0, 1, 0], [], []>, transpose_lhs_hint = false} : vector<1024x128xf32>, vector<1000x128xf32>, vector<1024x1000xf32> -> vector<1024x1000xf32>
    %mul3A = arith.constant 0.0883883461 : f32
    %mul3A_38 = vector.broadcast %mul3A : f32 to vector<1024x1000xf32>
    %mul3A_39 = arith.mulf %dot_general3A_37, %mul3A_38 : vector<1024x1000xf32>
    %swap3A = arith.constant 0 : index
    %swap3A_40 = arith.constant 0 : index
    %swap3A_41 = vector.load %arg9[%swap3A, %swap3A_40] : memref<1024x1000xf32, #tpu.memory_space<vmem>>, vector<1024x1000xf32>
    tpu.vector_store %arg9[%swap3A, %swap3A_40], %mul3A_39 {strides = array<i32>} : memref<1024x1000xf32, #tpu.memory_space<vmem>>, vector<1024x1000xf32>,
    return
  }
  func.func @transform_0(%arg0: i32) -> (i32, i32) {
    %c0_i32 = arith.constant 0 : i32
    %c0_i32_0 = arith.constant 0 : i32
    %c0_i32_1 = arith.constant 0 : i32
    return %c0_i32, %c0_i32_0 : i32, i32
  }
  func.func @transform_1(%arg0: i32) -> (i32, i32) {
    %sub3A = arith.constant 1 : i32
    %sub3A_0 = arith.subi %arg0, %sub3A : i32
    %max3A = arith.constant 0 : i32
    %max3A_1 = arith.maxsi %sub3A_0, %max3A : i32
    %c0_i32 = arith.constant 0 : i32
    %c0_i32_2 = arith.constant 0 : i32
    return %max3A_1, %c0_i32 : i32, i32
  }
  func.func @transform_2(%arg0: i32) -> (i32, i32) {
    %c0_i32 = arith.constant 0 : i32
    %c0_i32_0 = arith.constant 0 : i32
    %c0_i32_1 = arith.constant 0 : i32
    return %c0_i32, %c0_i32_0 : i32, i32
  }
  func.func @transform_3(%arg0: i32) -> (i32, i32) {
    %c0_i32 = arith.constant 0 : i32
    %c0_i32_0 = arith.constant 0 : i32
    %c0_i32_1 = arith.constant 0 : i32
    return %c0_i32, %c0_i32_0 : i32, i32
  }
  func.func @transform_4(%arg0: i32) -> (i32, i32) {
    %c0_i32 = arith.constant 0 : i32
    %c0_i32_0 = arith.constant 0 : i32
    %c0_i32_1 = arith.constant 0 : i32
    return %c0_i32, %c0_i32_0 : i32, i32
  }
  func.func @transform_5(%arg0: i32) -> (i32, i32) {
    %c0_i32 = arith.constant 0 : i32
    %c0_i32_0 = arith.constant 0 : i32
    %c0_i32_1 = arith.constant 0 : i32
    return %c0_i32, %c0_i32_0 : i32, i32
  }
  func.func @transform_6(%arg0: i32) -> (i32, i32) {
    %c0_i32 = arith.constant 0 : i32
    %c0_i32_0 = arith.constant 0 : i32
    %c0_i32_1 = arith.constant 0 : i32
    return %c0_i32, %c0_i32_0 : i32, i32
  }
  func.func @transform_7(%arg0: i32) -> (i32, i32) {
    %c0_i32 = arith.constant 0 : i32
    %c0_i32_0 = arith.constant 0 : i32
    %c0_i32_1 = arith.constant 0 : i32
    return %c0_i32, %c0_i32_0 : i32, i32
  }
  func.func @transform_8(%arg0: i32) -> (i32, i32) {
    %c0_i32 = arith.constant 0 : i32
    %c0_i32_0 = arith.constant 0 : i32
    return %arg0, %c0_i32 : i32, i32
  }
}

</mosaic_0001>

<sc_bundles>
// kernel: kernel.6.cloned.1.call-start
scs
__scs_entry_jumppad:
0x0: {  	(pc) =	sbr.rel $0x88, $3  }
0x1: {  	(tag) =	ssettag $0x0;
	lr =	simm.s32 $0x1  }
0x2: {  	[smem:$0x3F9A] =	sst lr;
	_ =	strace $0xD0000000  }
0x3: {  	_ = 	snop  }
0x4: {  	_ = 	snop  }
0x5: {  	_ = 	snop  }
0x6: {  	_ = 	snop  }
0x7: {  	_ = 	snop  }
__scs_overlays_trampoline_lowered:
0x8: {  	[smem:$0x3FA9] =	sst s0  }
0x9: {  	[smem:$0x3FAA] =	sst s1  }
0xa: {  	[smem:$0x3FAB] =	sst s2  }
0xb: {  	[smem:$0x3FAC] =	sst s3  }
0xc: {  	[smem:$0x3FAD] =	sst s4  }
0xd: {  	[smem:$0x3FAE] =	sst s5  }
0xe: {  	[smem:$0x3FAF] =	sst s6  }
0xf: {  	[smem:$0x3FB0] =	sst s7  }
0x10: {  	[smem:$0x3FB1] =	sst s8  }
0x11: {  	[smem:$0x3FB2] =	sst s9;
	s0 =	simm.s32 @!p0 $0x0  }
0x12: {  	s1 =	sld [smem:$0x3F98];
	s0 =	simm.s32 @p0 $0x1  }
0x13: {  	[smem:$0x3FB3] =	sst s0;
	s0 =	simm.s32 @!p1 $0x0  }
0x14: {  	s2 =	sld [smem:$0x3F97];
	s0 =	simm.s32 @p1 $0x1  }
0x15: {  	[smem:$0x3FB4] =	sst s0;
	s0 =	simm.s32 @!p2 $0x0  }
0x16: {  	s3 =	sld [smem:$0x3FDB];
	s0 =	simm.s32 @p2 $0x1  }
0x17: {  	s4 =	simm.s32 $0x1BF5;
	[smem:$0x3FB6] =	sst s0  }
0x18: {  	s0 =	sld [smem:$0x3F99];
	_ =	swait.ge [sflag:s4], $0x0  }
0x19: {  	s7 =	sld [smem:$0x3F9A]  }
0x1a: {  	s8 =	sadd.s32 $0xFFFFE003, lr  }
0x1b: {  	s9 =	sadd.s32 $0xFFFFFEF7, lr;
	s5 =	simm.s32 $0xFFFFFFFF;
	p2 =	slt.u32 s8, $0xFFFFF086  }
0x1c: {  	p1 =	slt.u32 s9, $0xF7A;
	s5 =	simm.s32 @!p2 $0x0  }
0x1d: {  	s5 =	simm.s32 @p1 $0x1;
	p0 =	seq.s32 s7, s2  }
0x1e: {  	s7 =	smul.u32 @!p0 $0xF7A, s2;
	p2 =	seq.s32 @!p0 s5, $0x0  }
0x1f: {  	s9 =	smul.u32 $0xF7A, s1;
	s8 =	simm.s32 @!p0 $0x1BF5;
	p2 =	por !p2, p0  }
0x20: {  	[sflag:s8] =	ssyncset.s32 @!p0 $0xFFFFF086;
	s6 =	sadd.s32 @!p0 s3, s7;
	s7 =	simm.s32 @!p0 $0x108  }
0x21: {  	s3 =	sadd.s32 s3, s9;
	s6 =	sadd.s32 @!p0 $0x88, s6;
	s7 =	simm.s32 @p2 $0x1082  }
0x22: {  	[simem:s7], [sflag:s8] =	dma.local @!p0 [hbm:s6], $0xF7A  }
0x23: {  	s9 =	sor.u32 $0xD0000000, s2;
	s6 =	simm.s32 $0x108;
	_ =	swait.ge @!p0 [sflag:s8], $0x0  }
0x24: {  	s3 =	sadd.s32 $0x88, s3;
	s6 =	simm.s32 @!p1 $0x1082;
	[sflag:s4] =	ssyncset.s32 $0xFFFFF086  }
0x25: {  	[simem:s6], [sflag:s4] =	dma.local [hbm:s3], $0xF7A  }
0x26: {  	[smem:$0x3F9A] =	sst s1;
	(tag) =	ssettag s2;
	_ =	strace s9  }
0x27: {  	s1 =	sld [smem:$0x3FAA]  }
0x28: {  	s2 =	sld [smem:$0x3FAB]  }
0x29: {  	s4 =	sld [smem:$0x3FAD]  }
0x2a: {  	p0 =	seq.s32 s5, $0x0;
	s5 =	sld [smem:$0x3FAE]  }
0x2b: {  	s6 =	sld [smem:$0x3FAF]  }
0x2c: {  	s7 =	sld [smem:$0x3FB0]  }
0x2d: {  	s3 =	simm.s32 $0x108;
	s8 =	sld [smem:$0x3FB1]  }
0x2e: {  	s3 =	simm.s32 @!p0 $0x1082;
	s9 =	sld [smem:$0x3FB2]  }
0x2f: {  	lr =	sadd.s32 s0, s3;
	s0 =	sld [smem:$0x3FA9]  }
0x30: {  	s3 =	sld [smem:$0x3FAC]  }
0x31: {  	[smem:$0x3FB5] =	sst s10  }
0x32: {  	s10 =	sld [smem:$0x3FB3];
	_ =	sdelay $0x3  }
0x33: {  	p0 =	seq.s32 s10, $0x1;
	s10 =	sld [smem:$0x3FB5];
	_ =	sdelay $0x3  }
0x34: {  	[smem:$0x3FB5] =	sst s10  }
0x35: {  	s10 =	sld [smem:$0x3FB4];
	_ =	sdelay $0x3  }
0x36: {  	p1 =	seq.s32 s10, $0x1;
	s10 =	sld [smem:$0x3FB5];
	_ =	sdelay $0x3  }
0x37: {  	[smem:$0x3FB5] =	sst s10  }
0x38: {  	s10 =	sld [smem:$0x3FB6]  }
0x39: {  	_ = 	snop;
	(pc) =	sbr.ind lr, $3  }
0x3a: {  	_ = 	snop  }
0x3b: {  	_ = 	snop  }
0x3c: {  	p2 =	seq.s32 s10, $0x1;
	s10 =	sld [smem:$0x3FB5]  }
0x3d: {  	_ =	shalt  }
0x3e: {  	_ =	shalt  }
0x3f: {  	_ =	shalt  }
0x40: {  	_ =	shalt  }
0x41: {  	_ =	shalt  }
0x42: {  	_ =	shalt  }
0x43: {  	_ =	shalt  }
0x44: {  	_ =	shalt  }
0x45: {  	_ =	shalt  }
0x46: {  	_ =	shalt  }
0x47: {  	_ =	shalt  }
0x48: {  	_ =	shalt  }
0x49: {  	_ =	shalt  }
0x4a: {  	_ =	shalt  }
0x4b: {  	_ =	shalt  }
0x4c: {  	_ =	shalt  }
0x4d: {  	_ =	shalt  }
0x4e: {  	_ =	shalt  }
0x4f: {  	_ =	shalt  }
0x50: {  	_ =	shalt  }
0x51: {  	_ =	shalt  }
0x52: {  	_ =	shalt  }
0x53: {  	_ =	shalt  }
0x54: {  	_ =	shalt  }
0x55: {  	_ =	shalt  }
0x56: {  	_ =	shalt  }
0x57: {  	_ =	shalt  }
0x58: {  	_ =	shalt  }
0x59: {  	_ =	shalt  }
0x5a: {  	_ =	shalt  }
0x5b: {  	_ =	shalt  }
0x5c: {  	_ =	shalt  }
0x5d: {  	_ =	shalt  }
0x5e: {  	_ =	shalt  }
0x5f: {  	_ =	shalt  }
0x60: {  	_ =	shalt  }
0x61: {  	_ =	shalt  }
0x62: {  	_ =	shalt  }
0x63: {  	_ =	shalt  }
0x64: {  	_ =	shalt  }
0x65: {  	_ =	shalt  }
0x66: {  	_ =	shalt  }
0x67: {  	_ =	shalt  }
0x68: {  	_ =	shalt  }
0x69: {  	_ =	shalt  }
0x6a: {  	_ =	shalt  }
0x6b: {  	_ =	shalt  }
0x6c: {  	_ =	shalt  }
0x6d: {  	_ =	shalt  }
0x6e: {  	_ =	shalt  }
0x6f: {  	_ =	shalt  }
0x70: {  	_ =	shalt  }
0x71: {  	_ =	shalt  }
0x72: {  	_ =	shalt  }
0x73: {  	_ =	shalt  }
0x74: {  	_ =	shalt  }
0x75: {  	_ =	shalt  }
0x76: {  	_ =	shalt  }
0x77: {  	_ =	shalt  }
0x78: {  	_ =	shalt  }
0x79: {  	_ =	shalt  }
0x7a: {  	_ =	shalt  }
0x7b: {  	_ =	shalt  }
0x7c: {  	_ =	shalt  }
0x7d: {  	_ =	shalt  }
0x7e: {  	_ =	shalt  }
0x7f: {  	_ =	shalt  }
0x80: {  	_ =	shalt  }
0x81: {  	_ =	shalt  }
0x82: {  	_ =	shalt  }
0x83: {  	_ =	shalt  }
0x84: {  	_ =	shalt  }
0x85: {  	_ =	shalt  }
0x86: {  	_ =	shalt  }
0x87: {  	_ =	shalt  }
.Lfunc_end0:
.L_simem_size_0:
called_computation_lowered:
.L_overlay_start_0:
0x88: {  	s2 =	sld [smem:$0x3FD9]  }
0x89: {  	s3 =	sld [smem:$0x3FFE];
	_ =	sdelay $0x1  }
0x8a: {  	s1 =	srdreg.scid  }
0x8b: {  	s0 =	sand.u32 $0x1, s1  }
0x8c: {  	s17 =	sshll.u32 s0, $0xA;
	s2 =	sadd.s32 s3, s2  }
0x8d: {  	s2 =	sadd.s32 s2, s17  }
0x8e: {  	[smem:$0x3FC1] =	sst s2  }
0x8f: {  	_ = 	snop  }
0x90: {  	s2 =	sld [smem:$0x3FC8]  }
0x91: {  	s18 =	sld [smem:$0x3FD0];
	(tm) =	ssettm $0x1  }
0x92: {  	s4 =	sld [smem:$0x3FFB];
	_ =	sdelay $0x3  }
0x93: {  	_ =	strace s4  }
0x94: {  	s4 =	sld [smem:$0x3FFC];
	_ =	sdelay $0x3  }
0x95: {  	_ =	strace s4  }
0x96: {  	s4 =	sld [smem:$0x3FFD];
	_ =	sdelay $0x3  }
0x97: {  	_ =	strace s4  }
0x98: {  	_ =	strace $0x8FFFFFFF  }
0x99: {  	s19 =	sld [smem:$0x3FDB];
	_ =	sdelay $0x1  }
0x9a: {  	s5 =	simm.s32 $_scs_section_size  }
0x9b: {  	s6 =	simm.s32 $_size__tile_overlayer_lowered;
	s7 =	simm.s32 $_tile_overlayer_lowered  }
0x9c: {  	s22 =	simm.s32 $0x1BFF;
	s21 =	sshll.u32 s7, $0x1;
	s4 =	sadd.s32 s5, s19  }
0x9d: {  	s8 =	simm.s32 $0x0;
	s20 =	sshll.u32 s6, $0x1;
	s6 =	sadd.s32 s21, s4  }
0x9e: {  	[timem:s8], [sflag:s22] =	dma.local [hbm:s6], s20  }
0x9f: {  	_ =	swait.ge [sflag:s22], s20  }
0xa0: {  	s5 =	ssub.s32 $0x0, s20;
	[sflag:s22] =	ssyncset.done $0x0  }
0xa1: {  	[sflag:s22] =	ssyncadd.s32 s5;
	_ =	sdelay $0x1  }
0xa2: {  	s23 =	simm.s32 $0x1B8B  }
0xa3: {  	_ =	swait.ge [sflag:s23], $0x1  }
0xa4: {  	[sflag:s23] =	ssyncset.done $0x0  }
0xa5: {  	s25 =	simm.s32 $0x1B8E;
	s24 =	sld [smem:$0x3FFE];
	[sflag:s23] =	ssyncadd.s32 $0xFFFFFFFF  }
0xa6: {  	s26 =	simm.s32 $execute0_lowered;
	[smem:$0x3FD2] =	sst s25  }
0xa7: {  	s6 =	sshll.u32 s26, $0x1;
	_ =	strace $0x80000046;
	[dreg:$0x1] =	wrdreg $0xFFFFFFFF  }
0xa8: {  	s28 =	simm.s32 $_size_execute0_lowered;
	s4 =	sadd.s32 s4, s6;
	[dreg:$0x0] =	wrdreg $0x0  }
0xa9: {  	s6 =	sshll.u32 s28, $0x1;
	[dreg:$0x2] =	wrdreg s4  }
0xaa: {  	[dreg:$0x3] =	wrdreg s6  }
0xab: {  	[dreg:$0x4] =	wrdreg $0xC0  }
0xac: {  	_ =	task [dreg:s8], $0x5FFFF  }
0xad: {  	[dreg:$0x1] =	wrdreg $0xFFFFFFFF  }
0xae: {  	[dreg:$0x0] =	wrdreg $0x60  }
0xaf: {  	[dreg:$0x2] =	wrdreg s18  }
0xb0: {  	[dreg:$0x3] =	wrdreg s2  }
0xb1: {  	[dreg:$0x4] =	wrdreg s24  }
0xb2: {  	[dreg:$0x5] =	wrdreg $0x9  }
0xb3: {  	_ =	task.clear_ibuf [dreg:s8], $0x6FFFF;
	_ =	strace $0x90000046  }
0xb4: {  	s29 =	simm.s32 $0x9;
	_ =	strace $0x80000048  }
0xb5: {  	_ =	swait.ge [sflag:s29], $0x1  }
0xb6: {  	[sflag:s29] =	ssyncadd.s32 $0xFFFFFFFF  }
0xb7: {  	_ =	strace $0x90000048  }
0xb8: {  	_ =	sfence  }
0xb9: {  	s30 =	sld [smem:$0x0];
	_ =	sdelay $0x2  }
0xba: {  	s31 =	sshll.u32 s1, $0xD;
	s1 =	sshrl.u32 s1, $0x2  }
0xbb: {  	s3 =	sand.u32 $0x4000, s31;
	s1 =	sadd.s32 s1, s30  }
0xbc: {  	s0 =	sor.u32 s3, s0;
	s1 =	sshll.u32 s1, $0x11  }
0xbd: {  	s0 =	sor.u32 s1, s0  }
0xbe: {  	s0 =	sadd.s32 $0x8F2B, s0  }
0xbf: {  	[sflag:s0] =	ssyncadd.remote.s32 $0x1  }
0xc0: {  	_ =	sfence.sel $0xFFFF  }
0xc1: {  	[dreg:$0x0] =	wrdreg $0xFFFFFFFF;
	(pc) =	sbr.abs _section_cstart, $3  }
0xc2: {  	[dreg:$0x1] =	wrdreg $0xFFFFFFFF  }
0xc3: {  	_ =	task.clear_ibuf [dreg:s8], $0x2FFFF;
	_ =	strace $0x9FFFFFFF  }
0xc4: {  	(tm) =	ssettm $0x7FFFFFFF  }
0xc5: {  	_ =	shalt  }
tec
execute0_lowered:
.L_overlay_start_1:
0x0: {  	(tag) =	ssettag $0x1  }
0x1: {  	s4 =	rddreg [dreg:$0x0]  }
0x2: {  	s2 =	rddreg [dreg:$0x1];
	s1 =	srdreg.scid  }
0x3: {  	s0 =	stileid.u32;
	s5 =	rddreg [dreg:$0x2]  }
0x4: {  	s3 =	simm.s32 $0x0;
	s10 =	simm.s32 $0x60;
	s11 =	simm.s32 $0x4D00  }
0x5: {  	s12 =	simm.s32 $0xC8;
	s13 =	simm.s32 $0x7D00;
	s14 =	simm.s32 $0x130  }
0x6: {  	s15 =	simm.s32 $0xB100;
	s16 =	simm.s32 $0x1;
	s17 =	simm.s32 $0x2  }
0x7: {  	s18 =	simm.s32 $0xE100;
	s6 =	sand.u32 $0x1, s1;
	s1 =	rddreg [dreg:$0x3]  }
0x8: {  	s19 =	simm.s32 $0x0;
	s7 =	sshll.u32 s0, $0x1;
	[smem:$0x7FF] =	sst s3  }
.Ltmp0:
0x9: {  	s7 =	sor.u32 s6, s7;
	s6 =	ssub.s32 $0x2, s6;
	(pc) =	sbr.rel .LBB2_1-.Ltmp0, $4  }
0xa: {  	s8 =	smul.u32 $0x320, s7;
	s7 =	sshll.u32 s7, $0x9;
	s9 =	sshrl.u32 s6, $0x1  }
0xb: {  	_ =	strace $0x80000047;
	s5 =	sadd.s32 s7, s5;
	s6 =	ssub.s32 s6, s9  }
0xc: {  	s7 =	simm.s32 $0x3;
	s9 =	simm.s32 $0x1900;
	s4 =	sadd.s32 s4, s8  }
0xd: {  	s5 =	sadd.s32 $0x1C00, s5;
	s6 =	smax.u32 s6, $0x1;
	s8 =	simm.s32 $0x68  }
.LBB2_8:
0xe: {  	s19 =	sadd.s32 $0x1, s19  }
0xf: {  	p0 =	sne.s32 s19, s6  }
.Ltmp1:
0x10: {  	_ = 	snop;
	(pc) =	sbr.rel @!p0 .LBB2_9-.Ltmp1, $4  }
0x11: {  	[hbm4b:s5+s3] =	stream.linear.scatter [tilespmem:s18], [sflag:$0x3], $0x1000, $0x38;
	[tilespmem:$0xF100] =	vst v63  }
0x12: {  	_ =	swait.ge [sflag:s7], $0x1000  }
0x13: {  	[sflag:s7] =	ssyncset.done $0x0  }
0x14: {  	[sflag:s7] =	ssyncadd.s32 $0xFFFFF000  }
.LBB2_1:
0x15: {  	[tilespmem:s3], [sflag:$0x3] =	stream.linear.gather [hbm4b:s4+s3], $0x1900, $0x38;
	[tilespmem:$0xF100] =	vst v63  }
0x16: {  	_ =	swait.ge [sflag:s7], $0x1900  }
0x17: {  	[sflag:s7] =	ssyncset.done $0x0  }
0x18: {  	[sflag:s7] =	ssyncadd.s32 $0xFFFFE700  }
0x19: {  	[tilespmem:s9], [sflag:$0x1] =	stream.indirect.gather [hbm4b:s2+s8], $0x80, s3, s8, $0xb8;
	[tilespmem:$0xF100] =	vst v63  }
0x1a: {  	_ = 	snop  }
0x1b: {  	[tilespmem:s11], [sflag:$0x1] =	stream.indirect.gather [hbm4b:s2+s10], $0x80, s8, s10, $0xb8;
	[tilespmem:$0xF100] =	vst v63  }
0x1c: {  	_ = 	snop  }
0x1d: {  	[tilespmem:s13], [sflag:$0x2] =	stream.indirect.gather [hbm4b:s2+s8], $0x80, s12, s8, $0xb8;
	[tilespmem:$0xF100] =	vst v63  }
0x1e: {  	s20 =	simm.s32 $0x0  }
0x1f: {  	[tilespmem:s15], [sflag:$0x2] =	stream.indirect.gather [hbm4b:s2+s10], $0x80, s14, s10, $0xb8;
	[tilespmem:$0xF100] =	vst v63  }
.LBB2_2:
0x20: {  	_ =	swait.ge [sflag:s16], $0x6400  }
0x21: {  	[sflag:s16] =	ssyncset.done $0x0  }
0x22: {  	s21 =	simm.s32 $0x0;
	[sflag:s16] =	ssyncadd.s32 $0xFFFF9C00  }
0x23: {  	v3 =	vld [tilespmem:s21+$0x1A80]  }
0x24: {  	v4 =	vld [tilespmem:s21+$0x1A90]  }
0x25: {  	v5 =	vld [tilespmem:s21+$0x1AA0]  }
0x26: {  	v6 =	vld [tilespmem:s21+$0x1AB0]  }
0x27: {  	v0 =	vld [tilespmem:s21+$0x1AC0]  }
0x28: {  	v1 =	vld [tilespmem:s21+$0x1AD0]  }
0x29: {  	v13 =	vld [tilespmem:s21+$0x1A00]  }
0x2a: {  	v15 =	vld [tilespmem:s21+$0x1A10]  }
0x2b: {  	v12 =	vld [tilespmem:s21+$0x1A20]  }
0x2c: {  	v14 =	vld [tilespmem:s21+$0x1A30]  }
0x2d: {  	v2 =	vld [tilespmem:s21+$0x1A40]  }
0x2e: {  	v9 =	vld [tilespmem:s21+$0x1980]  }
0x2f: {  	v10 =	vld [tilespmem:s21+$0x1990]  }
0x30: {  	v11 =	vld [tilespmem:s21+$0x1900]  }
0x31: {  	v17 =	vld [tilespmem:s21+$0x1910]  }
0x32: {  	v18 =	vld [tilespmem:s21+$0x1920]  }
0x33: {  	v19 =	vld [tilespmem:s21+$0x1930]  }
0x34: {  	v20 =	vld [tilespmem:s21+$0x19A0]  }
0x35: {  	v24 =	vld [tilespmem:s21+$0x19B0]  }
0x36: {  	v8 =	vimm.f32 $0.0e+00;
	v7 =	vld [tilespmem:s21+$0x1A50]  }
0x37: {  	v16 =	vld [tilespmem:s21+$0x19C0];
	v11 =	vadd.f32 v11, v8;
	v22 =	vadd.f32 v17, v8  }
0x38: {  	v17 =	vld [tilespmem:s21+$0x19D0];
	v23 =	vadd.f32 v18, v8;
	v25 =	vadd.f32 v19, v8  }
0x39: {  	v18 =	vld [tilespmem:s21+$0x1940];
	v21 =	vadd.f32 v9, v11;
	v22 =	vadd.f32 v10, v22  }
0x3a: {  	v19 =	vld [tilespmem:s21+$0x1950];
	v23 =	vadd.f32 v20, v23;
	v24 =	vadd.f32 v24, v25  }
0x3b: {  	s22 =	simm.s32 $0x800;
	v20 =	vld [tilespmem:s21+$0x1960];
	v11 =	vimm.f32 $0.0e+00;
	v10 =	vimm.f32 $0.0e+00;
	v9 =	vimm.f32 $0.0e+00  }
.LBB2_3:
0x3c: {  	p0 =	sne.s32 s22, $0x18800;
	v25 =	vld [tilespmem:s21+$0x1970];
	v13 =	vadd.f32 v13, v21;
	v15 =	vadd.f32 v15, v22  }
0x3d: {  	v21 =	vld [tilespmem:s21+$0x19E0];
	v12 =	vadd.f32 v12, v23;
	v14 =	vadd.f32 v14, v24  }
0x3e: {  	v22 =	vld [tilespmem:s21+$0x19F0];
	v23 =	vadd.f32 v3, v13;
	v24 =	vadd.f32 v4, v15  }
0x3f: {  	v13 =	vld [tilespmem:s21+$0x1A60];
	v26 =	vadd.f32 v5, v12;
	v27 =	vadd.f32 v6, v14  }
0x40: {  	v3 =	vadd.f32 v18, v8;
	v4 =	vadd.f32 v19, v11;
	v6 =	vld [tilespmem:s21+$0x1A70]  }
0x41: {  	v5 =	vadd.f32 v20, v10;
	v8 =	vadd.f32 v25, v9;
	v9 =	vld [tilespmem:s21+$0x1AE0]  }
0x42: {  	v10 =	vadd.f32 v16, v3;
	v11 =	vadd.f32 v17, v4;
	v12 =	vld [tilespmem:s21+$0x1AF0];
	s21 =	sshra.s32 s22, $0x2  }
0x43: {  	v14 =	vadd.f32 v21, v5;
	v3 =	vld [tilespmem:s21+$0x1A80];
	v8 =	vadd.f32 v22, v8  }
0x44: {  	v2 =	vadd.f32 v2, v10;
	v7 =	vadd.f32 v7, v11;
	v4 =	vld [tilespmem:s21+$0x1A90]  }
0x45: {  	v10 =	vadd.f32 v13, v14;
	v5 =	vld [tilespmem:s21+$0x1AA0];
	v13 =	vadd.f32 v6, v8  }
0x46: {  	v8 =	vadd.f32 v0, v2;
	v11 =	vadd.f32 v1, v7;
	v6 =	vld [tilespmem:s21+$0x1AB0]  }
0x47: {  	v10 =	vadd.f32 v9, v10;
	v0 =	vld [tilespmem:s21+$0x1AC0];
	v9 =	vadd.f32 v12, v13  }
0x48: {  	v1 =	vld [tilespmem:s21+$0x1AD0]  }
0x49: {  	v13 =	vld [tilespmem:s21+$0x1A00]  }
0x4a: {  	v15 =	vld [tilespmem:s21+$0x1A10]  }
0x4b: {  	v12 =	vld [tilespmem:s21+$0x1A20]  }
0x4c: {  	v14 =	vld [tilespmem:s21+$0x1A30]  }
0x4d: {  	v2 =	vld [tilespmem:s21+$0x1A40]  }
0x4e: {  	v7 =	vld [tilespmem:s21+$0x1A50]  }
0x4f: {  	v20 =	vld [tilespmem:s21+$0x1980]  }
0x50: {  	v22 =	vld [tilespmem:s21+$0x1990]  }
0x51: {  	v17 =	vld [tilespmem:s21+$0x1900]  }
0x52: {  	v18 =	vld [tilespmem:s21+$0x1910]  }
0x53: {  	v19 =	vld [tilespmem:s21+$0x1920]  }
0x54: {  	v21 =	vld [tilespmem:s21+$0x1930]  }
0x55: {  	v25 =	vld [tilespmem:s21+$0x19A0]  }
0x56: {  	v28 =	vld [tilespmem:s21+$0x19B0]  }
.Ltmp2:
0x57: {  	v16 =	vld [tilespmem:s21+$0x19C0];
	(pc) =	sbr.rel @p0 .LBB2_3-.Ltmp2, $4  }
0x58: {  	v23 =	vadd.f32 v17, v23;
	v24 =	vadd.f32 v18, v24;
	v17 =	vld [tilespmem:s21+$0x19D0]  }
0x59: {  	v26 =	vadd.f32 v19, v26;
	v27 =	vadd.f32 v21, v27;
	v18 =	vld [tilespmem:s21+$0x1940]  }
0x5a: {  	v21 =	vadd.f32 v20, v23;
	v22 =	vadd.f32 v22, v24;
	v19 =	vld [tilespmem:s21+$0x1950]  }
0x5b: {  	s22 =	sadd.s32 $0x800, s22;
	v23 =	vadd.f32 v25, v26;
	v20 =	vld [tilespmem:s21+$0x1960];
	v24 =	vadd.f32 v28, v27  }
0x5c: {  	v13 =	vadd.f32 v13, v21;
	v15 =	vadd.f32 v15, v22  }
0x5d: {  	v21 =	vld [tilespmem:s21+$0x1970];
	v12 =	vadd.f32 v12, v23;
	v14 =	vadd.f32 v14, v24  }
0x5e: {  	v22 =	vld [tilespmem:s21+$0x19E0];
	v3 =	vadd.f32 v3, v13;
	v4 =	vadd.f32 v4, v15  }
0x5f: {  	v13 =	vld [tilespmem:s21+$0x19F0];
	v8 =	vadd.f32 v18, v8;
	v5 =	vadd.f32 v5, v12  }
0x60: {  	v12 =	vld [tilespmem:s21+$0x1A60];
	v6 =	vadd.f32 v6, v14;
	v11 =	vadd.f32 v19, v11  }
0x61: {  	v14 =	vld [tilespmem:s21+$0x1A70];
	v10 =	vadd.f32 v20, v10;
	v8 =	vadd.f32 v16, v8  }
0x62: {  	v15 =	vld [tilespmem:s21+$0x1AE0];
	v9 =	vadd.f32 v21, v9;
	v11 =	vadd.f32 v17, v11  }
0x63: {  	s31 =	sshll.u32 s20, $0x8;
	v16 =	vld [tilespmem:s21+$0x1AF0];
	v4 =	vmul.f32 $4.999999890e-03, v4;
	v10 =	vadd.f32 v22, v10;
	v2 =	vadd.f32 v2, v8  }
0x64: {  	v3 =	vmul.f32 $4.999999890e-03, v3;
	s21 =	sand.u32 $0x3FFFFF00, s31;
	v8 =	vadd.f32 v13, v9;
	v7 =	vadd.f32 v7, v11  }
0x65: {  	[tilespmem:s21+$0xE110] =	vst v4;
	v4 =	vmul.f32 $4.999999890e-03, v6;
	v9 =	vadd.f32 v12, v10;
	v0 =	vadd.f32 v0, v2  }
0x66: {  	[tilespmem:s21+$0xE100] =	vst v3;
	v2 =	vmul.f32 $4.999999890e-03, v5;
	v3 =	vadd.f32 v14, v8;
	v1 =	vadd.f32 v1, v7  }
0x67: {  	[tilespmem:s21+$0xE130] =	vst v4;
	v5 =	vadd.f32 v15, v9;
	v0 =	vmul.f32 $4.999999890e-03, v0  }
0x68: {  	p0 =	seq.s32 s20, $0xF;
	[tilespmem:s21+$0xE120] =	vst v2;
	v2 =	vadd.f32 v16, v3;
	v1 =	vmul.f32 $4.999999890e-03, v1  }
0x69: {  	s22 =	smul.u32 @!p0 $0x640, s20;
	[tilespmem:s21+$0xE140] =	vst v0;
	v0 =	vmul.f32 $4.999999890e-03, v5  }
0x6a: {  	[tilespmem:s21+$0xE150] =	vst v1;
	v1 =	vmul.f32 $4.999999890e-03, v2  }
0x6b: {  	s22 =	sshra.s32 @!p0 s22, $0x2;
	[tilespmem:s21+$0xE160] =	vst v0  }
0x6c: {  	s24 =	simm.s32 @!p0 $0x68;
	s25 =	simm.s32 @!p0 $0x1900;
	s23 =	sadd.s32 @!p0 $0x190, s22;
	[tilespmem:s21+$0xE170] =	vst v1  }
0x6d: {  	[tilespmem:s25], [sflag:$0x1] =	stream.indirect.gather @!p0 [hbm4b:s2+s24], $0x80, s23, s24, $0xb8;
	[tilespmem:$0xF100] =	vst v63  }
0x6e: {  	s22 =	sadd.s32 @!p0 $0x1F8, s22;
	s23 =	simm.s32 @!p0 $0x60;
	s24 =	simm.s32 @!p0 $0x4D00  }
0x6f: {  	[tilespmem:s24], [sflag:$0x1] =	stream.indirect.gather @!p0 [hbm4b:s2+s23], $0x80, s22, s23, $0xb8;
	[tilespmem:$0xF100] =	vst v63  }
0x70: {  	_ =	swait.ge [sflag:s17], $0x6400  }
0x71: {  	[sflag:s17] =	ssyncset.done $0x0  }
0x72: {  	s22 =	simm.s32 $0x0;
	[sflag:s17] =	ssyncadd.s32 $0xFFFF9C00  }
0x73: {  	v3 =	vld [tilespmem:s22+$0x7E80]  }
0x74: {  	v4 =	vld [tilespmem:s22+$0x7E90]  }
0x75: {  	v5 =	vld [tilespmem:s22+$0x7EA0]  }
0x76: {  	v6 =	vld [tilespmem:s22+$0x7EB0]  }
0x77: {  	v0 =	vld [tilespmem:s22+$0x7EC0]  }
0x78: {  	v1 =	vld [tilespmem:s22+$0x7ED0]  }
0x79: {  	v13 =	vld [tilespmem:s22+$0x7E00]  }
0x7a: {  	v15 =	vld [tilespmem:s22+$0x7E10]  }
0x7b: {  	v12 =	vld [tilespmem:s22+$0x7E20]  }
0x7c: {  	v14 =	vld [tilespmem:s22+$0x7E30]  }
0x7d: {  	v2 =	vld [tilespmem:s22+$0x7E40]  }
0x7e: {  	v9 =	vld [tilespmem:s22+$0x7D80]  }
0x7f: {  	v10 =	vld [tilespmem:s22+$0x7D90]  }
0x80: {  	v11 =	vld [tilespmem:s22+$0x7D00]  }
0x81: {  	v17 =	vld [tilespmem:s22+$0x7D10]  }
0x82: {  	v18 =	vld [tilespmem:s22+$0x7D20]  }
0x83: {  	v19 =	vld [tilespmem:s22+$0x7D30]  }
0x84: {  	v20 =	vld [tilespmem:s22+$0x7DA0]  }
0x85: {  	v24 =	vld [tilespmem:s22+$0x7DB0]  }
0x86: {  	v8 =	vimm.f32 $0.0e+00;
	v7 =	vld [tilespmem:s22+$0x7E50]  }
0x87: {  	v16 =	vld [tilespmem:s22+$0x7DC0];
	v11 =	vadd.f32 v11, v8;
	v22 =	vadd.f32 v17, v8  }
0x88: {  	v17 =	vld [tilespmem:s22+$0x7DD0];
	v23 =	vadd.f32 v18, v8;
	v25 =	vadd.f32 v19, v8  }
0x89: {  	v18 =	vld [tilespmem:s22+$0x7D40];
	v21 =	vadd.f32 v9, v11;
	v22 =	vadd.f32 v10, v22  }
0x8a: {  	v19 =	vld [tilespmem:s22+$0x7D50];
	v23 =	vadd.f32 v20, v23;
	v24 =	vadd.f32 v24, v25  }
0x8b: {  	s23 =	simm.s32 $0x800;
	v20 =	vld [tilespmem:s22+$0x7D60];
	v11 =	vimm.f32 $0.0e+00;
	v10 =	vimm.f32 $0.0e+00;
	v9 =	vimm.f32 $0.0e+00  }
.LBB2_5:
0x8c: {  	p1 =	sne.s32 s23, $0x18800;
	v25 =	vld [tilespmem:s22+$0x7D70];
	v13 =	vadd.f32 v13, v21;
	v15 =	vadd.f32 v15, v22  }
0x8d: {  	v21 =	vld [tilespmem:s22+$0x7DE0];
	v12 =	vadd.f32 v12, v23;
	v14 =	vadd.f32 v14, v24  }
0x8e: {  	v22 =	vld [tilespmem:s22+$0x7DF0];
	v23 =	vadd.f32 v3, v13;
	v24 =	vadd.f32 v4, v15  }
0x8f: {  	v13 =	vld [tilespmem:s22+$0x7E60];
	v26 =	vadd.f32 v5, v12;
	v27 =	vadd.f32 v6, v14  }
0x90: {  	v3 =	vadd.f32 v18, v8;
	v4 =	vadd.f32 v19, v11;
	v6 =	vld [tilespmem:s22+$0x7E70]  }
0x91: {  	v5 =	vadd.f32 v20, v10;
	v8 =	vadd.f32 v25, v9;
	v9 =	vld [tilespmem:s22+$0x7EE0]  }
0x92: {  	v10 =	vadd.f32 v16, v3;
	v11 =	vadd.f32 v17, v4;
	v12 =	vld [tilespmem:s22+$0x7EF0];
	s22 =	sshra.s32 s23, $0x2  }
0x93: {  	v14 =	vadd.f32 v21, v5;
	v3 =	vld [tilespmem:s22+$0x7E80];
	v8 =	vadd.f32 v22, v8  }
0x94: {  	v2 =	vadd.f32 v2, v10;
	v7 =	vadd.f32 v7, v11;
	v4 =	vld [tilespmem:s22+$0x7E90]  }
0x95: {  	v10 =	vadd.f32 v13, v14;
	v5 =	vld [tilespmem:s22+$0x7EA0];
	v13 =	vadd.f32 v6, v8  }
0x96: {  	v8 =	vadd.f32 v0, v2;
	v11 =	vadd.f32 v1, v7;
	v6 =	vld [tilespmem:s22+$0x7EB0]  }
0x97: {  	v10 =	vadd.f32 v9, v10;
	v0 =	vld [tilespmem:s22+$0x7EC0];
	v9 =	vadd.f32 v12, v13  }
0x98: {  	v1 =	vld [tilespmem:s22+$0x7ED0]  }
0x99: {  	v13 =	vld [tilespmem:s22+$0x7E00]  }
0x9a: {  	v15 =	vld [tilespmem:s22+$0x7E10]  }
0x9b: {  	v12 =	vld [tilespmem:s22+$0x7E20]  }
0x9c: {  	v14 =	vld [tilespmem:s22+$0x7E30]  }
0x9d: {  	v2 =	vld [tilespmem:s22+$0x7E40]  }
0x9e: {  	v7 =	vld [tilespmem:s22+$0x7E50]  }
0x9f: {  	v20 =	vld [tilespmem:s22+$0x7D80]  }
0xa0: {  	v22 =	vld [tilespmem:s22+$0x7D90]  }
0xa1: {  	v17 =	vld [tilespmem:s22+$0x7D00]  }
0xa2: {  	v18 =	vld [tilespmem:s22+$0x7D10]  }
0xa3: {  	v19 =	vld [tilespmem:s22+$0x7D20]  }
0xa4: {  	v21 =	vld [tilespmem:s22+$0x7D30]  }
0xa5: {  	v25 =	vld [tilespmem:s22+$0x7DA0]  }
0xa6: {  	v28 =	vld [tilespmem:s22+$0x7DB0]  }
.Ltmp3:
0xa7: {  	v16 =	vld [tilespmem:s22+$0x7DC0];
	(pc) =	sbr.rel @p1 .LBB2_5-.Ltmp3, $4  }
0xa8: {  	v23 =	vadd.f32 v17, v23;
	v24 =	vadd.f32 v18, v24;
	v17 =	vld [tilespmem:s22+$0x7DD0]  }
0xa9: {  	v26 =	vadd.f32 v19, v26;
	v27 =	vadd.f32 v21, v27;
	v18 =	vld [tilespmem:s22+$0x7D40]  }
0xaa: {  	v21 =	vadd.f32 v20, v23;
	v22 =	vadd.f32 v22, v24;
	v19 =	vld [tilespmem:s22+$0x7D50]  }
0xab: {  	s23 =	sadd.s32 $0x800, s23;
	v23 =	vadd.f32 v25, v26;
	v20 =	vld [tilespmem:s22+$0x7D60];
	v24 =	vadd.f32 v28, v27  }
0xac: {  	v13 =	vadd.f32 v13, v21;
	v15 =	vadd.f32 v15, v22  }
0xad: {  	v48 =	vld [tilespmem:s22+$0x7D70];
	v12 =	vadd.f32 v12, v23;
	v14 =	vadd.f32 v14, v24  }
0xae: {  	v49 =	vld [tilespmem:s22+$0x7DE0];
	v3 =	vadd.f32 v3, v13;
	v4 =	vadd.f32 v4, v15  }
0xaf: {  	v50 =	vld [tilespmem:s22+$0x7DF0];
	v8 =	vadd.f32 v18, v8;
	v5 =	vadd.f32 v5, v12  }
0xb0: {  	v51 =	vld [tilespmem:s22+$0x7E60];
	v6 =	vadd.f32 v6, v14;
	v11 =	vadd.f32 v19, v11  }
0xb1: {  	v52 =	vld [tilespmem:s22+$0x7E70];
	v10 =	vadd.f32 v20, v10;
	v8 =	vadd.f32 v16, v8  }
0xb2: {  	v53 =	vld [tilespmem:s22+$0x7EE0];
	v9 =	vadd.f32 v48, v9;
	v11 =	vadd.f32 v17, v11  }
0xb3: {  	v54 =	vld [tilespmem:s22+$0x7EF0];
	v3 =	vmul.f32 $4.999999890e-03, v3;
	v10 =	vadd.f32 v49, v10;
	v2 =	vadd.f32 v2, v8  }
0xb4: {  	v4 =	vmul.f32 $4.999999890e-03, v4;
	v55 =	vadd.f32 v50, v9;
	v7 =	vadd.f32 v7, v11  }
0xb5: {  	v57 =	vmul.f32 $4.999999890e-03, v5;
	[tilespmem:s21+$0xE180] =	vst v3;
	v56 =	vadd.f32 v51, v10;
	v0 =	vadd.f32 v0, v2  }
0xb6: {  	v59 =	vmul.f32 $4.999999890e-03, v6;
	[tilespmem:s21+$0xE190] =	vst v4;
	v58 =	vadd.f32 v52, v55;
	v1 =	vadd.f32 v1, v7  }
0xb7: {  	[tilespmem:s21+$0xE1A0] =	vst v57;
	v60 =	vadd.f32 v53, v56;
	v0 =	vmul.f32 $4.999999890e-03, v0  }
.Ltmp4:
0xb8: {  	[tilespmem:s21+$0xE1B0] =	vst v59;
	v61 =	vadd.f32 v54, v58;
	v1 =	vmul.f32 $4.999999890e-03, v1;
	(pc) =	sbr.rel @p0 .LBB2_8-.Ltmp4, $4  }
0xb9: {  	[tilespmem:s21+$0xE1C0] =	vst v0;
	v62 =	vmul.f32 $4.999999890e-03, v60  }
0xba: {  	[tilespmem:s21+$0xE1D0] =	vst v1;
	v63 =	vmul.f32 $4.999999890e-03, v61  }
0xbb: {  	[tilespmem:s21+$0xE1E0] =	vst v62  }
0xbc: {  	[tilespmem:s21+$0xE1F0] =	vst v63  }
0xbd: {  	s21 =	smul.u32 $0x640, s20;
	_ =	sdelay $0x1  }
.Ltmp5:
0xbe: {  	s21 =	sshra.s32 s21, $0x2;
	(pc) =	sbr.rel .LBB2_2-.Ltmp5, $4  }
0xbf: {  	s22 =	sadd.s32 $0x258, s21  }
0xc0: {  	[tilespmem:s13], [sflag:$0x2] =	stream.indirect.gather [hbm4b:s2+s8], $0x80, s22, s8, $0xb8;
	[tilespmem:$0xF100] =	vst v63  }
0xc1: {  	s20 =	sadd.s32 $0x1, s20;
	s21 =	sadd.s32 $0x2C0, s21  }
0xc2: {  	[tilespmem:s15], [sflag:$0x2] =	stream.indirect.gather [hbm4b:s2+s10], $0x80, s21, s10, $0xb8;
	[tilespmem:$0xF100] =	vst v63  }
.LBB2_9:
0xc3: {  	_ =	sfence.sel $0x180000  }
0xc4: {  	[bflag:$0x0] =	sbarrier.arrive $0xFFFF  }
0xc5: {  	p0 =	sne.s32 s0, $0x0;
	_ =	strace $0x90000047  }
0xc6: {  	s0 =	sadd.s32 @!p0 $0x100000, s1;
	[bflag:$0x2] =	sbarrier.arrive $0xFFFF  }
0xc7: {  	[sflag:s0] =	ssyncadd.tile.s32 @!p0 $0x1;
	_ =	shalt  }
.Lfunc_end2:
_tile_overlayer_lowered:
.L_overlay_start_2:
0xc8: {  	(tag) =	ssettag $0x2  }
0xc9: {  	s0 =	rddreg [dreg:$0x0];
	s2 =	stileid.u32  }
0xca: {  	s1 =	rddreg [dreg:$0x1];
	p0 =	sne.s32 s2, $0x0  }
0xcb: {  	s3 =	rddreg [dreg:$0x2];
	[bflag:$0x3] =	sbarrier.arrive $0xFFFF;
	s2 =	simm.s32 @!p0 $0x1C03  }
0xcc: {  	[timem:s3], [sflag:s2] =	dma.local @!p0 [hbm:s0], s1  }
0xcd: {  	s0 =	simm.s32 @!p0 $0x3  }
0xce: {  	_ =	swait.ge @!p0 [sflag:s0], s1  }
0xcf: {  	s1 =	ssub.s32 @!p0 $0x0, s1;
	[sflag:s0] =	ssyncset.done @!p0 $0x0  }
0xd0: {  	[sflag:s0] =	ssyncadd.s32 @!p0 s1  }
0xd1: {  	[bflag:$0x3] =	sbarrier.arrive $0xFFFF  }
0xd2: {  	_ =	shalt  }

// kernel: kernel.9.cloned.1.call-start
scs
__scs_entry_jumppad:
0x0: {  	(pc) =	sbr.rel $0x88, $3  }
0x1: {  	(tag) =	ssettag $0x0;
	lr =	simm.s32 $0x1  }
0x2: {  	[smem:$0x3F9A] =	sst lr;
	_ =	strace $0xD0000000  }
0x3: {  	_ = 	snop  }
0x4: {  	_ = 	snop  }
0x5: {  	_ = 	snop  }
0x6: {  	_ = 	snop  }
0x7: {  	_ = 	snop  }
__scs_overlays_trampoline_lowered:
0x8: {  	[smem:$0x3FA9] =	sst s0  }
0x9: {  	[smem:$0x3FAA] =	sst s1  }
0xa: {  	[smem:$0x3FAB] =	sst s2  }
0xb: {  	[smem:$0x3FAC] =	sst s3  }
0xc: {  	[smem:$0x3FAD] =	sst s4  }
0xd: {  	[smem:$0x3FAE] =	sst s5  }
0xe: {  	[smem:$0x3FAF] =	sst s6  }
0xf: {  	[smem:$0x3FB0] =	sst s7  }
0x10: {  	[smem:$0x3FB1] =	sst s8  }
0x11: {  	[smem:$0x3FB2] =	sst s9;
	s0 =	simm.s32 @!p0 $0x0  }
0x12: {  	s1 =	sld [smem:$0x3F98];
	s0 =	simm.s32 @p0 $0x1  }
0x13: {  	[smem:$0x3FB3] =	sst s0;
	s0 =	simm.s32 @!p1 $0x0  }
0x14: {  	s2 =	sld [smem:$0x3F97];
	s0 =	simm.s32 @p1 $0x1  }
0x15: {  	[smem:$0x3FB4] =	sst s0;
	s0 =	simm.s32 @!p2 $0x0  }
0x16: {  	s3 =	sld [smem:$0x3FDB];
	s0 =	simm.s32 @p2 $0x1  }
0x17: {  	s4 =	simm.s32 $0x1BF5;
	[smem:$0x3FB6] =	sst s0  }
0x18: {  	s0 =	sld [smem:$0x3F99];
	_ =	swait.ge [sflag:s4], $0x0  }
0x19: {  	s7 =	sld [smem:$0x3F9A]  }
0x1a: {  	s8 =	sadd.s32 $0xFFFFE003, lr  }
0x1b: {  	s9 =	sadd.s32 $0xFFFFFEF7, lr;
	s5 =	simm.s32 $0xFFFFFFFF;
	p2 =	slt.u32 s8, $0xFFFFF086  }
0x1c: {  	p1 =	slt.u32 s9, $0xF7A;
	s5 =	simm.s32 @!p2 $0x0  }
0x1d: {  	s5 =	simm.s32 @p1 $0x1;
	p0 =	seq.s32 s7, s2  }
0x1e: {  	s7 =	smul.u32 @!p0 $0xF7A, s2;
	p2 =	seq.s32 @!p0 s5, $0x0  }
0x1f: {  	s9 =	smul.u32 $0xF7A, s1;
	s8 =	simm.s32 @!p0 $0x1BF5;
	p2 =	por !p2, p0  }
0x20: {  	[sflag:s8] =	ssyncset.s32 @!p0 $0xFFFFF086;
	s6 =	sadd.s32 @!p0 s3, s7;
	s7 =	simm.s32 @!p0 $0x108  }
0x21: {  	s3 =	sadd.s32 s3, s9;
	s6 =	sadd.s32 @!p0 $0x88, s6;
	s7 =	simm.s32 @p2 $0x1082  }
0x22: {  	[simem:s7], [sflag:s8] =	dma.local @!p0 [hbm:s6], $0xF7A  }
0x23: {  	s9 =	sor.u32 $0xD0000000, s2;
	s6 =	simm.s32 $0x108;
	_ =	swait.ge @!p0 [sflag:s8], $0x0  }
0x24: {  	s3 =	sadd.s32 $0x88, s3;
	s6 =	simm.s32 @!p1 $0x1082;
	[sflag:s4] =	ssyncset.s32 $0xFFFFF086  }
0x25: {  	[simem:s6], [sflag:s4] =	dma.local [hbm:s3], $0xF7A  }
0x26: {  	[smem:$0x3F9A] =	sst s1;
	(tag) =	ssettag s2;
	_ =	strace s9  }
0x27: {  	s1 =	sld [smem:$0x3FAA]  }
0x28: {  	s2 =	sld [smem:$0x3FAB]  }
0x29: {  	s4 =	sld [smem:$0x3FAD]  }
0x2a: {  	p0 =	seq.s32 s5, $0x0;
	s5 =	sld [smem:$0x3FAE]  }
0x2b: {  	s6 =	sld [smem:$0x3FAF]  }
0x2c: {  	s7 =	sld [smem:$0x3FB0]  }
0x2d: {  	s3 =	simm.s32 $0x108;
	s8 =	sld [smem:$0x3FB1]  }
0x2e: {  	s3 =	simm.s32 @!p0 $0x1082;
	s9 =	sld [smem:$0x3FB2]  }
0x2f: {  	lr =	sadd.s32 s0, s3;
	s0 =	sld [smem:$0x3FA9]  }
0x30: {  	s3 =	sld [smem:$0x3FAC]  }
0x31: {  	[smem:$0x3FB5] =	sst s10  }
0x32: {  	s10 =	sld [smem:$0x3FB3];
	_ =	sdelay $0x3  }
0x33: {  	p0 =	seq.s32 s10, $0x1;
	s10 =	sld [smem:$0x3FB5];
	_ =	sdelay $0x3  }
0x34: {  	[smem:$0x3FB5] =	sst s10  }
0x35: {  	s10 =	sld [smem:$0x3FB4];
	_ =	sdelay $0x3  }
0x36: {  	p1 =	seq.s32 s10, $0x1;
	s10 =	sld [smem:$0x3FB5];
	_ =	sdelay $0x3  }
0x37: {  	[smem:$0x3FB5] =	sst s10  }
0x38: {  	s10 =	sld [smem:$0x3FB6]  }
0x39: {  	_ = 	snop;
	(pc) =	sbr.ind lr, $3  }
0x3a: {  	_ = 	snop  }
0x3b: {  	_ = 	snop  }
0x3c: {  	p2 =	seq.s32 s10, $0x1;
	s10 =	sld [smem:$0x3FB5]  }
0x3d: {  	_ =	shalt  }
0x3e: {  	_ =	shalt  }
0x3f: {  	_ =	shalt  }
0x40: {  	_ =	shalt  }
0x41: {  	_ =	shalt  }
0x42: {  	_ =	shalt  }
0x43: {  	_ =	shalt  }
0x44: {  	_ =	shalt  }
0x45: {  	_ =	shalt  }
0x46: {  	_ =	shalt  }
0x47: {  	_ =	shalt  }
0x48: {  	_ =	shalt  }
0x49: {  	_ =	shalt  }
0x4a: {  	_ =	shalt  }
0x4b: {  	_ =	shalt  }
0x4c: {  	_ =	shalt  }
0x4d: {  	_ =	shalt  }
0x4e: {  	_ =	shalt  }
0x4f: {  	_ =	shalt  }
0x50: {  	_ =	shalt  }
0x51: {  	_ =	shalt  }
0x52: {  	_ =	shalt  }
0x53: {  	_ =	shalt  }
0x54: {  	_ =	shalt  }
0x55: {  	_ =	shalt  }
0x56: {  	_ =	shalt  }
0x57: {  	_ =	shalt  }
0x58: {  	_ =	shalt  }
0x59: {  	_ =	shalt  }
0x5a: {  	_ =	shalt  }
0x5b: {  	_ =	shalt  }
0x5c: {  	_ =	shalt  }
0x5d: {  	_ =	shalt  }
0x5e: {  	_ =	shalt  }
0x5f: {  	_ =	shalt  }
0x60: {  	_ =	shalt  }
0x61: {  	_ =	shalt  }
0x62: {  	_ =	shalt  }
0x63: {  	_ =	shalt  }
0x64: {  	_ =	shalt  }
0x65: {  	_ =	shalt  }
0x66: {  	_ =	shalt  }
0x67: {  	_ =	shalt  }
0x68: {  	_ =	shalt  }
0x69: {  	_ =	shalt  }
0x6a: {  	_ =	shalt  }
0x6b: {  	_ =	shalt  }
0x6c: {  	_ =	shalt  }
0x6d: {  	_ =	shalt  }
0x6e: {  	_ =	shalt  }
0x6f: {  	_ =	shalt  }
0x70: {  	_ =	shalt  }
0x71: {  	_ =	shalt  }
0x72: {  	_ =	shalt  }
0x73: {  	_ =	shalt  }
0x74: {  	_ =	shalt  }
0x75: {  	_ =	shalt  }
0x76: {  	_ =	shalt  }
0x77: {  	_ =	shalt  }
0x78: {  	_ =	shalt  }
0x79: {  	_ =	shalt  }
0x7a: {  	_ =	shalt  }
0x7b: {  	_ =	shalt  }
0x7c: {  	_ =	shalt  }
0x7d: {  	_ =	shalt  }
0x7e: {  	_ =	shalt  }
0x7f: {  	_ =	shalt  }
0x80: {  	_ =	shalt  }
0x81: {  	_ =	shalt  }
0x82: {  	_ =	shalt  }
0x83: {  	_ =	shalt  }
0x84: {  	_ =	shalt  }
0x85: {  	_ =	shalt  }
0x86: {  	_ =	shalt  }
0x87: {  	_ =	shalt  }
.Lfunc_end0:
.L_simem_size_0:
called_computation.1_lowered:
.L_overlay_start_0:
0x88: {  	s2 =	sld [smem:$0x3FD9]  }
0x89: {  	s3 =	sld [smem:$0x3FFE];
	_ =	sdelay $0x1  }
0x8a: {  	s1 =	srdreg.scid  }
0x8b: {  	s0 =	sand.u32 $0x1, s1  }
0x8c: {  	s17 =	sshll.u32 s0, $0xA;
	s2 =	sadd.s32 s3, s2  }
0x8d: {  	s2 =	sadd.s32 s2, s17  }
0x8e: {  	[smem:$0x3FC1] =	sst s2  }
0x8f: {  	_ = 	snop  }
0x90: {  	(tm) =	ssettm $0x1  }
0x91: {  	s18 =	sld [smem:$0x3FFB];
	_ =	sdelay $0x3  }
0x92: {  	_ =	strace s18  }
0x93: {  	s2 =	sld [smem:$0x3FFC];
	_ =	sdelay $0x3  }
0x94: {  	_ =	strace s2  }
0x95: {  	s2 =	sld [smem:$0x3FFD];
	_ =	sdelay $0x3  }
0x96: {  	_ =	strace s2  }
0x97: {  	_ =	strace $0x8FFFFFFF  }
0x98: {  	s19 =	sld [smem:$0x3FDB];
	_ =	sdelay $0x1  }
0x99: {  	s20 =	simm.s32 $_scs_section_size  }
0x9a: {  	s4 =	simm.s32 $_size__tile_overlayer_lowered;
	s5 =	simm.s32 $_tile_overlayer_lowered  }
0x9b: {  	s6 =	simm.s32 $0x1BFF;
	s21 =	sshll.u32 s5, $0x1;
	s3 =	sadd.s32 s20, s19  }
0x9c: {  	s22 =	simm.s32 $0x0;
	s4 =	sshll.u32 s4, $0x1;
	s5 =	sadd.s32 s21, s3  }
0x9d: {  	[timem:s22], [sflag:s6] =	dma.local [hbm:s5], s4  }
0x9e: {  	_ =	swait.ge [sflag:s6], s4  }
0x9f: {  	s4 =	ssub.s32 $0x0, s4;
	[sflag:s6] =	ssyncset.done $0x0  }
0xa0: {  	[sflag:s6] =	ssyncadd.s32 s4;
	_ =	sdelay $0x1  }
0xa1: {  	s23 =	simm.s32 $0x1B8B  }
0xa2: {  	_ =	swait.ge [sflag:s23], $0x1  }
0xa3: {  	[sflag:s23] =	ssyncset.done $0x0  }
0xa4: {  	[sflag:s23] =	ssyncadd.s32 $0xFFFFFFFF  }
0xa5: {  	s4 =	sld [smem:$0x0]  }
0xa6: {  	s5 =	sand.u32 $0xFFFFFFFE, s1  }
0xa7: {  	p0 =	sne.s32 s1, s5  }
0xa8: {  	s5 =	sshll.u32 @p0 s5, $0xE  }
0xa9: {  	s5 =	sadd.s32 @p0 $0x11B8D, s5;
	s6 =	sshll.u32 @p0 s4, $0x11  }
0xaa: {  	s5 =	sor.u32 @p0 s6, s5  }
0xab: {  	[sflag:s5] =	ssyncadd.remote.s32 @p0 $0x1;
	_ =	sdelay $0x1  }
0xac: {  	s5 =	simm.s32 @p0 $0x1B8D  }
0xad: {  	_ =	swait.eq @p0 [sflag:s5], $0x1  }
0xae: {  	[sflag:s5] =	ssyncadd.s32 @p0 $0xFFFFFFFF  }
0xaf: {  	s6 =	sshll.u32 @!p0 s1, $0xE  }
0xb0: {  	s6 =	sor.u32 @!p0 $0x4000, s6;
	s5 =	simm.s32 @!p0 $0x1B8D  }
0xb1: {  	s4 =	sshll.u32 @!p0 s4, $0x11;
	s6 =	sadd.s32 @!p0 $0x11B8D, s6;
	_ =	swait.eq @!p0 [sflag:s5], $0x1  }
0xb2: {  	s4 =	sor.u32 @!p0 s4, s6;
	[sflag:s5] =	ssyncadd.s32 @!p0 $0xFFFFFFFF  }
0xb3: {  	s25 =	simm.s32 $0x1B8E;
	s24 =	sld [smem:$0x3FFE];
	[sflag:s4] =	ssyncadd.remote.s32 @!p0 $0x1  }
0xb4: {  	s26 =	simm.s32 $execute0_lowered;
	[smem:$0x3FD2] =	sst s25  }
0xb5: {  	s5 =	sshll.u32 s26, $0x1;
	_ =	strace $0x80000049;
	[dreg:$0x1] =	wrdreg $0xFFFFFFFF  }
0xb6: {  	s28 =	simm.s32 $_size_execute0_lowered;
	s3 =	sadd.s32 s3, s5;
	[dreg:$0x0] =	wrdreg $0x0  }
0xb7: {  	s5 =	sshll.u32 s28, $0x1;
	[dreg:$0x2] =	wrdreg s3  }
0xb8: {  	[dreg:$0x3] =	wrdreg s5  }
0xb9: {  	[dreg:$0x4] =	wrdreg $0xC0  }
0xba: {  	_ =	task [dreg:s22], $0x5FFFF  }
0xbb: {  	[dreg:$0x1] =	wrdreg $0xFFFFFFFF  }
0xbc: {  	[dreg:$0x0] =	wrdreg $0x60  }
0xbd: {  	[dreg:$0x2] =	wrdreg s24  }
0xbe: {  	[dreg:$0x3] =	wrdreg $0xA  }
0xbf: {  	_ =	task.clear_ibuf [dreg:s22], $0x4FFFF;
	_ =	strace $0x90000049  }
0xc0: {  	s29 =	simm.s32 $0xA;
	_ =	strace $0x8000004B  }
0xc1: {  	_ =	swait.ge [sflag:s29], $0x1  }
0xc2: {  	[sflag:s29] =	ssyncadd.s32 $0xFFFFFFFF  }
0xc3: {  	_ =	strace $0x9000004B  }
0xc4: {  	_ =	sfence  }
0xc5: {  	s30 =	sld [smem:$0x0];
	_ =	sdelay $0x2  }
0xc6: {  	s31 =	sshll.u32 s1, $0xD;
	s1 =	sshrl.u32 s1, $0x2  }
0xc7: {  	s4 =	sand.u32 $0x4000, s31;
	s1 =	sadd.s32 s1, s30  }
0xc8: {  	s0 =	sor.u32 s4, s0;
	s1 =	sshll.u32 s1, $0x11  }
0xc9: {  	s0 =	sor.u32 s1, s0  }
0xca: {  	s0 =	sadd.s32 $0x8F2B, s0  }
0xcb: {  	[sflag:s0] =	ssyncadd.remote.s32 $0x1  }
0xcc: {  	_ =	sfence.sel $0xFFFF  }
0xcd: {  	[dreg:$0x0] =	wrdreg $0xFFFFFFFF;
	(pc) =	sbr.abs _section_cstart, $3  }
0xce: {  	[dreg:$0x1] =	wrdreg $0xFFFFFFFF  }
0xcf: {  	_ =	task.clear_ibuf [dreg:s22], $0x2FFFF;
	_ =	strace $0x9FFFFFFF  }
0xd0: {  	(tm) =	ssettm $0x7FFFFFFF  }
0xd1: {  	_ =	shalt  }
tec
execute0_lowered:
.L_overlay_start_1:
0x0: {  	(tag) =	ssettag $0x1  }
0x1: {  	s1 =	srdreg.scid;
	s0 =	stileid.u32  }
0x2: {  	s4 =	rddreg [dreg:$0x0];
	s2 =	simm.s32 $0x0;
	s9 =	simm.s32 $0x4B00  }
0x3: {  	s10 =	simm.s32 $0x60;
	s11 =	simm.s32 $0x6500;
	s12 =	simm.s32 $0xC8  }
0x4: {  	s13 =	simm.s32 $0x7D00;
	s14 =	simm.s32 $0x130;
	s15 =	simm.s32 $0x9700  }
0x5: {  	s16 =	simm.s32 $0x1;
	s17 =	simm.s32 $0xAF00;
	s18 =	simm.s32 $0xC900  }
0x6: {  	s19 =	simm.s32 $0x2;
	s3 =	sand.u32 $0x1, s1;
	s5 =	sshll.u32 s0, $0x1  }
0x7: {  	s20 =	simm.s32 $0x3;
	s21 =	simm.s32 $0xE100;
	s5 =	sor.u32 s3, s5  }
0x8: {  	s22 =	simm.s32 $0x0;
	s1 =	rddreg [dreg:$0x1];
	s6 =	smul.u32 $0x4B00, s5  }
0x9: {  	[smem:$0x7FF] =	sst s2;
	s7 =	ssub.s32 $0x2, s3;
	s5 =	smul.u32 $0x600, s5  }
0xa: {  	_ =	strace $0x8000004A;
	s3 =	sadd.s32 $0x5C00, s4;
	s8 =	sshrl.u32 s7, $0x1  }
0xb: {  	s7 =	ssub.s32 s7, s8;
	s6 =	sshrl.u32 s6, $0x3;
	s5 =	sadd.s32 s5, s4  }
0xc: {  	s8 =	simm.s32 $0x68;
	s6 =	sadd.s32 s4, s6;
	s5 =	sadd.s32 $0xE2200, s5  }
0xd: {  	s4 =	sadd.s32 $0xCF600, s6;
	s6 =	smax.u32 s7, $0x1;
	s7 =	simm.s32 $0x4  }
.LBB2_1:
0xe: {  	[tilespmem:s2], [sflag:$0x4] =	stream.linear.gather [hbm4b:s4+s2], $0x4B00, $0x38;
	[tilespmem:$0x11100] =	vst v63  }
0xf: {  	_ =	swait.ge [sflag:s7], $0x4B00  }
0x10: {  	[sflag:s7] =	ssyncset.done $0x0  }
0x11: {  	[sflag:s7] =	ssyncadd.s32 $0xFFFFB500  }
0x12: {  	[tilespmem:s9], [sflag:$0x1] =	stream.indirect.gather [hbm4b:s3+s8], $0x40, s2, s8, $0xb8;
	[tilespmem:$0x11100] =	vst v63  }
0x13: {  	_ = 	snop  }
0x14: {  	[tilespmem:s11], [sflag:$0x1] =	stream.indirect.gather [hbm4b:s3+s10], $0x40, s8, s10, $0xb8;
	[tilespmem:$0x11100] =	vst v63  }
0x15: {  	_ = 	snop  }
0x16: {  	[tilespmem:s13], [sflag:$0x2] =	stream.indirect.gather [hbm4b:s3+s8], $0x40, s12, s8, $0xb8;
	[tilespmem:$0x11100] =	vst v63  }
0x17: {  	s23 =	simm.s32 $0x0  }
0x18: {  	[tilespmem:s15], [sflag:$0x2] =	stream.indirect.gather [hbm4b:s3+s10], $0x40, s14, s10, $0xb8;
	[tilespmem:$0x11100] =	vst v63  }
.LBB2_2:
0x19: {  	s24 =	smul.u32 $0x3, s23;
	_ =	sdelay $0x1  }
0x1a: {  	s24 =	sadd.s32 $0x2, s24  }
0x1b: {  	_ =	swait.ge [sflag:s16], $0x3200;
	s25 =	smul.u32 $0x320, s24  }
0x1c: {  	[sflag:s16] =	ssyncset.done $0x0  }
0x1d: {  	[sflag:s16] =	ssyncadd.s32 $0xFFFFCE00;
	s25 =	sshra.s32 s25, $0x2  }
0x1e: {  	[tilespmem:s17], [sflag:$0x3] =	stream.indirect.gather [hbm4b:s3+s8], $0x40, s25, s8, $0xb8;
	[tilespmem:$0x11100] =	vst v63  }
0x1f: {  	s25 =	sadd.s32 $0x68, s25  }
0x20: {  	[tilespmem:s18], [sflag:$0x3] =	stream.indirect.gather [hbm4b:s3+s10], $0x40, s25, s10, $0xb8;
	[tilespmem:$0x11100] =	vst v63  }
0x21: {  	s25 =	simm.s32 $0x0  }
0x22: {  	v1 =	vld [tilespmem:s25+$0x4B00]  }
0x23: {  	v2 =	vld [tilespmem:s25+$0x4B10]  }
0x24: {  	v9 =	vld [tilespmem:s25+$0x4B50]  }
0x25: {  	v3 =	vld [tilespmem:s25+$0x4B40];
	_ =	sdelay $0x2  }
0x26: {  	v0 =	vimm.f32 $0.0e+00;
	v5 =	vld [tilespmem:s25+$0x4B80];
	v6 =	vshll.u32 v1, $0x10  }
0x27: {  	v4 =	vld [tilespmem:s25+$0x4B90];
	v1 =	vadd.f32 v1, v0;
	v10 =	vadd.f32 v2, v0;
	v14 =	vshll.u32 v9, $0x10  }
0x28: {  	v8 =	vld [tilespmem:s25+$0x4BC0];
	v7 =	vadd.f32 v6, v0;
	v6 =	vshll.u32 v2, $0x10;
	v2 =	vshll.u32 v3, $0x10  }
0x29: {  	v11 =	vadd.f32 v6, v0;
	v6 =	vld [tilespmem:s25+$0x4BD0];
	v12 =	vadd.f32 v3, v1;
	v3 =	vimm.f32 $0.0e+00  }
0x2a: {  	s26 =	simm.s32 $0x400;
	v1 =	vimm.f32 $0.0e+00;
	v13 =	vadd.f32 v2, v7;
	v7 =	vld [tilespmem:s25+$0x4B20];
	v2 =	vimm.f32 $0.0e+00  }
.LBB2_3:
0x2b: {  	p0 =	sne.s32 s26, $0xC400;
	v15 =	vld [tilespmem:s25+$0x4B30];
	v11 =	vadd.f32 v14, v11;
	v9 =	vadd.f32 v9, v10;
	v10 =	vshll.u32 v5, $0x10  }
0x2c: {  	v14 =	vld [tilespmem:s25+$0x4B60];
	v10 =	vadd.f32 v10, v13;
	v5 =	vadd.f32 v5, v12;
	v12 =	vshll.u32 v4, $0x10  }
0x2d: {  	v13 =	vld [tilespmem:s25+$0x4B70];
	v11 =	vadd.f32 v12, v11;
	v4 =	vadd.f32 v4, v9;
	v9 =	vshll.u32 v8, $0x10  }
0x2e: {  	v12 =	vld [tilespmem:s25+$0x4BA0];
	v10 =	vadd.f32 v9, v10;
	v8 =	vadd.f32 v8, v5;
	v5 =	vshll.u32 v6, $0x10  }
0x2f: {  	v9 =	vshll.u32 v7, $0x10;
	v16 =	vld [tilespmem:s25+$0x4BB0];
	v11 =	vadd.f32 v5, v11;
	v6 =	vadd.f32 v6, v4  }
0x30: {  	v2 =	vadd.f32 v7, v2;
	v0 =	vadd.f32 v9, v0;
	v4 =	vshll.u32 v15, $0x10;
	v7 =	vld [tilespmem:s25+$0x4BE0]  }
0x31: {  	v1 =	vadd.f32 v15, v1;
	v3 =	vadd.f32 v4, v3;
	v4 =	vshll.u32 v14, $0x10;
	v15 =	vld [tilespmem:s25+$0x4BF0];
	s25 =	sshra.s32 s26, $0x2  }
0x32: {  	v2 =	vadd.f32 v14, v2;
	v17 =	vld [tilespmem:s25+$0x4B00];
	v0 =	vadd.f32 v4, v0;
	v4 =	vshll.u32 v13, $0x10  }
0x33: {  	v1 =	vadd.f32 v13, v1;
	v14 =	vld [tilespmem:s25+$0x4B10];
	v3 =	vadd.f32 v4, v3;
	v4 =	vshll.u32 v12, $0x10  }
0x34: {  	v2 =	vadd.f32 v12, v2;
	v18 =	vld [tilespmem:s25+$0x4B40];
	v0 =	vadd.f32 v4, v0;
	v4 =	vshll.u32 v16, $0x10  }
0x35: {  	v1 =	vadd.f32 v16, v1;
	v9 =	vld [tilespmem:s25+$0x4B50];
	v3 =	vadd.f32 v4, v3;
	v4 =	vshll.u32 v7, $0x10  }
.Ltmp0:
0x36: {  	v2 =	vadd.f32 v7, v2;
	v5 =	vld [tilespmem:s25+$0x4B80];
	v0 =	vadd.f32 v4, v0;
	v7 =	vshll.u32 v15, $0x10;
	(pc) =	sbr.rel @p0 .LBB2_3-.Ltmp0, $4  }
0x37: {  	v1 =	vadd.f32 v15, v1;
	v12 =	vshll.u32 v17, $0x10;
	v4 =	vld [tilespmem:s25+$0x4B90];
	v3 =	vadd.f32 v7, v3  }
0x38: {  	v15 =	vadd.f32 v17, v8;
	v12 =	vadd.f32 v12, v10;
	v7 =	vshll.u32 v14, $0x10;
	v8 =	vld [tilespmem:s25+$0x4BC0]  }
0x39: {  	v10 =	vadd.f32 v14, v6;
	v11 =	vadd.f32 v7, v11;
	v13 =	vshll.u32 v18, $0x10;
	v6 =	vld [tilespmem:s25+$0x4BD0]  }
0x3a: {  	s26 =	sadd.s32 $0x400, s26;
	v7 =	vld [tilespmem:s25+$0x4B20];
	v13 =	vadd.f32 v13, v12;
	v12 =	vadd.f32 v18, v15;
	v14 =	vshll.u32 v9, $0x10  }
0x3b: {  	v11 =	vadd.f32 v14, v11;
	v14 =	vshll.u32 v5, $0x10  }
0x3c: {  	v15 =	vld [tilespmem:s25+$0x4B30];
	v9 =	vadd.f32 v9, v10;
	v13 =	vadd.f32 v14, v13;
	v14 =	vshll.u32 v4, $0x10  }
0x3d: {  	v10 =	vld [tilespmem:s25+$0x4B60];
	v5 =	vadd.f32 v5, v12;
	v11 =	vadd.f32 v14, v11;
	v14 =	vshll.u32 v8, $0x10  }
0x3e: {  	v12 =	vld [tilespmem:s25+$0x4B70];
	v4 =	vadd.f32 v4, v9;
	v13 =	vadd.f32 v14, v13;
	v14 =	vshll.u32 v6, $0x10  }
0x3f: {  	v5 =	vadd.f32 v8, v5;
	v11 =	vadd.f32 v14, v11  }
0x40: {  	v9 =	vld [tilespmem:s25+$0x4BA0];
	v8 =	vshll.u32 v7, $0x10;
	v4 =	vadd.f32 v6, v4;
	v2 =	vadd.f32 v7, v2  }
0x41: {  	v14 =	vld [tilespmem:s25+$0x4BB0];
	v0 =	vadd.f32 v8, v0;
	v6 =	vshll.u32 v15, $0x10;
	v1 =	vadd.f32 v15, v1  }
0x42: {  	v7 =	vld [tilespmem:s25+$0x4BE0];
	v5 =	vmul.f32 $4.999999890e-03, v5;
	v3 =	vadd.f32 v6, v3;
	v6 =	vshll.u32 v10, $0x10  }
0x43: {  	v2 =	vadd.f32 v10, v2;
	v0 =	vadd.f32 v6, v0;
	v6 =	vshll.u32 v12, $0x10  }
0x44: {  	s31 =	smul.u32 $0x600, s23;
	v8 =	vld [tilespmem:s25+$0x4BF0];
	v4 =	vmul.f32 $4.999999890e-03, v4;
	v1 =	vadd.f32 v12, v1;
	v3 =	vadd.f32 v6, v3  }
0x45: {  	v6 =	vshll.u32 v9, $0x10;
	v2 =	vadd.f32 v9, v2;
	v9 =	vmul.f32 $4.999999890e-03, v13  }
0x46: {  	s25 =	sshra.s32 s31, $0x2;
	v0 =	vadd.f32 v6, v0;
	v6 =	vshll.u32 v14, $0x10;
	v1 =	vadd.f32 v14, v1  }
0x47: {  	[tilespmem:s25+$0xE110] =	vst v5;
	v3 =	vadd.f32 v6, v3;
	v6 =	vshll.u32 v7, $0x10;
	v2 =	vadd.f32 v7, v2  }
0x48: {  	[tilespmem:s25+$0xE130] =	vst v4;
	v0 =	vadd.f32 v6, v0;
	v6 =	vmul.f32 $4.999999890e-03, v11  }
0x49: {  	[tilespmem:s25+$0xE100] =	vst v9;
	v7 =	vshll.u32 v8, $0x10;
	v1 =	vadd.f32 v8, v1;
	v2 =	vmul.f32 $4.999999890e-03, v2  }
0x4a: {  	v3 =	vadd.f32 v7, v3;
	[tilespmem:s25+$0xE120] =	vst v6;
	v0 =	vmul.f32 $4.999999890e-03, v0  }
0x4b: {  	v1 =	vmul.f32 $4.999999890e-03, v1;
	[tilespmem:s25+$0xE150] =	vst v2  }
0x4c: {  	[tilespmem:s25+$0xE140] =	vst v0;
	v0 =	vmul.f32 $4.999999890e-03, v3  }
0x4d: {  	p0 =	seq.s32 s23, $0x1F;
	[tilespmem:s25+$0xE170] =	vst v1  }
0x4e: {  	s26 =	smul.u32 @!p0 $0x960, s23;
	[tilespmem:s25+$0xE160] =	vst v0  }
0x4f: {  	_ =	swait.ge [sflag:s19], $0x3200  }
0x50: {  	s29 =	simm.s32 @!p0 $0x68;
	s26 =	sshra.s32 @!p0 s26, $0x2;
	[sflag:s19] =	ssyncset.done $0x0  }
0x51: {  	s30 =	simm.s32 @!p0 $0x4B00;
	s28 =	sadd.s32 @!p0 $0x258, s26;
	[sflag:s19] =	ssyncadd.s32 $0xFFFFCE00  }
0x52: {  	[tilespmem:s30], [sflag:$0x1] =	stream.indirect.gather @!p0 [hbm4b:s3+s29], $0x40, s28, s29, $0xb8;
	[tilespmem:$0x11100] =	vst v63  }
0x53: {  	s28 =	sadd.s32 @!p0 $0x2C0, s26;
	s29 =	simm.s32 @!p0 $0x60;
	s30 =	simm.s32 @!p0 $0x6500  }
0x54: {  	[tilespmem:s30], [sflag:$0x1] =	stream.indirect.gather @!p0 [hbm4b:s3+s29], $0x40, s28, s29, $0xb8;
	[tilespmem:$0x11100] =	vst v63  }
0x55: {  	s28 =	simm.s32 $0x0  }
0x56: {  	v1 =	vld [tilespmem:s28+$0x7D00]  }
0x57: {  	v2 =	vld [tilespmem:s28+$0x7D10]  }
0x58: {  	v9 =	vld [tilespmem:s28+$0x7D50]  }
0x59: {  	v3 =	vld [tilespmem:s28+$0x7D40];
	_ =	sdelay $0x2  }
0x5a: {  	v0 =	vimm.f32 $0.0e+00;
	v5 =	vld [tilespmem:s28+$0x7D80];
	v6 =	vshll.u32 v1, $0x10  }
0x5b: {  	v4 =	vld [tilespmem:s28+$0x7D90];
	v1 =	vadd.f32 v1, v0;
	v10 =	vadd.f32 v2, v0;
	v14 =	vshll.u32 v9, $0x10  }
0x5c: {  	v8 =	vld [tilespmem:s28+$0x7DC0];
	v7 =	vadd.f32 v6, v0;
	v6 =	vshll.u32 v2, $0x10;
	v2 =	vshll.u32 v3, $0x10  }
0x5d: {  	v11 =	vadd.f32 v6, v0;
	v6 =	vld [tilespmem:s28+$0x7DD0];
	v12 =	vadd.f32 v3, v1;
	v3 =	vimm.f32 $0.0e+00  }
0x5e: {  	s29 =	simm.s32 $0x400;
	v1 =	vimm.f32 $0.0e+00;
	v13 =	vadd.f32 v2, v7;
	v7 =	vld [tilespmem:s28+$0x7D20];
	v2 =	vimm.f32 $0.0e+00  }
.LBB2_5:
0x5f: {  	p1 =	sne.s32 s29, $0xC400;
	v15 =	vld [tilespmem:s28+$0x7D30];
	v11 =	vadd.f32 v14, v11;
	v9 =	vadd.f32 v9, v10;
	v10 =	vshll.u32 v5, $0x10  }
0x60: {  	v14 =	vld [tilespmem:s28+$0x7D60];
	v10 =	vadd.f32 v10, v13;
	v5 =	vadd.f32 v5, v12;
	v12 =	vshll.u32 v4, $0x10  }
0x61: {  	v13 =	vld [tilespmem:s28+$0x7D70];
	v11 =	vadd.f32 v12, v11;
	v4 =	vadd.f32 v4, v9;
	v9 =	vshll.u32 v8, $0x10  }
0x62: {  	v12 =	vld [tilespmem:s28+$0x7DA0];
	v10 =	vadd.f32 v9, v10;
	v8 =	vadd.f32 v8, v5;
	v5 =	vshll.u32 v6, $0x10  }
0x63: {  	v9 =	vshll.u32 v7, $0x10;
	v16 =	vld [tilespmem:s28+$0x7DB0];
	v11 =	vadd.f32 v5, v11;
	v6 =	vadd.f32 v6, v4  }
0x64: {  	v2 =	vadd.f32 v7, v2;
	v0 =	vadd.f32 v9, v0;
	v4 =	vshll.u32 v15, $0x10;
	v7 =	vld [tilespmem:s28+$0x7DE0]  }
0x65: {  	v1 =	vadd.f32 v15, v1;
	v3 =	vadd.f32 v4, v3;
	v4 =	vshll.u32 v14, $0x10;
	v15 =	vld [tilespmem:s28+$0x7DF0];
	s28 =	sshra.s32 s29, $0x2  }
0x66: {  	v2 =	vadd.f32 v14, v2;
	v17 =	vld [tilespmem:s28+$0x7D00];
	v0 =	vadd.f32 v4, v0;
	v4 =	vshll.u32 v13, $0x10  }
0x67: {  	v1 =	vadd.f32 v13, v1;
	v14 =	vld [tilespmem:s28+$0x7D10];
	v3 =	vadd.f32 v4, v3;
	v4 =	vshll.u32 v12, $0x10  }
0x68: {  	v2 =	vadd.f32 v12, v2;
	v18 =	vld [tilespmem:s28+$0x7D40];
	v0 =	vadd.f32 v4, v0;
	v4 =	vshll.u32 v16, $0x10  }
0x69: {  	v1 =	vadd.f32 v16, v1;
	v9 =	vld [tilespmem:s28+$0x7D50];
	v3 =	vadd.f32 v4, v3;
	v4 =	vshll.u32 v7, $0x10  }
.Ltmp1:
0x6a: {  	v2 =	vadd.f32 v7, v2;
	v5 =	vld [tilespmem:s28+$0x7D80];
	v0 =	vadd.f32 v4, v0;
	v7 =	vshll.u32 v15, $0x10;
	(pc) =	sbr.rel @p1 .LBB2_5-.Ltmp1, $4  }
0x6b: {  	v1 =	vadd.f32 v15, v1;
	v12 =	vshll.u32 v17, $0x10;
	v4 =	vld [tilespmem:s28+$0x7D90];
	v3 =	vadd.f32 v7, v3  }
0x6c: {  	v15 =	vadd.f32 v17, v8;
	v12 =	vadd.f32 v12, v10;
	v7 =	vshll.u32 v14, $0x10;
	v8 =	vld [tilespmem:s28+$0x7DC0]  }
0x6d: {  	v10 =	vadd.f32 v14, v6;
	v11 =	vadd.f32 v7, v11;
	v13 =	vshll.u32 v18, $0x10;
	v6 =	vld [tilespmem:s28+$0x7DD0]  }
0x6e: {  	s29 =	sadd.s32 $0x400, s29;
	v7 =	vld [tilespmem:s28+$0x7D20];
	v13 =	vadd.f32 v13, v12;
	v12 =	vadd.f32 v18, v15;
	v14 =	vshll.u32 v9, $0x10  }
0x6f: {  	v11 =	vadd.f32 v14, v11;
	v14 =	vshll.u32 v5, $0x10  }
0x70: {  	v15 =	vld [tilespmem:s28+$0x7D30];
	v9 =	vadd.f32 v9, v10;
	v13 =	vadd.f32 v14, v13;
	v14 =	vshll.u32 v4, $0x10  }
0x71: {  	v10 =	vld [tilespmem:s28+$0x7D60];
	v5 =	vadd.f32 v5, v12;
	v11 =	vadd.f32 v14, v11;
	v14 =	vshll.u32 v8, $0x10  }
0x72: {  	v12 =	vld [tilespmem:s28+$0x7D70];
	v4 =	vadd.f32 v4, v9;
	v13 =	vadd.f32 v14, v13;
	v14 =	vshll.u32 v6, $0x10  }
0x73: {  	v5 =	vadd.f32 v8, v5;
	v11 =	vadd.f32 v14, v11  }
0x74: {  	v9 =	vld [tilespmem:s28+$0x7DA0];
	v8 =	vshll.u32 v7, $0x10;
	v4 =	vadd.f32 v6, v4;
	v2 =	vadd.f32 v7, v2  }
0x75: {  	v14 =	vld [tilespmem:s28+$0x7DB0];
	v0 =	vadd.f32 v8, v0;
	v6 =	vshll.u32 v15, $0x10;
	v1 =	vadd.f32 v15, v1  }
0x76: {  	v7 =	vld [tilespmem:s28+$0x7DE0];
	v5 =	vmul.f32 $4.999999890e-03, v5;
	v3 =	vadd.f32 v6, v3;
	v6 =	vshll.u32 v10, $0x10  }
0x77: {  	v2 =	vadd.f32 v10, v2;
	v0 =	vadd.f32 v6, v0;
	v6 =	vshll.u32 v12, $0x10  }
0x78: {  	v8 =	vld [tilespmem:s28+$0x7DF0];
	v4 =	vmul.f32 $4.999999890e-03, v4;
	v1 =	vadd.f32 v12, v1;
	v3 =	vadd.f32 v6, v3  }
0x79: {  	v6 =	vshll.u32 v9, $0x10;
	v2 =	vadd.f32 v9, v2;
	v9 =	vmul.f32 $4.999999890e-03, v13  }
0x7a: {  	v0 =	vadd.f32 v6, v0;
	v6 =	vshll.u32 v14, $0x10;
	v1 =	vadd.f32 v14, v1  }
0x7b: {  	[tilespmem:s25+$0xE190] =	vst v5;
	v3 =	vadd.f32 v6, v3;
	v6 =	vshll.u32 v7, $0x10;
	v2 =	vadd.f32 v7, v2  }
0x7c: {  	[tilespmem:s25+$0xE1B0] =	vst v4;
	v0 =	vadd.f32 v6, v0;
	v6 =	vmul.f32 $4.999999890e-03, v11  }
0x7d: {  	[tilespmem:s25+$0xE180] =	vst v9;
	v7 =	vshll.u32 v8, $0x10;
	v1 =	vadd.f32 v8, v1;
	v2 =	vmul.f32 $4.999999890e-03, v2  }
0x7e: {  	v3 =	vadd.f32 v7, v3;
	[tilespmem:s25+$0xE1A0] =	vst v6;
	v0 =	vmul.f32 $4.999999890e-03, v0  }
0x7f: {  	v1 =	vmul.f32 $4.999999890e-03, v1;
	[tilespmem:s25+$0xE1D0] =	vst v2  }
0x80: {  	[tilespmem:s25+$0xE1C0] =	vst v0;
	v0 =	vmul.f32 $4.999999890e-03, v3  }
0x81: {  	[tilespmem:s25+$0xE1F0] =	vst v1  }
0x82: {  	[tilespmem:s25+$0xE1E0] =	vst v0  }
0x83: {  	_ =	swait.ge [sflag:s20], $0x3200  }
0x84: {  	s29 =	simm.s32 @!p0 $0x7D00;
	[sflag:s20] =	ssyncset.done $0x0  }
0x85: {  	s28 =	simm.s32 @!p0 $0x68;
	s25 =	sadd.s32 @!p0 $0x320, s26;
	[sflag:s20] =	ssyncadd.s32 $0xFFFFCE00  }
0x86: {  	[tilespmem:s29], [sflag:$0x2] =	stream.indirect.gather @!p0 [hbm4b:s3+s28], $0x40, s25, s28, $0xb8;
	[tilespmem:$0x11100] =	vst v63  }
0x87: {  	s25 =	sadd.s32 @!p0 $0x388, s26;
	s26 =	simm.s32 @!p0 $0x60;
	s28 =	simm.s32 @!p0 $0x9700  }
0x88: {  	[tilespmem:s28], [sflag:$0x2] =	stream.indirect.gather @!p0 [hbm4b:s3+s26], $0x40, s25, s26, $0xb8;
	[tilespmem:$0x11100] =	vst v63  }
0x89: {  	s25 =	simm.s32 $0x0  }
0x8a: {  	v1 =	vld [tilespmem:s25+$0xAF00]  }
0x8b: {  	v2 =	vld [tilespmem:s25+$0xAF10]  }
0x8c: {  	v9 =	vld [tilespmem:s25+$0xAF50]  }
0x8d: {  	v3 =	vld [tilespmem:s25+$0xAF40];
	_ =	sdelay $0x2  }
0x8e: {  	v0 =	vimm.f32 $0.0e+00;
	v5 =	vld [tilespmem:s25+$0xAF80];
	v6 =	vshll.u32 v1, $0x10  }
0x8f: {  	v4 =	vld [tilespmem:s25+$0xAF90];
	v1 =	vadd.f32 v1, v0;
	v10 =	vadd.f32 v2, v0;
	v14 =	vshll.u32 v9, $0x10  }
0x90: {  	v8 =	vld [tilespmem:s25+$0xAFC0];
	v7 =	vadd.f32 v6, v0;
	v6 =	vshll.u32 v2, $0x10;
	v2 =	vshll.u32 v3, $0x10  }
0x91: {  	v11 =	vadd.f32 v6, v0;
	v6 =	vld [tilespmem:s25+$0xAFD0];
	v12 =	vadd.f32 v3, v1;
	v3 =	vimm.f32 $0.0e+00  }
0x92: {  	s26 =	simm.s32 $0x400;
	v1 =	vimm.f32 $0.0e+00;
	v13 =	vadd.f32 v2, v7;
	v7 =	vld [tilespmem:s25+$0xAF20];
	v2 =	vimm.f32 $0.0e+00  }
.LBB2_7:
0x93: {  	p0 =	sne.s32 s26, $0xC400;
	v15 =	vld [tilespmem:s25+$0xAF30];
	v11 =	vadd.f32 v14, v11;
	v9 =	vadd.f32 v9, v10;
	v10 =	vshll.u32 v5, $0x10  }
0x94: {  	v14 =	vld [tilespmem:s25+$0xAF60];
	v10 =	vadd.f32 v10, v13;
	v5 =	vadd.f32 v5, v12;
	v12 =	vshll.u32 v4, $0x10  }
0x95: {  	v13 =	vld [tilespmem:s25+$0xAF70];
	v11 =	vadd.f32 v12, v11;
	v4 =	vadd.f32 v4, v9;
	v9 =	vshll.u32 v8, $0x10  }
0x96: {  	v12 =	vld [tilespmem:s25+$0xAFA0];
	v10 =	vadd.f32 v9, v10;
	v8 =	vadd.f32 v8, v5;
	v5 =	vshll.u32 v6, $0x10  }
0x97: {  	v9 =	vshll.u32 v7, $0x10;
	v16 =	vld [tilespmem:s25+$0xAFB0];
	v11 =	vadd.f32 v5, v11;
	v6 =	vadd.f32 v6, v4  }
0x98: {  	v2 =	vadd.f32 v7, v2;
	v0 =	vadd.f32 v9, v0;
	v4 =	vshll.u32 v15, $0x10;
	v7 =	vld [tilespmem:s25+$0xAFE0]  }
0x99: {  	v1 =	vadd.f32 v15, v1;
	v3 =	vadd.f32 v4, v3;
	v4 =	vshll.u32 v14, $0x10;
	v15 =	vld [tilespmem:s25+$0xAFF0];
	s25 =	sshra.s32 s26, $0x2  }
0x9a: {  	v2 =	vadd.f32 v14, v2;
	v17 =	vld [tilespmem:s25+$0xAF00];
	v0 =	vadd.f32 v4, v0;
	v4 =	vshll.u32 v13, $0x10  }
0x9b: {  	v1 =	vadd.f32 v13, v1;
	v14 =	vld [tilespmem:s25+$0xAF10];
	v3 =	vadd.f32 v4, v3;
	v4 =	vshll.u32 v12, $0x10  }
0x9c: {  	v2 =	vadd.f32 v12, v2;
	v18 =	vld [tilespmem:s25+$0xAF40];
	v0 =	vadd.f32 v4, v0;
	v4 =	vshll.u32 v16, $0x10  }
0x9d: {  	v1 =	vadd.f32 v16, v1;
	v9 =	vld [tilespmem:s25+$0xAF50];
	v3 =	vadd.f32 v4, v3;
	v4 =	vshll.u32 v7, $0x10  }
.Ltmp2:
0x9e: {  	v2 =	vadd.f32 v7, v2;
	v5 =	vld [tilespmem:s25+$0xAF80];
	v0 =	vadd.f32 v4, v0;
	v7 =	vshll.u32 v15, $0x10;
	(pc) =	sbr.rel @p0 .LBB2_7-.Ltmp2, $4  }
0x9f: {  	v1 =	vadd.f32 v15, v1;
	v12 =	vshll.u32 v17, $0x10;
	v4 =	vld [tilespmem:s25+$0xAF90];
	v3 =	vadd.f32 v7, v3  }
0xa0: {  	v15 =	vadd.f32 v17, v8;
	v12 =	vadd.f32 v12, v10;
	v7 =	vshll.u32 v14, $0x10;
	v8 =	vld [tilespmem:s25+$0xAFC0]  }
0xa1: {  	v10 =	vadd.f32 v14, v6;
	v11 =	vadd.f32 v7, v11;
	v13 =	vshll.u32 v18, $0x10;
	v6 =	vld [tilespmem:s25+$0xAFD0]  }
0xa2: {  	s26 =	sadd.s32 $0x400, s26;
	v7 =	vld [tilespmem:s25+$0xAF20];
	v13 =	vadd.f32 v13, v12;
	v12 =	vadd.f32 v18, v15;
	v14 =	vshll.u32 v9, $0x10  }
0xa3: {  	v15 =	vld [tilespmem:s25+$0xAF30]  }
0xa4: {  	v42 =	vld [tilespmem:s25+$0xAF60]  }
0xa5: {  	v11 =	vadd.f32 v14, v11;
	v41 =	vshll.u32 v5, $0x10;
	v9 =	vadd.f32 v9, v10;
	v45 =	vld [tilespmem:s25+$0xAF70]  }
0xa6: {  	v48 =	vld [tilespmem:s25+$0xAFA0];
	v13 =	vadd.f32 v41, v13;
	v43 =	vshll.u32 v4, $0x10;
	v44 =	vadd.f32 v5, v12  }
0xa7: {  	v51 =	vld [tilespmem:s25+$0xAFB0];
	v11 =	vadd.f32 v43, v11;
	v46 =	vshll.u32 v8, $0x10;
	v47 =	vadd.f32 v4, v9  }
0xa8: {  	v13 =	vadd.f32 v46, v13;
	v49 =	vshll.u32 v6, $0x10;
	v5 =	vadd.f32 v8, v44  }
0xa9: {  	v53 =	vld [tilespmem:s25+$0xAFE0];
	v50 =	vshll.u32 v7, $0x10;
	v11 =	vadd.f32 v49, v11;
	v4 =	vadd.f32 v6, v47  }
0xaa: {  	v2 =	vadd.f32 v7, v2;
	v0 =	vadd.f32 v50, v0;
	v52 =	vshll.u32 v15, $0x10  }
0xab: {  	v54 =	vshll.u32 v42, $0x10;
	v1 =	vadd.f32 v15, v1;
	v55 =	vshll.u32 v45, $0x10  }
0xac: {  	v57 =	vshll.u32 v48, $0x10;
	v58 =	vshll.u32 v51, $0x10;
	v2 =	vadd.f32 v42, v2  }
0xad: {  	v56 =	vld [tilespmem:s25+$0xAFF0];
	v59 =	vmul.f32 $4.999999890e-03, v13;
	v3 =	vadd.f32 v52, v3;
	v0 =	vadd.f32 v54, v0  }
0xae: {  	s24 =	sshll.u32 s24, $0x7;
	v60 =	vshll.u32 v53, $0x10;
	v1 =	vadd.f32 v45, v1;
	v2 =	vadd.f32 v48, v2  }
0xaf: {  	s24 =	sand.u32 $0x3FFFFF80, s24;
	v5 =	vmul.f32 $4.999999890e-03, v5;
	v3 =	vadd.f32 v55, v3;
	v0 =	vadd.f32 v57, v0  }
0xb0: {  	v61 =	vmul.f32 $4.999999890e-03, v11;
	[tilespmem:s24+$0xE100] =	vst v59;
	v1 =	vadd.f32 v51, v1;
	v2 =	vadd.f32 v53, v2  }
0xb1: {  	s23 =	sadd.s32 $0x1, s23;
	v4 =	vmul.f32 $4.999999890e-03, v4;
	[tilespmem:s24+$0xE110] =	vst v5;
	v3 =	vadd.f32 v58, v3;
	v0 =	vadd.f32 v60, v0  }
0xb2: {  	p0 =	sne.s32 s23, $0x20;
	v62 =	vshll.u32 v56, $0x10;
	[tilespmem:s24+$0xE120] =	vst v61;
	v1 =	vadd.f32 v56, v1;
	v2 =	vmul.f32 $4.999999890e-03, v2  }
.Ltmp3:
0xb3: {  	[tilespmem:s24+$0xE130] =	vst v4;
	v3 =	vadd.f32 v62, v3;
	v0 =	vmul.f32 $4.999999890e-03, v0;
	(pc) =	sbr.rel @p0 .LBB2_2-.Ltmp3, $4  }
0xb4: {  	v1 =	vmul.f32 $4.999999890e-03, v1;
	[tilespmem:s24+$0xE150] =	vst v2  }
0xb5: {  	v63 =	vmul.f32 $4.999999890e-03, v3;
	[tilespmem:s24+$0xE140] =	vst v0  }
0xb6: {  	[tilespmem:s24+$0xE170] =	vst v1  }
0xb7: {  	[tilespmem:s24+$0xE160] =	vst v63  }
0xb8: {  	s22 =	sadd.s32 $0x1, s22  }
0xb9: {  	p0 =	sne.s32 s22, s6  }
.Ltmp4:
0xba: {  	_ = 	snop;
	(pc) =	sbr.rel @p0 .LBB2_1-.Ltmp4, $4  }
0xbb: {  	[hbm4b:s5+s2] =	stream.linear.scatter [tilespmem:s21], [sflag:$0x4], $0x3000, $0x38;
	[tilespmem:$0x11100] =	vst v63  }
0xbc: {  	_ =	swait.ge [sflag:s7], $0x3000  }
0xbd: {  	[sflag:s7] =	ssyncset.done $0x0  }
0xbe: {  	[sflag:s7] =	ssyncadd.s32 $0xFFFFD000  }
0xbf: {  	_ =	sfence.sel $0x180000  }
0xc0: {  	[bflag:$0x0] =	sbarrier.arrive $0xFFFF  }
0xc1: {  	p0 =	sne.s32 s0, $0x0;
	_ =	strace $0x9000004A  }
0xc2: {  	s0 =	sadd.s32 @!p0 $0x100000, s1;
	[bflag:$0x2] =	sbarrier.arrive $0xFFFF  }
0xc3: {  	[sflag:s0] =	ssyncadd.tile.s32 @!p0 $0x1;
	_ =	shalt  }
.Lfunc_end2:
_tile_overlayer_lowered:
.L_overlay_start_2:
0xc4: {  	(tag) =	ssettag $0x2  }
0xc5: {  	s0 =	rddreg [dreg:$0x0];
	s2 =	stileid.u32  }
0xc6: {  	s1 =	rddreg [dreg:$0x1];
	p0 =	sne.s32 s2, $0x0  }
0xc7: {  	s3 =	rddreg [dreg:$0x2];
	[bflag:$0x3] =	sbarrier.arrive $0xFFFF;
	s2 =	simm.s32 @!p0 $0x1C04  }
0xc8: {  	[timem:s3], [sflag:s2] =	dma.local @!p0 [hbm:s0], s1  }
0xc9: {  	s0 =	simm.s32 @!p0 $0x4  }
0xca: {  	_ =	swait.ge @!p0 [sflag:s0], s1  }
0xcb: {  	s1 =	ssub.s32 @!p0 $0x0, s1;
	[sflag:s0] =	ssyncset.done @!p0 $0x0  }
0xcc: {  	[sflag:s0] =	ssyncadd.s32 @!p0 s1  }
0xcd: {  	[bflag:$0x3] =	sbarrier.arrive $0xFFFF  }
0xce: {  	_ =	shalt  }

</sc_bundles>
